<compile_context>
chip_gen: v7x
topology: tpu7x:2x2x1
jax: 0.10.2.dev20260603
libtpu: 0.0.44.dev20260713+nightly
codegen_flags: <defaults>
</compile_context>

<pallas_src>
import functools

import jax
import jax.numpy as jnp
from jax import lax
from jax.experimental import pallas as pl
from jax.experimental.pallas import tpu as pltpu
from jax.experimental.pallas import tpu_sc as plsc

DIM = 32
BATCH = 16384
NUM_CORES = 2
NUM_SUBCORES = 16
LANES = 16
NUM_WORKERS = NUM_CORES * NUM_SUBCORES
BW = BATCH // NUM_WORKERS
CH = 4
NCHUNK = BW // CH
GROUPS = BW // LANES


def _fire_chunk(t, uidx_v, iidx_v, uembt_hbm, iembt_hbm, ublk, iblk, sem):
    uvec = uidx_v[pl.ds(t * CH, LANES)]
    ivec = iidx_v[pl.ds(t * CH, LANES)]
    for l in range(CH):
        u = uvec[l]
        it = ivec[l]
        u128 = pl.multiple_of((u >> 7) << 7, 128)
        i128 = pl.multiple_of((it >> 7) << 7, 128)
        pltpu.async_copy(uembt_hbm.at[pl.ds(0, DIM), pl.ds(u128, 128)],
                         ublk.at[:, pl.ds(l * 128, 128)], sem)
        pltpu.async_copy(iembt_hbm.at[pl.ds(0, DIM), pl.ds(i128, 128)],
                         iblk.at[:, pl.ds(l * 128, 128)], sem)


def _drain_chunk(uembt_hbm, ublk, iblk, sem):
    dummy = uembt_hbm.at[pl.ds(0, DIM), pl.ds(0, CH * 128)]
    pltpu.make_async_copy(dummy, ublk, sem).wait()
    pltpu.make_async_copy(dummy, iblk, sem).wait()


def _extract_chunk(t, uidx_v, iidx_v, ublk, iblk, pcomp):
    cvec = lax.iota(jnp.int32, LANES)
    uvec = uidx_v[pl.ds(t * CH, LANES)]
    ivec = iidx_v[pl.ds(t * CH, LANES)]
    for l in range(CH):
        ucol = jnp.full((LANES,), l * 128, jnp.int32) + (uvec[l] & 127)
        icol = jnp.full((LANES,), l * 128, jnp.int32) + (ivec[l] & 127)
        dst = (t * CH + l) * DIM
        pcomp[pl.ds(dst, LANES)] = (
            plsc.load_gather(ublk, [cvec, ucol])
            * plsc.load_gather(iblk, [cvec, icol]))
        pcomp[pl.ds(dst + LANES, LANES)] = (
            plsc.load_gather(ublk, [cvec + LANES, ucol])
            * plsc.load_gather(iblk, [cvec + LANES, icol]))


def _dot_group(g, pcomp, out_v):
    lane = lax.iota(jnp.int32, LANES)
    flat_base = (g * LANES + lane) * DIM
    acc = jnp.zeros((LANES,), jnp.float32)
    for d in range(DIM):
        acc = acc + plsc.load_gather(pcomp, [flat_base + d])
    out_v[pl.ds(g * LANES, LANES)] = acc


def _mf_body(uid_hbm, iid_hbm, uembt_hbm, iembt_hbm, out_hbm,
             uidx_v, iidx_v, ublk_a, iblk_a, ublk_b, iblk_b,
             pcomp, out_v, sem_a, sem_b):
    wid = lax.axis_index("s") * NUM_CORES + lax.axis_index("c")
    base = wid * BW

    pltpu.sync_copy(uid_hbm.at[pl.ds(base, BW)], uidx_v.at[pl.ds(0, BW)])
    pltpu.sync_copy(iid_hbm.at[pl.ds(base, BW)], iidx_v.at[pl.ds(0, BW)])

    _fire_chunk(0, uidx_v, iidx_v, uembt_hbm, iembt_hbm, ublk_a, iblk_a,
                sem_a)
    _fire_chunk(1, uidx_v, iidx_v, uembt_hbm, iembt_hbm, ublk_b, iblk_b,
                sem_b)

    def loop_body(j, carry):
        _drain_chunk(uembt_hbm, ublk_a, iblk_a, sem_a)
        _extract_chunk(2 * j, uidx_v, iidx_v, ublk_a, iblk_a, pcomp)
        _fire_chunk(2 * j + 2, uidx_v, iidx_v, uembt_hbm, iembt_hbm,
                    ublk_a, iblk_a, sem_a)
        _drain_chunk(uembt_hbm, ublk_b, iblk_b, sem_b)
        _extract_chunk(2 * j + 1, uidx_v, iidx_v, ublk_b, iblk_b, pcomp)
        _fire_chunk(2 * j + 3, uidx_v, iidx_v, uembt_hbm, iembt_hbm,
                    ublk_b, iblk_b, sem_b)

        @pl.when(j % 2 == 1)
        def _():
            _dot_group((j - 1) // 2, pcomp, out_v)

        return carry

    lax.fori_loop(0, NCHUNK // 2 - 1, loop_body, 0)

    _drain_chunk(uembt_hbm, ublk_a, iblk_a, sem_a)
    _extract_chunk(NCHUNK - 2, uidx_v, iidx_v, ublk_a, iblk_a, pcomp)
    _drain_chunk(uembt_hbm, ublk_b, iblk_b, sem_b)
    _extract_chunk(NCHUNK - 1, uidx_v, iidx_v, ublk_b, iblk_b, pcomp)

    def tail_group(g, carry):
        _dot_group(g, pcomp, out_v)
        return carry

    lax.fori_loop(GROUPS - 2, GROUPS, tail_group, 0)

    pltpu.sync_copy(out_v, out_hbm.at[pl.ds(base, BW)])


@jax.jit
def _mf_sc(uid_batch, iid_batch, user_embedding, item_embedding):
    mesh = plsc.VectorSubcoreMesh(core_axis_name="c", subcore_axis_name="s")
    run = functools.partial(
        pl.kernel,
        out_type=jax.ShapeDtypeStruct((BATCH,), jnp.float32),
        mesh=mesh,
        compiler_params=pltpu.CompilerParams(needs_layout_passes=False),
        scratch_types=[
            pltpu.VMEM((BW + LANES,), jnp.int32),
            pltpu.VMEM((BW + LANES,), jnp.int32),
            pltpu.VMEM((DIM, CH * 128), jnp.float32),
            pltpu.VMEM((DIM, CH * 128), jnp.float32),
            pltpu.VMEM((DIM, CH * 128), jnp.float32),
            pltpu.VMEM((DIM, CH * 128), jnp.float32),
            pltpu.VMEM((BW * DIM,), jnp.float32),
            pltpu.VMEM((BW,), jnp.float32),
            pltpu.SemaphoreType.DMA,
            pltpu.SemaphoreType.DMA,
        ],
    )(_mf_body)
    return run(uid_batch, iid_batch, user_embedding.T, item_embedding.T)


def kernel(uid_batch, iid_batch, user_embedding, item_embedding):
    return _mf_sc(uid_batch.astype(jnp.int32), iid_batch.astype(jnp.int32),
                  user_embedding, item_embedding)

# --- scband reference (transcript-rebuilt; emitter-appended) ---
"""Pipeline reference for scband-mf-55087250538561 (READ-ONLY COPY).

The authoritative reference and input builder live on the scoring server;
editing this copy changes nothing except your own understanding.
"""

import jax, jax.numpy as jnp
import numpy as np

NUM_USERS = 1000000
NUM_ITEMS = 1000000
DIM = 32
BATCH = 16384

def setup_inputs(seed: int = 0) -> dict:
    key = jax.random.key(seed)
    k1, k2, k3, k4 = jax.random.split(key, 4)
    uid_batch = jax.random.randint(k1, (BATCH,), 0, NUM_USERS, dtype=jnp.int64) if jax.config.jax_enable_x64 else jax.random.randint(k1, (BATCH,), 0, NUM_USERS, dtype=jnp.int32)
    iid_batch = jax.random.randint(k2, (BATCH,), 0, NUM_ITEMS, dtype=jnp.int32)
    user_embedding = jax.random.normal(k3, (NUM_USERS, DIM), dtype=jnp.float32)
    item_embedding = jax.random.normal(k4, (NUM_ITEMS, DIM), dtype=jnp.float32)
    return {
        "uid_batch": uid_batch,
        "iid_batch": iid_batch,
        "user_embedding": user_embedding,
        "item_embedding": item_embedding,
    }

def reference(uid_batch, iid_batch, user_embedding, item_embedding):
    u_batch = jnp.take(user_embedding, uid_batch, axis=0)
    i_batch = jnp.take(item_embedding, iid_batch, axis=0)
    return jnp.sum(u_batch * i_batch, axis=1)

if __name__ == "__main__":
    import jax
    _d = setup_inputs()
    print(jax.jit(kernel)(*tuple(_d.values())))

</pallas_src>

<mosaic_0001>
#map = affine_map<(d0, d1) -> (0)>
#map1 = affine_map<(d0, d1) -> (0, 0)>
module attributes {stable_mosaic.version = 14 : i64} {
  func.func @_mf_body(%arg0: i32, %arg1: i32, %arg2: memref<16384xi32, #tpu.memory_space<hbm>>, %arg3: memref<16384xi32, #tpu.memory_space<hbm>>, %arg4: memref<32x1000000xf32, #tpu.memory_space<hbm>>, %arg5: memref<32x1000000xf32, #tpu.memory_space<hbm>>, %arg6: memref<16384xf32, #tpu.memory_space<hbm>>, %arg7: memref<528xi32, #tpu.memory_space<vmem>>, %arg8: memref<528xi32, #tpu.memory_space<vmem>>, %arg9: memref<32x512xf32, #tpu.memory_space<vmem>>, %arg10: memref<32x512xf32, #tpu.memory_space<vmem>>, %arg11: memref<32x512xf32, #tpu.memory_space<vmem>>, %arg12: memref<32x512xf32, #tpu.memory_space<vmem>>, %arg13: memref<16384xf32, #tpu.memory_space<vmem>>, %arg14: memref<512xf32, #tpu.memory_space<vmem>>, %arg15: memref<!tpu.dma_semaphore, #tpu.memory_space<semaphore_mem>>, %arg16: memref<!tpu.dma_semaphore, #tpu.memory_space<semaphore_mem>>) attributes {dimension_semantics = [#tpu.dimension_semantics<core_parallel>, #tpu.dimension_semantics<subcore_parallel>], iteration_bounds = array<i64: 2, 16>, scalar_prefetch = 0 : i64, scratch_operands = 10 : i64, tpu.core_type = #tpu.core_type<sc_vector_subcore>, window_params = [{transform_indices = #map}, {transform_indices = #map}, {transform_indices = #map1}, {transform_indices = #map1}, {transform_indices = #map}]} {
    %mul3A = arith.constant 2 : i32
    %mul3A_0 = arith.muli %arg1, %mul3A : i32
    %add3A = arith.addi %mul3A_0, %arg0 : i32
    %mul3A_1 = arith.constant 512 : i32
    %mul3A_2 = arith.muli %add3A, %mul3A_1 : i32
    "tpu.region"() ({
      %run_scoped3A = tpu.sem_alloc : memref<!tpu.dma_semaphore, #tpu.memory_space<semaphore_mem>>
      %dma_start3A_571 = arith.constant 0 : i32
      %dma_start3A_572 = tpu.memref_slice %arg7[%dma_start3A_571] : memref<528xi32, #tpu.memory_space<vmem>> -> memref<512xi32, #tpu.memory_space<vmem>>
      %dma_start3A_573 = tpu.memref_slice %arg2[%mul3A_2] : memref<16384xi32, #tpu.memory_space<hbm>> -> memref<512xi32, #tpu.memory_space<hbm>>
      %dma_start3A_574 = arith.constant 0 : i32
      %dma_start3A_575 = tpu.memref_slice %arg7[%dma_start3A_574] : memref<528xi32, #tpu.memory_space<vmem>> -> memref<512xi32, #tpu.memory_space<vmem>>
      %dma_start3A_576 = tpu.memref_slice %arg2[%mul3A_2] : memref<16384xi32, #tpu.memory_space<hbm>> -> memref<512xi32, #tpu.memory_space<hbm>>
      tpu.enqueue_dma source(%dma_start3A_576 : memref<512xi32, #tpu.memory_space<hbm>>) target(%dma_start3A_575 : memref<512xi32, #tpu.memory_space<vmem>>) target_semaphore(%run_scoped3A : memref<!tpu.dma_semaphore, #tpu.memory_space<semaphore_mem>>)
      %dma_wait3A_577 = arith.constant 0 : i32
      %dma_wait3A_578 = tpu.memref_slice %arg7[%dma_wait3A_577] : memref<528xi32, #tpu.memory_space<vmem>> -> memref<512xi32, #tpu.memory_space<vmem>>
      %dma_wait3A_579 = tpu.memref_slice %arg2[%mul3A_2] : memref<16384xi32, #tpu.memory_space<hbm>> -> memref<512xi32, #tpu.memory_space<hbm>>
      %dma_wait3A_580 = arith.constant 0 : i32
      %dma_wait3A_581 = tpu.memref_slice %arg7[%dma_wait3A_580] : memref<528xi32, #tpu.memory_space<vmem>> -> memref<512xi32, #tpu.memory_space<vmem>>
      %dma_wait3A_582 = tpu.memref_slice %arg2[%mul3A_2] : memref<16384xi32, #tpu.memory_space<hbm>> -> memref<512xi32, #tpu.memory_space<hbm>>
      tpu.wait_dma2 semaphore(%run_scoped3A : memref<!tpu.dma_semaphore, #tpu.memory_space<semaphore_mem>>) src(%dma_wait3A_582 : memref<512xi32, #tpu.memory_space<hbm>>) dst(%dma_wait3A_581 : memref<512xi32, #tpu.memory_space<vmem>>)
      tpu.yield
    }) : () -> ()
    "tpu.region"() ({
      %run_scoped3A = tpu.sem_alloc : memref<!tpu.dma_semaphore, #tpu.memory_space<semaphore_mem>>
      %dma_start3A_571 = arith.constant 0 : i32
      %dma_start3A_572 = tpu.memref_slice %arg8[%dma_start3A_571] : memref<528xi32, #tpu.memory_space<vmem>> -> memref<512xi32, #tpu.memory_space<vmem>>
      %dma_start3A_573 = tpu.memref_slice %arg3[%mul3A_2] : memref<16384xi32, #tpu.memory_space<hbm>> -> memref<512xi32, #tpu.memory_space<hbm>>
      %dma_start3A_574 = arith.constant 0 : i32
      %dma_start3A_575 = tpu.memref_slice %arg8[%dma_start3A_574] : memref<528xi32, #tpu.memory_space<vmem>> -> memref<512xi32, #tpu.memory_space<vmem>>
      %dma_start3A_576 = tpu.memref_slice %arg3[%mul3A_2] : memref<16384xi32, #tpu.memory_space<hbm>> -> memref<512xi32, #tpu.memory_space<hbm>>
      tpu.enqueue_dma source(%dma_start3A_576 : memref<512xi32, #tpu.memory_space<hbm>>) target(%dma_start3A_575 : memref<512xi32, #tpu.memory_space<vmem>>) target_semaphore(%run_scoped3A : memref<!tpu.dma_semaphore, #tpu.memory_space<semaphore_mem>>)
      %dma_wait3A_577 = arith.constant 0 : i32
      %dma_wait3A_578 = tpu.memref_slice %arg8[%dma_wait3A_577] : memref<528xi32, #tpu.memory_space<vmem>> -> memref<512xi32, #tpu.memory_space<vmem>>
      %dma_wait3A_579 = tpu.memref_slice %arg3[%mul3A_2] : memref<16384xi32, #tpu.memory_space<hbm>> -> memref<512xi32, #tpu.memory_space<hbm>>
      %dma_wait3A_580 = arith.constant 0 : i32
      %dma_wait3A_581 = tpu.memref_slice %arg8[%dma_wait3A_580] : memref<528xi32, #tpu.memory_space<vmem>> -> memref<512xi32, #tpu.memory_space<vmem>>
      %dma_wait3A_582 = tpu.memref_slice %arg3[%mul3A_2] : memref<16384xi32, #tpu.memory_space<hbm>> -> memref<512xi32, #tpu.memory_space<hbm>>
      tpu.wait_dma2 semaphore(%run_scoped3A : memref<!tpu.dma_semaphore, #tpu.memory_space<semaphore_mem>>) src(%dma_wait3A_582 : memref<512xi32, #tpu.memory_space<hbm>>) dst(%dma_wait3A_581 : memref<512xi32, #tpu.memory_space<vmem>>)
      tpu.yield
    }) : () -> ()
    %get3A = arith.constant 0 : index
    %get3A_3 = tpu.vector_load %arg7[%get3A] {strides = array<i32>} : memref<528xi32, #tpu.memory_space<vmem>>, vector<16xi32>,
    %get3A_4 = arith.constant 0 : index
    %get3A_5 = tpu.vector_load %arg8[%get3A_4] {strides = array<i32>} : memref<528xi32, #tpu.memory_space<vmem>>, vector<16xi32>,
    %slice3A = vector.extract_strided_slice %get3A_3 {offsets = [0], sizes = [1], strides = [1]} : vector<16xi32> to vector<1xi32>
    %squeeze3A = vector.extract %slice3A[0] : i32 from vector<1xi32>
    %slice3A_6 = vector.extract_strided_slice %get3A_5 {offsets = [0], sizes = [1], strides = [1]} : vector<16xi32> to vector<1xi32>
    %squeeze3A_7 = vector.extract %slice3A_6[0] : i32 from vector<1xi32>
    %shift_right_arithmetic3A = arith.constant 7 : i32
    %shift_right_arithmetic3A_8 = arith.shrsi %squeeze3A, %shift_right_arithmetic3A : i32
    %shift_left3A = arith.constant 7 : i32
    %shift_left3A_9 = arith.shli %shift_right_arithmetic3A_8, %shift_left3A : i32
    %multiple_of3A = tpu.assume_multiple %shift_left3A_9, 128 : i32
    %shift_right_arithmetic3A_10 = arith.constant 7 : i32
    %shift_right_arithmetic3A_11 = arith.shrsi %squeeze3A_7, %shift_right_arithmetic3A_10 : i32
    %shift_left3A_12 = arith.constant 7 : i32
    %shift_left3A_13 = arith.shli %shift_right_arithmetic3A_11, %shift_left3A_12 : i32
    %multiple_of3A_14 = tpu.assume_multiple %shift_left3A_13, 128 : i32
    %dma_start3A = arith.constant 0 : i32
    %dma_start3A_15 = arith.constant 0 : i32
    %dma_start3A_16 = tpu.memref_slice %arg9[%dma_start3A, %dma_start3A_15] : memref<32x512xf32, #tpu.memory_space<vmem>> -> memref<32x128xf32, #tpu.memory_space<vmem>>
    %dma_start3A_17 = arith.constant 0 : i32
    %dma_start3A_18 = tpu.memref_slice %arg4[%dma_start3A_17, %multiple_of3A] : memref<32x1000000xf32, #tpu.memory_space<hbm>> -> memref<32x128xf32, #tpu.memory_space<hbm>>
    %dma_start3A_19 = arith.constant 0 : i32
    %dma_start3A_20 = arith.constant 0 : i32
    %dma_start3A_21 = tpu.memref_slice %arg9[%dma_start3A_19, %dma_start3A_20] : memref<32x512xf32, #tpu.memory_space<vmem>> -> memref<32x128xf32, #tpu.memory_space<vmem>>
    %dma_start3A_22 = arith.constant 0 : i32
    %dma_start3A_23 = tpu.memref_slice %arg4[%dma_start3A_22, %multiple_of3A] : memref<32x1000000xf32, #tpu.memory_space<hbm>> -> memref<32x128xf32, #tpu.memory_space<hbm>>
    tpu.enqueue_dma source(%dma_start3A_23 : memref<32x128xf32, #tpu.memory_space<hbm>>) target(%dma_start3A_21 : memref<32x128xf32, #tpu.memory_space<vmem>>) target_semaphore(%arg15 : memref<!tpu.dma_semaphore, #tpu.memory_space<semaphore_mem>>)
    %dma_start3A_24 = arith.constant 0 : i32
    %dma_start3A_25 = arith.constant 0 : i32
    %dma_start3A_26 = tpu.memref_slice %arg10[%dma_start3A_24, %dma_start3A_25] : memref<32x512xf32, #tpu.memory_space<vmem>> -> memref<32x128xf32, #tpu.memory_space<vmem>>
    %dma_start3A_27 = arith.constant 0 : i32
    %dma_start3A_28 = tpu.memref_slice %arg5[%dma_start3A_27, %multiple_of3A_14] : memref<32x1000000xf32, #tpu.memory_space<hbm>> -> memref<32x128xf32, #tpu.memory_space<hbm>>
    %dma_start3A_29 = arith.constant 0 : i32
    %dma_start3A_30 = arith.constant 0 : i32
    %dma_start3A_31 = tpu.memref_slice %arg10[%dma_start3A_29, %dma_start3A_30] : memref<32x512xf32, #tpu.memory_space<vmem>> -> memref<32x128xf32, #tpu.memory_space<vmem>>
    %dma_start3A_32 = arith.constant 0 : i32
    %dma_start3A_33 = tpu.memref_slice %arg5[%dma_start3A_32, %multiple_of3A_14] : memref<32x1000000xf32, #tpu.memory_space<hbm>> -> memref<32x128xf32, #tpu.memory_space<hbm>>
    tpu.enqueue_dma source(%dma_start3A_33 : memref<32x128xf32, #tpu.memory_space<hbm>>) target(%dma_start3A_31 : memref<32x128xf32, #tpu.memory_space<vmem>>) target_semaphore(%arg15 : memref<!tpu.dma_semaphore, #tpu.memory_space<semaphore_mem>>)
    %slice3A_34 = vector.extract_strided_slice %get3A_3 {offsets = [1], sizes = [1], strides = [1]} : vector<16xi32> to vector<1xi32>
    %squeeze3A_35 = vector.extract %slice3A_34[0] : i32 from vector<1xi32>
    %slice3A_36 = vector.extract_strided_slice %get3A_5 {offsets = [1], sizes = [1], strides = [1]} : vector<16xi32> to vector<1xi32>
    %squeeze3A_37 = vector.extract %slice3A_36[0] : i32 from vector<1xi32>
    %shift_right_arithmetic3A_38 = arith.constant 7 : i32
    %shift_right_arithmetic3A_39 = arith.shrsi %squeeze3A_35, %shift_right_arithmetic3A_38 : i32
    %shift_left3A_40 = arith.constant 7 : i32
    %shift_left3A_41 = arith.shli %shift_right_arithmetic3A_39, %shift_left3A_40 : i32
    %multiple_of3A_42 = tpu.assume_multiple %shift_left3A_41, 128 : i32
    %shift_right_arithmetic3A_43 = arith.constant 7 : i32
    %shift_right_arithmetic3A_44 = arith.shrsi %squeeze3A_37, %shift_right_arithmetic3A_43 : i32
    %shift_left3A_45 = arith.constant 7 : i32
    %shift_left3A_46 = arith.shli %shift_right_arithmetic3A_44, %shift_left3A_45 : i32
    %multiple_of3A_47 = tpu.assume_multiple %shift_left3A_46, 128 : i32
    %dma_start3A_48 = arith.constant 0 : i32
    %dma_start3A_49 = arith.constant 128 : i32
    %dma_start3A_50 = tpu.memref_slice %arg9[%dma_start3A_48, %dma_start3A_49] : memref<32x512xf32, #tpu.memory_space<vmem>> -> memref<32x128xf32, #tpu.memory_space<vmem>>
    %dma_start3A_51 = arith.constant 0 : i32
    %dma_start3A_52 = tpu.memref_slice %arg4[%dma_start3A_51, %multiple_of3A_42] : memref<32x1000000xf32, #tpu.memory_space<hbm>> -> memref<32x128xf32, #tpu.memory_space<hbm>>
    %dma_start3A_53 = arith.constant 0 : i32
    %dma_start3A_54 = arith.constant 128 : i32
    %dma_start3A_55 = tpu.memref_slice %arg9[%dma_start3A_53, %dma_start3A_54] : memref<32x512xf32, #tpu.memory_space<vmem>> -> memref<32x128xf32, #tpu.memory_space<vmem>>
    %dma_start3A_56 = arith.constant 0 : i32
    %dma_start3A_57 = tpu.memref_slice %arg4[%dma_start3A_56, %multiple_of3A_42] : memref<32x1000000xf32, #tpu.memory_space<hbm>> -> memref<32x128xf32, #tpu.memory_space<hbm>>
    tpu.enqueue_dma source(%dma_start3A_57 : memref<32x128xf32, #tpu.memory_space<hbm>>) target(%dma_start3A_55 : memref<32x128xf32, #tpu.memory_space<vmem>>) target_semaphore(%arg15 : memref<!tpu.dma_semaphore, #tpu.memory_space<semaphore_mem>>)
    %dma_start3A_58 = arith.constant 0 : i32
    %dma_start3A_59 = arith.constant 128 : i32
    %dma_start3A_60 = tpu.memref_slice %arg10[%dma_start3A_58, %dma_start3A_59] : memref<32x512xf32, #tpu.memory_space<vmem>> -> memref<32x128xf32, #tpu.memory_space<vmem>>
    %dma_start3A_61 = arith.constant 0 : i32
    %dma_start3A_62 = tpu.memref_slice %arg5[%dma_start3A_61, %multiple_of3A_47] : memref<32x1000000xf32, #tpu.memory_space<hbm>> -> memref<32x128xf32, #tpu.memory_space<hbm>>
    %dma_start3A_63 = arith.constant 0 : i32
    %dma_start3A_64 = arith.constant 128 : i32
    %dma_start3A_65 = tpu.memref_slice %arg10[%dma_start3A_63, %dma_start3A_64] : memref<32x512xf32, #tpu.memory_space<vmem>> -> memref<32x128xf32, #tpu.memory_space<vmem>>
    %dma_start3A_66 = arith.constant 0 : i32
    %dma_start3A_67 = tpu.memref_slice %arg5[%dma_start3A_66, %multiple_of3A_47] : memref<32x1000000xf32, #tpu.memory_space<hbm>> -> memref<32x128xf32, #tpu.memory_space<hbm>>
    tpu.enqueue_dma source(%dma_start3A_67 : memref<32x128xf32, #tpu.memory_space<hbm>>) target(%dma_start3A_65 : memref<32x128xf32, #tpu.memory_space<vmem>>) target_semaphore(%arg15 : memref<!tpu.dma_semaphore, #tpu.memory_space<semaphore_mem>>)
    %slice3A_68 = vector.extract_strided_slice %get3A_3 {offsets = [2], sizes = [1], strides = [1]} : vector<16xi32> to vector<1xi32>
    %squeeze3A_69 = vector.extract %slice3A_68[0] : i32 from vector<1xi32>
    %slice3A_70 = vector.extract_strided_slice %get3A_5 {offsets = [2], sizes = [1], strides = [1]} : vector<16xi32> to vector<1xi32>
    %squeeze3A_71 = vector.extract %slice3A_70[0] : i32 from vector<1xi32>
    %shift_right_arithmetic3A_72 = arith.constant 7 : i32
    %shift_right_arithmetic3A_73 = arith.shrsi %squeeze3A_69, %shift_right_arithmetic3A_72 : i32
    %shift_left3A_74 = arith.constant 7 : i32
    %shift_left3A_75 = arith.shli %shift_right_arithmetic3A_73, %shift_left3A_74 : i32
    %multiple_of3A_76 = tpu.assume_multiple %shift_left3A_75, 128 : i32
    %shift_right_arithmetic3A_77 = arith.constant 7 : i32
    %shift_right_arithmetic3A_78 = arith.shrsi %squeeze3A_71, %shift_right_arithmetic3A_77 : i32
    %shift_left3A_79 = arith.constant 7 : i32
    %shift_left3A_80 = arith.shli %shift_right_arithmetic3A_78, %shift_left3A_79 : i32
    %multiple_of3A_81 = tpu.assume_multiple %shift_left3A_80, 128 : i32
    %dma_start3A_82 = arith.constant 0 : i32
    %dma_start3A_83 = arith.constant 256 : i32
    %dma_start3A_84 = tpu.memref_slice %arg9[%dma_start3A_82, %dma_start3A_83] : memref<32x512xf32, #tpu.memory_space<vmem>> -> memref<32x128xf32, #tpu.memory_space<vmem>>
    %dma_start3A_85 = arith.constant 0 : i32
    %dma_start3A_86 = tpu.memref_slice %arg4[%dma_start3A_85, %multiple_of3A_76] : memref<32x1000000xf32, #tpu.memory_space<hbm>> -> memref<32x128xf32, #tpu.memory_space<hbm>>
    %dma_start3A_87 = arith.constant 0 : i32
    %dma_start3A_88 = arith.constant 256 : i32
    %dma_start3A_89 = tpu.memref_slice %arg9[%dma_start3A_87, %dma_start3A_88] : memref<32x512xf32, #tpu.memory_space<vmem>> -> memref<32x128xf32, #tpu.memory_space<vmem>>
    %dma_start3A_90 = arith.constant 0 : i32
    %dma_start3A_91 = tpu.memref_slice %arg4[%dma_start3A_90, %multiple_of3A_76] : memref<32x1000000xf32, #tpu.memory_space<hbm>> -> memref<32x128xf32, #tpu.memory_space<hbm>>
    tpu.enqueue_dma source(%dma_start3A_91 : memref<32x128xf32, #tpu.memory_space<hbm>>) target(%dma_start3A_89 : memref<32x128xf32, #tpu.memory_space<vmem>>) target_semaphore(%arg15 : memref<!tpu.dma_semaphore, #tpu.memory_space<semaphore_mem>>)
    %dma_start3A_92 = arith.constant 0 : i32
    %dma_start3A_93 = arith.constant 256 : i32
    %dma_start3A_94 = tpu.memref_slice %arg10[%dma_start3A_92, %dma_start3A_93] : memref<32x512xf32, #tpu.memory_space<vmem>> -> memref<32x128xf32, #tpu.memory_space<vmem>>
    %dma_start3A_95 = arith.constant 0 : i32
    %dma_start3A_96 = tpu.memref_slice %arg5[%dma_start3A_95, %multiple_of3A_81] : memref<32x1000000xf32, #tpu.memory_space<hbm>> -> memref<32x128xf32, #tpu.memory_space<hbm>>
    %dma_start3A_97 = arith.constant 0 : i32
    %dma_start3A_98 = arith.constant 256 : i32
    %dma_start3A_99 = tpu.memref_slice %arg10[%dma_start3A_97, %dma_start3A_98] : memref<32x512xf32, #tpu.memory_space<vmem>> -> memref<32x128xf32, #tpu.memory_space<vmem>>
    %dma_start3A_100 = arith.constant 0 : i32
    %dma_start3A_101 = tpu.memref_slice %arg5[%dma_start3A_100, %multiple_of3A_81] : memref<32x1000000xf32, #tpu.memory_space<hbm>> -> memref<32x128xf32, #tpu.memory_space<hbm>>
    tpu.enqueue_dma source(%dma_start3A_101 : memref<32x128xf32, #tpu.memory_space<hbm>>) target(%dma_start3A_99 : memref<32x128xf32, #tpu.memory_space<vmem>>) target_semaphore(%arg15 : memref<!tpu.dma_semaphore, #tpu.memory_space<semaphore_mem>>)
    %slice3A_102 = vector.extract_strided_slice %get3A_3 {offsets = [3], sizes = [1], strides = [1]} : vector<16xi32> to vector<1xi32>
    %squeeze3A_103 = vector.extract %slice3A_102[0] : i32 from vector<1xi32>
    %slice3A_104 = vector.extract_strided_slice %get3A_5 {offsets = [3], sizes = [1], strides = [1]} : vector<16xi32> to vector<1xi32>
    %squeeze3A_105 = vector.extract %slice3A_104[0] : i32 from vector<1xi32>
    %shift_right_arithmetic3A_106 = arith.constant 7 : i32
    %shift_right_arithmetic3A_107 = arith.shrsi %squeeze3A_103, %shift_right_arithmetic3A_106 : i32
    %shift_left3A_108 = arith.constant 7 : i32
    %shift_left3A_109 = arith.shli %shift_right_arithmetic3A_107, %shift_left3A_108 : i32
    %multiple_of3A_110 = tpu.assume_multiple %shift_left3A_109, 128 : i32
    %shift_right_arithmetic3A_111 = arith.constant 7 : i32
    %shift_right_arithmetic3A_112 = arith.shrsi %squeeze3A_105, %shift_right_arithmetic3A_111 : i32
    %shift_left3A_113 = arith.constant 7 : i32
    %shift_left3A_114 = arith.shli %shift_right_arithmetic3A_112, %shift_left3A_113 : i32
    %multiple_of3A_115 = tpu.assume_multiple %shift_left3A_114, 128 : i32
    %dma_start3A_116 = arith.constant 0 : i32
    %dma_start3A_117 = arith.constant 384 : i32
    %dma_start3A_118 = tpu.memref_slice %arg9[%dma_start3A_116, %dma_start3A_117] : memref<32x512xf32, #tpu.memory_space<vmem>> -> memref<32x128xf32, #tpu.memory_space<vmem>>
    %dma_start3A_119 = arith.constant 0 : i32
    %dma_start3A_120 = tpu.memref_slice %arg4[%dma_start3A_119, %multiple_of3A_110] : memref<32x1000000xf32, #tpu.memory_space<hbm>> -> memref<32x128xf32, #tpu.memory_space<hbm>>
    %dma_start3A_121 = arith.constant 0 : i32
    %dma_start3A_122 = arith.constant 384 : i32
    %dma_start3A_123 = tpu.memref_slice %arg9[%dma_start3A_121, %dma_start3A_122] : memref<32x512xf32, #tpu.memory_space<vmem>> -> memref<32x128xf32, #tpu.memory_space<vmem>>
    %dma_start3A_124 = arith.constant 0 : i32
    %dma_start3A_125 = tpu.memref_slice %arg4[%dma_start3A_124, %multiple_of3A_110] : memref<32x1000000xf32, #tpu.memory_space<hbm>> -> memref<32x128xf32, #tpu.memory_space<hbm>>
    tpu.enqueue_dma source(%dma_start3A_125 : memref<32x128xf32, #tpu.memory_space<hbm>>) target(%dma_start3A_123 : memref<32x128xf32, #tpu.memory_space<vmem>>) target_semaphore(%arg15 : memref<!tpu.dma_semaphore, #tpu.memory_space<semaphore_mem>>)
    %dma_start3A_126 = arith.constant 0 : i32
    %dma_start3A_127 = arith.constant 384 : i32
    %dma_start3A_128 = tpu.memref_slice %arg10[%dma_start3A_126, %dma_start3A_127] : memref<32x512xf32, #tpu.memory_space<vmem>> -> memref<32x128xf32, #tpu.memory_space<vmem>>
    %dma_start3A_129 = arith.constant 0 : i32
    %dma_start3A_130 = tpu.memref_slice %arg5[%dma_start3A_129, %multiple_of3A_115] : memref<32x1000000xf32, #tpu.memory_space<hbm>> -> memref<32x128xf32, #tpu.memory_space<hbm>>
    %dma_start3A_131 = arith.constant 0 : i32
    %dma_start3A_132 = arith.constant 384 : i32
    %dma_start3A_133 = tpu.memref_slice %arg10[%dma_start3A_131, %dma_start3A_132] : memref<32x512xf32, #tpu.memory_space<vmem>> -> memref<32x128xf32, #tpu.memory_space<vmem>>
    %dma_start3A_134 = arith.constant 0 : i32
    %dma_start3A_135 = tpu.memref_slice %arg5[%dma_start3A_134, %multiple_of3A_115] : memref<32x1000000xf32, #tpu.memory_space<hbm>> -> memref<32x128xf32, #tpu.memory_space<hbm>>
    tpu.enqueue_dma source(%dma_start3A_135 : memref<32x128xf32, #tpu.memory_space<hbm>>) target(%dma_start3A_133 : memref<32x128xf32, #tpu.memory_space<vmem>>) target_semaphore(%arg15 : memref<!tpu.dma_semaphore, #tpu.memory_space<semaphore_mem>>)
    %get3A_136 = arith.constant 4 : index
    %get3A_137 = tpu.vector_load %arg7[%get3A_136] {strides = array<i32>} : memref<528xi32, #tpu.memory_space<vmem>>, vector<16xi32>,
    %get3A_138 = arith.constant 4 : index
    %get3A_139 = tpu.vector_load %arg8[%get3A_138] {strides = array<i32>} : memref<528xi32, #tpu.memory_space<vmem>>, vector<16xi32>,
    %slice3A_140 = vector.extract_strided_slice %get3A_137 {offsets = [0], sizes = [1], strides = [1]} : vector<16xi32> to vector<1xi32>
    %squeeze3A_141 = vector.extract %slice3A_140[0] : i32 from vector<1xi32>
    %slice3A_142 = vector.extract_strided_slice %get3A_139 {offsets = [0], sizes = [1], strides = [1]} : vector<16xi32> to vector<1xi32>
    %squeeze3A_143 = vector.extract %slice3A_142[0] : i32 from vector<1xi32>
    %shift_right_arithmetic3A_144 = arith.constant 7 : i32
    %shift_right_arithmetic3A_145 = arith.shrsi %squeeze3A_141, %shift_right_arithmetic3A_144 : i32
    %shift_left3A_146 = arith.constant 7 : i32
    %shift_left3A_147 = arith.shli %shift_right_arithmetic3A_145, %shift_left3A_146 : i32
    %multiple_of3A_148 = tpu.assume_multiple %shift_left3A_147, 128 : i32
    %shift_right_arithmetic3A_149 = arith.constant 7 : i32
    %shift_right_arithmetic3A_150 = arith.shrsi %squeeze3A_143, %shift_right_arithmetic3A_149 : i32
    %shift_left3A_151 = arith.constant 7 : i32
    %shift_left3A_152 = arith.shli %shift_right_arithmetic3A_150, %shift_left3A_151 : i32
    %multiple_of3A_153 = tpu.assume_multiple %shift_left3A_152, 128 : i32
    %dma_start3A_154 = arith.constant 0 : i32
    %dma_start3A_155 = arith.constant 0 : i32
    %dma_start3A_156 = tpu.memref_slice %arg11[%dma_start3A_154, %dma_start3A_155] : memref<32x512xf32, #tpu.memory_space<vmem>> -> memref<32x128xf32, #tpu.memory_space<vmem>>
    %dma_start3A_157 = arith.constant 0 : i32
    %dma_start3A_158 = tpu.memref_slice %arg4[%dma_start3A_157, %multiple_of3A_148] : memref<32x1000000xf32, #tpu.memory_space<hbm>> -> memref<32x128xf32, #tpu.memory_space<hbm>>
    %dma_start3A_159 = arith.constant 0 : i32
    %dma_start3A_160 = arith.constant 0 : i32
    %dma_start3A_161 = tpu.memref_slice %arg11[%dma_start3A_159, %dma_start3A_160] : memref<32x512xf32, #tpu.memory_space<vmem>> -> memref<32x128xf32, #tpu.memory_space<vmem>>
    %dma_start3A_162 = arith.constant 0 : i32
    %dma_start3A_163 = tpu.memref_slice %arg4[%dma_start3A_162, %multiple_of3A_148] : memref<32x1000000xf32, #tpu.memory_space<hbm>> -> memref<32x128xf32, #tpu.memory_space<hbm>>
    tpu.enqueue_dma source(%dma_start3A_163 : memref<32x128xf32, #tpu.memory_space<hbm>>) target(%dma_start3A_161 : memref<32x128xf32, #tpu.memory_space<vmem>>) target_semaphore(%arg16 : memref<!tpu.dma_semaphore, #tpu.memory_space<semaphore_mem>>)
    %dma_start3A_164 = arith.constant 0 : i32
    %dma_start3A_165 = arith.constant 0 : i32
    %dma_start3A_166 = tpu.memref_slice %arg12[%dma_start3A_164, %dma_start3A_165] : memref<32x512xf32, #tpu.memory_space<vmem>> -> memref<32x128xf32, #tpu.memory_space<vmem>>
    %dma_start3A_167 = arith.constant 0 : i32
    %dma_start3A_168 = tpu.memref_slice %arg5[%dma_start3A_167, %multiple_of3A_153] : memref<32x1000000xf32, #tpu.memory_space<hbm>> -> memref<32x128xf32, #tpu.memory_space<hbm>>
    %dma_start3A_169 = arith.constant 0 : i32
    %dma_start3A_170 = arith.constant 0 : i32
    %dma_start3A_171 = tpu.memref_slice %arg12[%dma_start3A_169, %dma_start3A_170] : memref<32x512xf32, #tpu.memory_space<vmem>> -> memref<32x128xf32, #tpu.memory_space<vmem>>
    %dma_start3A_172 = arith.constant 0 : i32
    %dma_start3A_173 = tpu.memref_slice %arg5[%dma_start3A_172, %multiple_of3A_153] : memref<32x1000000xf32, #tpu.memory_space<hbm>> -> memref<32x128xf32, #tpu.memory_space<hbm>>
    tpu.enqueue_dma source(%dma_start3A_173 : memref<32x128xf32, #tpu.memory_space<hbm>>) target(%dma_start3A_171 : memref<32x128xf32, #tpu.memory_space<vmem>>) target_semaphore(%arg16 : memref<!tpu.dma_semaphore, #tpu.memory_space<semaphore_mem>>)
    %slice3A_174 = vector.extract_strided_slice %get3A_137 {offsets = [1], sizes = [1], strides = [1]} : vector<16xi32> to vector<1xi32>
    %squeeze3A_175 = vector.extract %slice3A_174[0] : i32 from vector<1xi32>
    %slice3A_176 = vector.extract_strided_slice %get3A_139 {offsets = [1], sizes = [1], strides = [1]} : vector<16xi32> to vector<1xi32>
    %squeeze3A_177 = vector.extract %slice3A_176[0] : i32 from vector<1xi32>
    %shift_right_arithmetic3A_178 = arith.constant 7 : i32
    %shift_right_arithmetic3A_179 = arith.shrsi %squeeze3A_175, %shift_right_arithmetic3A_178 : i32
    %shift_left3A_180 = arith.constant 7 : i32
    %shift_left3A_181 = arith.shli %shift_right_arithmetic3A_179, %shift_left3A_180 : i32
    %multiple_of3A_182 = tpu.assume_multiple %shift_left3A_181, 128 : i32
    %shift_right_arithmetic3A_183 = arith.constant 7 : i32
    %shift_right_arithmetic3A_184 = arith.shrsi %squeeze3A_177, %shift_right_arithmetic3A_183 : i32
    %shift_left3A_185 = arith.constant 7 : i32
    %shift_left3A_186 = arith.shli %shift_right_arithmetic3A_184, %shift_left3A_185 : i32
    %multiple_of3A_187 = tpu.assume_multiple %shift_left3A_186, 128 : i32
    %dma_start3A_188 = arith.constant 0 : i32
    %dma_start3A_189 = arith.constant 128 : i32
    %dma_start3A_190 = tpu.memref_slice %arg11[%dma_start3A_188, %dma_start3A_189] : memref<32x512xf32, #tpu.memory_space<vmem>> -> memref<32x128xf32, #tpu.memory_space<vmem>>
    %dma_start3A_191 = arith.constant 0 : i32
    %dma_start3A_192 = tpu.memref_slice %arg4[%dma_start3A_191, %multiple_of3A_182] : memref<32x1000000xf32, #tpu.memory_space<hbm>> -> memref<32x128xf32, #tpu.memory_space<hbm>>
    %dma_start3A_193 = arith.constant 0 : i32
    %dma_start3A_194 = arith.constant 128 : i32
    %dma_start3A_195 = tpu.memref_slice %arg11[%dma_start3A_193, %dma_start3A_194] : memref<32x512xf32, #tpu.memory_space<vmem>> -> memref<32x128xf32, #tpu.memory_space<vmem>>
    %dma_start3A_196 = arith.constant 0 : i32
    %dma_start3A_197 = tpu.memref_slice %arg4[%dma_start3A_196, %multiple_of3A_182] : memref<32x1000000xf32, #tpu.memory_space<hbm>> -> memref<32x128xf32, #tpu.memory_space<hbm>>
    tpu.enqueue_dma source(%dma_start3A_197 : memref<32x128xf32, #tpu.memory_space<hbm>>) target(%dma_start3A_195 : memref<32x128xf32, #tpu.memory_space<vmem>>) target_semaphore(%arg16 : memref<!tpu.dma_semaphore, #tpu.memory_space<semaphore_mem>>)
    %dma_start3A_198 = arith.constant 0 : i32
    %dma_start3A_199 = arith.constant 128 : i32
    %dma_start3A_200 = tpu.memref_slice %arg12[%dma_start3A_198, %dma_start3A_199] : memref<32x512xf32, #tpu.memory_space<vmem>> -> memref<32x128xf32, #tpu.memory_space<vmem>>
    %dma_start3A_201 = arith.constant 0 : i32
    %dma_start3A_202 = tpu.memref_slice %arg5[%dma_start3A_201, %multiple_of3A_187] : memref<32x1000000xf32, #tpu.memory_space<hbm>> -> memref<32x128xf32, #tpu.memory_space<hbm>>
    %dma_start3A_203 = arith.constant 0 : i32
    %dma_start3A_204 = arith.constant 128 : i32
    %dma_start3A_205 = tpu.memref_slice %arg12[%dma_start3A_203, %dma_start3A_204] : memref<32x512xf32, #tpu.memory_space<vmem>> -> memref<32x128xf32, #tpu.memory_space<vmem>>
    %dma_start3A_206 = arith.constant 0 : i32
    %dma_start3A_207 = tpu.memref_slice %arg5[%dma_start3A_206, %multiple_of3A_187] : memref<32x1000000xf32, #tpu.memory_space<hbm>> -> memref<32x128xf32, #tpu.memory_space<hbm>>
    tpu.enqueue_dma source(%dma_start3A_207 : memref<32x128xf32, #tpu.memory_space<hbm>>) target(%dma_start3A_205 : memref<32x128xf32, #tpu.memory_space<vmem>>) target_semaphore(%arg16 : memref<!tpu.dma_semaphore, #tpu.memory_space<semaphore_mem>>)
    %slice3A_208 = vector.extract_strided_slice %get3A_137 {offsets = [2], sizes = [1], strides = [1]} : vector<16xi32> to vector<1xi32>
    %squeeze3A_209 = vector.extract %slice3A_208[0] : i32 from vector<1xi32>
    %slice3A_210 = vector.extract_strided_slice %get3A_139 {offsets = [2], sizes = [1], strides = [1]} : vector<16xi32> to vector<1xi32>
    %squeeze3A_211 = vector.extract %slice3A_210[0] : i32 from vector<1xi32>
    %shift_right_arithmetic3A_212 = arith.constant 7 : i32
    %shift_right_arithmetic3A_213 = arith.shrsi %squeeze3A_209, %shift_right_arithmetic3A_212 : i32
    %shift_left3A_214 = arith.constant 7 : i32
    %shift_left3A_215 = arith.shli %shift_right_arithmetic3A_213, %shift_left3A_214 : i32
    %multiple_of3A_216 = tpu.assume_multiple %shift_left3A_215, 128 : i32
    %shift_right_arithmetic3A_217 = arith.constant 7 : i32
    %shift_right_arithmetic3A_218 = arith.shrsi %squeeze3A_211, %shift_right_arithmetic3A_217 : i32
    %shift_left3A_219 = arith.constant 7 : i32
    %shift_left3A_220 = arith.shli %shift_right_arithmetic3A_218, %shift_left3A_219 : i32
    %multiple_of3A_221 = tpu.assume_multiple %shift_left3A_220, 128 : i32
    %dma_start3A_222 = arith.constant 0 : i32
    %dma_start3A_223 = arith.constant 256 : i32
    %dma_start3A_224 = tpu.memref_slice %arg11[%dma_start3A_222, %dma_start3A_223] : memref<32x512xf32, #tpu.memory_space<vmem>> -> memref<32x128xf32, #tpu.memory_space<vmem>>
    %dma_start3A_225 = arith.constant 0 : i32
    %dma_start3A_226 = tpu.memref_slice %arg4[%dma_start3A_225, %multiple_of3A_216] : memref<32x1000000xf32, #tpu.memory_space<hbm>> -> memref<32x128xf32, #tpu.memory_space<hbm>>
    %dma_start3A_227 = arith.constant 0 : i32
    %dma_start3A_228 = arith.constant 256 : i32
    %dma_start3A_229 = tpu.memref_slice %arg11[%dma_start3A_227, %dma_start3A_228] : memref<32x512xf32, #tpu.memory_space<vmem>> -> memref<32x128xf32, #tpu.memory_space<vmem>>
    %dma_start3A_230 = arith.constant 0 : i32
    %dma_start3A_231 = tpu.memref_slice %arg4[%dma_start3A_230, %multiple_of3A_216] : memref<32x1000000xf32, #tpu.memory_space<hbm>> -> memref<32x128xf32, #tpu.memory_space<hbm>>
    tpu.enqueue_dma source(%dma_start3A_231 : memref<32x128xf32, #tpu.memory_space<hbm>>) target(%dma_start3A_229 : memref<32x128xf32, #tpu.memory_space<vmem>>) target_semaphore(%arg16 : memref<!tpu.dma_semaphore, #tpu.memory_space<semaphore_mem>>)
    %dma_start3A_232 = arith.constant 0 : i32
    %dma_start3A_233 = arith.constant 256 : i32
    %dma_start3A_234 = tpu.memref_slice %arg12[%dma_start3A_232, %dma_start3A_233] : memref<32x512xf32, #tpu.memory_space<vmem>> -> memref<32x128xf32, #tpu.memory_space<vmem>>
    %dma_start3A_235 = arith.constant 0 : i32
    %dma_start3A_236 = tpu.memref_slice %arg5[%dma_start3A_235, %multiple_of3A_221] : memref<32x1000000xf32, #tpu.memory_space<hbm>> -> memref<32x128xf32, #tpu.memory_space<hbm>>
    %dma_start3A_237 = arith.constant 0 : i32
    %dma_start3A_238 = arith.constant 256 : i32
    %dma_start3A_239 = tpu.memref_slice %arg12[%dma_start3A_237, %dma_start3A_238] : memref<32x512xf32, #tpu.memory_space<vmem>> -> memref<32x128xf32, #tpu.memory_space<vmem>>
    %dma_start3A_240 = arith.constant 0 : i32
    %dma_start3A_241 = tpu.memref_slice %arg5[%dma_start3A_240, %multiple_of3A_221] : memref<32x1000000xf32, #tpu.memory_space<hbm>> -> memref<32x128xf32, #tpu.memory_space<hbm>>
    tpu.enqueue_dma source(%dma_start3A_241 : memref<32x128xf32, #tpu.memory_space<hbm>>) target(%dma_start3A_239 : memref<32x128xf32, #tpu.memory_space<vmem>>) target_semaphore(%arg16 : memref<!tpu.dma_semaphore, #tpu.memory_space<semaphore_mem>>)
    %slice3A_242 = vector.extract_strided_slice %get3A_137 {offsets = [3], sizes = [1], strides = [1]} : vector<16xi32> to vector<1xi32>
    %squeeze3A_243 = vector.extract %slice3A_242[0] : i32 from vector<1xi32>
    %slice3A_244 = vector.extract_strided_slice %get3A_139 {offsets = [3], sizes = [1], strides = [1]} : vector<16xi32> to vector<1xi32>
    %squeeze3A_245 = vector.extract %slice3A_244[0] : i32 from vector<1xi32>
    %shift_right_arithmetic3A_246 = arith.constant 7 : i32
    %shift_right_arithmetic3A_247 = arith.shrsi %squeeze3A_243, %shift_right_arithmetic3A_246 : i32
    %shift_left3A_248 = arith.constant 7 : i32
    %shift_left3A_249 = arith.shli %shift_right_arithmetic3A_247, %shift_left3A_248 : i32
    %multiple_of3A_250 = tpu.assume_multiple %shift_left3A_249, 128 : i32
    %shift_right_arithmetic3A_251 = arith.constant 7 : i32
    %shift_right_arithmetic3A_252 = arith.shrsi %squeeze3A_245, %shift_right_arithmetic3A_251 : i32
    %shift_left3A_253 = arith.constant 7 : i32
    %shift_left3A_254 = arith.shli %shift_right_arithmetic3A_252, %shift_left3A_253 : i32
    %multiple_of3A_255 = tpu.assume_multiple %shift_left3A_254, 128 : i32
    %dma_start3A_256 = arith.constant 0 : i32
    %dma_start3A_257 = arith.constant 384 : i32
    %dma_start3A_258 = tpu.memref_slice %arg11[%dma_start3A_256, %dma_start3A_257] : memref<32x512xf32, #tpu.memory_space<vmem>> -> memref<32x128xf32, #tpu.memory_space<vmem>>
    %dma_start3A_259 = arith.constant 0 : i32
    %dma_start3A_260 = tpu.memref_slice %arg4[%dma_start3A_259, %multiple_of3A_250] : memref<32x1000000xf32, #tpu.memory_space<hbm>> -> memref<32x128xf32, #tpu.memory_space<hbm>>
    %dma_start3A_261 = arith.constant 0 : i32
    %dma_start3A_262 = arith.constant 384 : i32
    %dma_start3A_263 = tpu.memref_slice %arg11[%dma_start3A_261, %dma_start3A_262] : memref<32x512xf32, #tpu.memory_space<vmem>> -> memref<32x128xf32, #tpu.memory_space<vmem>>
    %dma_start3A_264 = arith.constant 0 : i32
    %dma_start3A_265 = tpu.memref_slice %arg4[%dma_start3A_264, %multiple_of3A_250] : memref<32x1000000xf32, #tpu.memory_space<hbm>> -> memref<32x128xf32, #tpu.memory_space<hbm>>
    tpu.enqueue_dma source(%dma_start3A_265 : memref<32x128xf32, #tpu.memory_space<hbm>>) target(%dma_start3A_263 : memref<32x128xf32, #tpu.memory_space<vmem>>) target_semaphore(%arg16 : memref<!tpu.dma_semaphore, #tpu.memory_space<semaphore_mem>>)
    %dma_start3A_266 = arith.constant 0 : i32
    %dma_start3A_267 = arith.constant 384 : i32
    %dma_start3A_268 = tpu.memref_slice %arg12[%dma_start3A_266, %dma_start3A_267] : memref<32x512xf32, #tpu.memory_space<vmem>> -> memref<32x128xf32, #tpu.memory_space<vmem>>
    %dma_start3A_269 = arith.constant 0 : i32
    %dma_start3A_270 = tpu.memref_slice %arg5[%dma_start3A_269, %multiple_of3A_255] : memref<32x1000000xf32, #tpu.memory_space<hbm>> -> memref<32x128xf32, #tpu.memory_space<hbm>>
    %dma_start3A_271 = arith.constant 0 : i32
    %dma_start3A_272 = arith.constant 384 : i32
    %dma_start3A_273 = tpu.memref_slice %arg12[%dma_start3A_271, %dma_start3A_272] : memref<32x512xf32, #tpu.memory_space<vmem>> -> memref<32x128xf32, #tpu.memory_space<vmem>>
    %dma_start3A_274 = arith.constant 0 : i32
    %dma_start3A_275 = tpu.memref_slice %arg5[%dma_start3A_274, %multiple_of3A_255] : memref<32x1000000xf32, #tpu.memory_space<hbm>> -> memref<32x128xf32, #tpu.memory_space<hbm>>
    tpu.enqueue_dma source(%dma_start3A_275 : memref<32x128xf32, #tpu.memory_space<hbm>>) target(%dma_start3A_273 : memref<32x128xf32, #tpu.memory_space<vmem>>) target_semaphore(%arg16 : memref<!tpu.dma_semaphore, #tpu.memory_space<semaphore_mem>>)
    %scan3A = arith.constant 0 : i32
    %scan3A_276 = arith.constant 0 : i32
    %scan3A_277 = arith.constant 63 : i32
    %scan3A_278 = arith.addi %scan3A_276, %scan3A_277 : i32
    %scan3A_279 = arith.constant 1 : i32
    scf.for %scan3A_571 = %scan3A_276 to %scan3A_278 step %scan3A_279  : i32 {
      %dma_wait3A_572 = arith.constant 0 : i32
      %dma_wait3A_573 = arith.constant 0 : i32
      %dma_wait3A_574 = tpu.memref_slice %arg4[%dma_wait3A_572, %dma_wait3A_573] : memref<32x1000000xf32, #tpu.memory_space<hbm>> -> memref<32x512xf32, #tpu.memory_space<hbm>>
      %dma_wait3A_575 = arith.constant 0 : i32
      %dma_wait3A_576 = arith.constant 0 : i32
      %dma_wait3A_577 = tpu.memref_slice %arg4[%dma_wait3A_575, %dma_wait3A_576] : memref<32x1000000xf32, #tpu.memory_space<hbm>> -> memref<32x512xf32, #tpu.memory_space<hbm>>
      tpu.wait_dma2 semaphore(%arg15 : memref<!tpu.dma_semaphore, #tpu.memory_space<semaphore_mem>>) src(%dma_wait3A_577 : memref<32x512xf32, #tpu.memory_space<hbm>>) dst(%arg9 : memref<32x512xf32, #tpu.memory_space<vmem>>)
      %dma_wait3A_578 = arith.constant 0 : i32
      %dma_wait3A_579 = arith.constant 0 : i32
      %dma_wait3A_580 = tpu.memref_slice %arg4[%dma_wait3A_578, %dma_wait3A_579] : memref<32x1000000xf32, #tpu.memory_space<hbm>> -> memref<32x512xf32, #tpu.memory_space<hbm>>
      %dma_wait3A_581 = arith.constant 0 : i32
      %dma_wait3A_582 = arith.constant 0 : i32
      %dma_wait3A_583 = tpu.memref_slice %arg4[%dma_wait3A_581, %dma_wait3A_582] : memref<32x1000000xf32, #tpu.memory_space<hbm>> -> memref<32x512xf32, #tpu.memory_space<hbm>>
      tpu.wait_dma2 semaphore(%arg15 : memref<!tpu.dma_semaphore, #tpu.memory_space<semaphore_mem>>) src(%dma_wait3A_583 : memref<32x512xf32, #tpu.memory_space<hbm>>) dst(%arg10 : memref<32x512xf32, #tpu.memory_space<vmem>>)
      %mul3A_584 = arith.constant 2 : i32
      %mul3A_585 = arith.muli %mul3A_584, %scan3A_571 : i32
      %iota3A_586 = tpu.iota {dimensions = array<i32: 0>} : vector<16xi32>
      %mul3A_587 = arith.constant 4 : i32
      %mul3A_588 = arith.muli %mul3A_585, %mul3A_587 : i32
      %get3A_589 = arith.index_cast %mul3A_588 : i32 to index
      %get3A_590 = tpu.vector_load %arg7[%get3A_589] {strides = array<i32>} : memref<528xi32, #tpu.memory_space<vmem>>, vector<16xi32>,
      %mul3A_591 = arith.constant 4 : i32
      %mul3A_592 = arith.muli %mul3A_585, %mul3A_591 : i32
      %get3A_593 = arith.index_cast %mul3A_592 : i32 to index
      %get3A_594 = tpu.vector_load %arg8[%get3A_593] {strides = array<i32>} : memref<528xi32, #tpu.memory_space<vmem>>, vector<16xi32>,
      %broadcast_in_dim3A_595 = arith.constant 0 : i32
      %broadcast_in_dim3A_596 = vector.broadcast %broadcast_in_dim3A_595 : i32 to vector<16xi32>
      %slice3A_597 = vector.extract_strided_slice %get3A_590 {offsets = [0], sizes = [1], strides = [1]} : vector<16xi32> to vector<1xi32>
      %squeeze3A_598 = vector.extract %slice3A_597[0] : i32 from vector<1xi32>
      %and3A_599 = arith.constant 127 : i32
      %and3A_600 = arith.andi %squeeze3A_598, %and3A_599 : i32
      %add3A_601 = vector.broadcast %and3A_600 : i32 to vector<16xi32>
      %add3A_602 = arith.addi %broadcast_in_dim3A_596, %add3A_601 : vector<16xi32>
      %broadcast_in_dim3A_603 = arith.constant 0 : i32
      %broadcast_in_dim3A_604 = vector.broadcast %broadcast_in_dim3A_603 : i32 to vector<16xi32>
      %slice3A_605 = vector.extract_strided_slice %get3A_594 {offsets = [0], sizes = [1], strides = [1]} : vector<16xi32> to vector<1xi32>
      %squeeze3A_606 = vector.extract %slice3A_605[0] : i32 from vector<1xi32>
      %and3A_607 = arith.constant 127 : i32
      %and3A_608 = arith.andi %squeeze3A_606, %and3A_607 : i32
      %add3A_609 = vector.broadcast %and3A_608 : i32 to vector<16xi32>
      %add3A_610 = arith.addi %broadcast_in_dim3A_604, %add3A_609 : vector<16xi32>
      %mul3A_611 = arith.constant 4 : i32
      %mul3A_612 = arith.muli %mul3A_585, %mul3A_611 : i32
      %add3A_613 = arith.constant 0 : i32
      %add3A_614 = arith.addi %mul3A_612, %add3A_613 : i32
      %mul3A_615 = arith.constant 32 : i32
      %mul3A_616 = arith.muli %add3A_614, %mul3A_615 : i32
      %gather3A_617 = tpu.vector_load_idx %arg9[%iota3A_586, %add3A_602] : memref<32x512xf32, #tpu.memory_space<vmem>>[vector<16xi32>, vector<16xi32>], vector<16xf32>,
      %gather3A_618 = tpu.vector_load_idx %arg10[%iota3A_586, %add3A_610] : memref<32x512xf32, #tpu.memory_space<vmem>>[vector<16xi32>, vector<16xi32>], vector<16xf32>,
      %mul3A_619 = arith.mulf %gather3A_617, %gather3A_618 : vector<16xf32>
      %swap3A_620 = arith.index_cast %mul3A_616 : i32 to index
      %swap3A_621 = tpu.vector_load %arg13[%swap3A_620] {strides = array<i32>} : memref<16384xf32, #tpu.memory_space<vmem>>, vector<16xf32>,
      tpu.vector_store %arg13[%swap3A_620], %mul3A_619 {strides = array<i32>} : memref<16384xf32, #tpu.memory_space<vmem>>, vector<16xf32>,
      %add3A_622 = arith.constant 16 : i32
      %add3A_623 = vector.broadcast %add3A_622 : i32 to vector<16xi32>
      %add3A_624 = arith.addi %iota3A_586, %add3A_623 : vector<16xi32>
      %gather3A_625 = tpu.vector_load_idx %arg9[%add3A_624, %add3A_602] : memref<32x512xf32, #tpu.memory_space<vmem>>[vector<16xi32>, vector<16xi32>], vector<16xf32>,
      %add3A_626 = arith.constant 16 : i32
      %add3A_627 = vector.broadcast %add3A_626 : i32 to vector<16xi32>
      %add3A_628 = arith.addi %iota3A_586, %add3A_627 : vector<16xi32>
      %gather3A_629 = tpu.vector_load_idx %arg10[%add3A_628, %add3A_610] : memref<32x512xf32, #tpu.memory_space<vmem>>[vector<16xi32>, vector<16xi32>], vector<16xf32>,
      %mul3A_630 = arith.mulf %gather3A_625, %gather3A_629 : vector<16xf32>
      %add3A_631 = arith.constant 16 : i32
      %add3A_632 = arith.addi %mul3A_616, %add3A_631 : i32
      %swap3A_633 = arith.index_cast %add3A_632 : i32 to index
      %swap3A_634 = tpu.vector_load %arg13[%swap3A_633] {strides = array<i32>} : memref<16384xf32, #tpu.memory_space<vmem>>, vector<16xf32>,
      tpu.vector_store %arg13[%swap3A_633], %mul3A_630 {strides = array<i32>} : memref<16384xf32, #tpu.memory_space<vmem>>, vector<16xf32>,
      %broadcast_in_dim3A_635 = arith.constant 128 : i32
      %broadcast_in_dim3A_636 = vector.broadcast %broadcast_in_dim3A_635 : i32 to vector<16xi32>
      %slice3A_637 = vector.extract_strided_slice %get3A_590 {offsets = [1], sizes = [1], strides = [1]} : vector<16xi32> to vector<1xi32>
      %squeeze3A_638 = vector.extract %slice3A_637[0] : i32 from vector<1xi32>
      %and3A_639 = arith.constant 127 : i32
      %and3A_640 = arith.andi %squeeze3A_638, %and3A_639 : i32
      %add3A_641 = vector.broadcast %and3A_640 : i32 to vector<16xi32>
      %add3A_642 = arith.addi %broadcast_in_dim3A_636, %add3A_641 : vector<16xi32>
      %broadcast_in_dim3A_643 = arith.constant 128 : i32
      %broadcast_in_dim3A_644 = vector.broadcast %broadcast_in_dim3A_643 : i32 to vector<16xi32>
      %slice3A_645 = vector.extract_strided_slice %get3A_594 {offsets = [1], sizes = [1], strides = [1]} : vector<16xi32> to vector<1xi32>
      %squeeze3A_646 = vector.extract %slice3A_645[0] : i32 from vector<1xi32>
      %and3A_647 = arith.constant 127 : i32
      %and3A_648 = arith.andi %squeeze3A_646, %and3A_647 : i32
      %add3A_649 = vector.broadcast %and3A_648 : i32 to vector<16xi32>
      %add3A_650 = arith.addi %broadcast_in_dim3A_644, %add3A_649 : vector<16xi32>
      %mul3A_651 = arith.constant 4 : i32
      %mul3A_652 = arith.muli %mul3A_585, %mul3A_651 : i32
      %add3A_653 = arith.constant 1 : i32
      %add3A_654 = arith.addi %mul3A_652, %add3A_653 : i32
      %mul3A_655 = arith.constant 32 : i32
      %mul3A_656 = arith.muli %add3A_654, %mul3A_655 : i32
      %gather3A_657 = tpu.vector_load_idx %arg9[%iota3A_586, %add3A_642] : memref<32x512xf32, #tpu.memory_space<vmem>>[vector<16xi32>, vector<16xi32>], vector<16xf32>,
      %gather3A_658 = tpu.vector_load_idx %arg10[%iota3A_586, %add3A_650] : memref<32x512xf32, #tpu.memory_space<vmem>>[vector<16xi32>, vector<16xi32>], vector<16xf32>,
      %mul3A_659 = arith.mulf %gather3A_657, %gather3A_658 : vector<16xf32>
      %swap3A_660 = arith.index_cast %mul3A_656 : i32 to index
      %swap3A_661 = tpu.vector_load %arg13[%swap3A_660] {strides = array<i32>} : memref<16384xf32, #tpu.memory_space<vmem>>, vector<16xf32>,
      tpu.vector_store %arg13[%swap3A_660], %mul3A_659 {strides = array<i32>} : memref<16384xf32, #tpu.memory_space<vmem>>, vector<16xf32>,
      %add3A_662 = arith.constant 16 : i32
      %add3A_663 = vector.broadcast %add3A_662 : i32 to vector<16xi32>
      %add3A_664 = arith.addi %iota3A_586, %add3A_663 : vector<16xi32>
      %gather3A_665 = tpu.vector_load_idx %arg9[%add3A_664, %add3A_642] : memref<32x512xf32, #tpu.memory_space<vmem>>[vector<16xi32>, vector<16xi32>], vector<16xf32>,
      %add3A_666 = arith.constant 16 : i32
      %add3A_667 = vector.broadcast %add3A_666 : i32 to vector<16xi32>
      %add3A_668 = arith.addi %iota3A_586, %add3A_667 : vector<16xi32>
      %gather3A_669 = tpu.vector_load_idx %arg10[%add3A_668, %add3A_650] : memref<32x512xf32, #tpu.memory_space<vmem>>[vector<16xi32>, vector<16xi32>], vector<16xf32>,
      %mul3A_670 = arith.mulf %gather3A_665, %gather3A_669 : vector<16xf32>
      %add3A_671 = arith.constant 16 : i32
      %add3A_672 = arith.addi %mul3A_656, %add3A_671 : i32
      %swap3A_673 = arith.index_cast %add3A_672 : i32 to index
      %swap3A_674 = tpu.vector_load %arg13[%swap3A_673] {strides = array<i32>} : memref<16384xf32, #tpu.memory_space<vmem>>, vector<16xf32>,
      tpu.vector_store %arg13[%swap3A_673], %mul3A_670 {strides = array<i32>} : memref<16384xf32, #tpu.memory_space<vmem>>, vector<16xf32>,
      %broadcast_in_dim3A_675 = arith.constant 256 : i32
      %broadcast_in_dim3A_676 = vector.broadcast %broadcast_in_dim3A_675 : i32 to vector<16xi32>
      %slice3A_677 = vector.extract_strided_slice %get3A_590 {offsets = [2], sizes = [1], strides = [1]} : vector<16xi32> to vector<1xi32>
      %squeeze3A_678 = vector.extract %slice3A_677[0] : i32 from vector<1xi32>
      %and3A_679 = arith.constant 127 : i32
      %and3A_680 = arith.andi %squeeze3A_678, %and3A_679 : i32
      %add3A_681 = vector.broadcast %and3A_680 : i32 to vector<16xi32>
      %add3A_682 = arith.addi %broadcast_in_dim3A_676, %add3A_681 : vector<16xi32>
      %broadcast_in_dim3A_683 = arith.constant 256 : i32
      %broadcast_in_dim3A_684 = vector.broadcast %broadcast_in_dim3A_683 : i32 to vector<16xi32>
      %slice3A_685 = vector.extract_strided_slice %get3A_594 {offsets = [2], sizes = [1], strides = [1]} : vector<16xi32> to vector<1xi32>
      %squeeze3A_686 = vector.extract %slice3A_685[0] : i32 from vector<1xi32>
      %and3A_687 = arith.constant 127 : i32
      %and3A_688 = arith.andi %squeeze3A_686, %and3A_687 : i32
      %add3A_689 = vector.broadcast %and3A_688 : i32 to vector<16xi32>
      %add3A_690 = arith.addi %broadcast_in_dim3A_684, %add3A_689 : vector<16xi32>
      %mul3A_691 = arith.constant 4 : i32
      %mul3A_692 = arith.muli %mul3A_585, %mul3A_691 : i32
      %add3A_693 = arith.constant 2 : i32
      %add3A_694 = arith.addi %mul3A_692, %add3A_693 : i32
      %mul3A_695 = arith.constant 32 : i32
      %mul3A_696 = arith.muli %add3A_694, %mul3A_695 : i32
      %gather3A_697 = tpu.vector_load_idx %arg9[%iota3A_586, %add3A_682] : memref<32x512xf32, #tpu.memory_space<vmem>>[vector<16xi32>, vector<16xi32>], vector<16xf32>,
      %gather3A_698 = tpu.vector_load_idx %arg10[%iota3A_586, %add3A_690] : memref<32x512xf32, #tpu.memory_space<vmem>>[vector<16xi32>, vector<16xi32>], vector<16xf32>,
      %mul3A_699 = arith.mulf %gather3A_697, %gather3A_698 : vector<16xf32>
      %swap3A_700 = arith.index_cast %mul3A_696 : i32 to index
      %swap3A_701 = tpu.vector_load %arg13[%swap3A_700] {strides = array<i32>} : memref<16384xf32, #tpu.memory_space<vmem>>, vector<16xf32>,
      tpu.vector_store %arg13[%swap3A_700], %mul3A_699 {strides = array<i32>} : memref<16384xf32, #tpu.memory_space<vmem>>, vector<16xf32>,
      %add3A_702 = arith.constant 16 : i32
      %add3A_703 = vector.broadcast %add3A_702 : i32 to vector<16xi32>
      %add3A_704 = arith.addi %iota3A_586, %add3A_703 : vector<16xi32>
      %gather3A_705 = tpu.vector_load_idx %arg9[%add3A_704, %add3A_682] : memref<32x512xf32, #tpu.memory_space<vmem>>[vector<16xi32>, vector<16xi32>], vector<16xf32>,
      %add3A_706 = arith.constant 16 : i32
      %add3A_707 = vector.broadcast %add3A_706 : i32 to vector<16xi32>
      %add3A_708 = arith.addi %iota3A_586, %add3A_707 : vector<16xi32>
      %gather3A_709 = tpu.vector_load_idx %arg10[%add3A_708, %add3A_690] : memref<32x512xf32, #tpu.memory_space<vmem>>[vector<16xi32>, vector<16xi32>], vector<16xf32>,
      %mul3A_710 = arith.mulf %gather3A_705, %gather3A_709 : vector<16xf32>
      %add3A_711 = arith.constant 16 : i32
      %add3A_712 = arith.addi %mul3A_696, %add3A_711 : i32
      %swap3A_713 = arith.index_cast %add3A_712 : i32 to index
      %swap3A_714 = tpu.vector_load %arg13[%swap3A_713] {strides = array<i32>} : memref<16384xf32, #tpu.memory_space<vmem>>, vector<16xf32>,
      tpu.vector_store %arg13[%swap3A_713], %mul3A_710 {strides = array<i32>} : memref<16384xf32, #tpu.memory_space<vmem>>, vector<16xf32>,
      %broadcast_in_dim3A_715 = arith.constant 384 : i32
      %broadcast_in_dim3A_716 = vector.broadcast %broadcast_in_dim3A_715 : i32 to vector<16xi32>
      %slice3A_717 = vector.extract_strided_slice %get3A_590 {offsets = [3], sizes = [1], strides = [1]} : vector<16xi32> to vector<1xi32>
      %squeeze3A_718 = vector.extract %slice3A_717[0] : i32 from vector<1xi32>
      %and3A_719 = arith.constant 127 : i32
      %and3A_720 = arith.andi %squeeze3A_718, %and3A_719 : i32
      %add3A_721 = vector.broadcast %and3A_720 : i32 to vector<16xi32>
      %add3A_722 = arith.addi %broadcast_in_dim3A_716, %add3A_721 : vector<16xi32>
      %broadcast_in_dim3A_723 = arith.constant 384 : i32
      %broadcast_in_dim3A_724 = vector.broadcast %broadcast_in_dim3A_723 : i32 to vector<16xi32>
      %slice3A_725 = vector.extract_strided_slice %get3A_594 {offsets = [3], sizes = [1], strides = [1]} : vector<16xi32> to vector<1xi32>
      %squeeze3A_726 = vector.extract %slice3A_725[0] : i32 from vector<1xi32>
      %and3A_727 = arith.constant 127 : i32
      %and3A_728 = arith.andi %squeeze3A_726, %and3A_727 : i32
      %add3A_729 = vector.broadcast %and3A_728 : i32 to vector<16xi32>
      %add3A_730 = arith.addi %broadcast_in_dim3A_724, %add3A_729 : vector<16xi32>
      %mul3A_731 = arith.constant 4 : i32
      %mul3A_732 = arith.muli %mul3A_585, %mul3A_731 : i32
      %add3A_733 = arith.constant 3 : i32
      %add3A_734 = arith.addi %mul3A_732, %add3A_733 : i32
      %mul3A_735 = arith.constant 32 : i32
      %mul3A_736 = arith.muli %add3A_734, %mul3A_735 : i32
      %gather3A_737 = tpu.vector_load_idx %arg9[%iota3A_586, %add3A_722] : memref<32x512xf32, #tpu.memory_space<vmem>>[vector<16xi32>, vector<16xi32>], vector<16xf32>,
      %gather3A_738 = tpu.vector_load_idx %arg10[%iota3A_586, %add3A_730] : memref<32x512xf32, #tpu.memory_space<vmem>>[vector<16xi32>, vector<16xi32>], vector<16xf32>,
      %mul3A_739 = arith.mulf %gather3A_737, %gather3A_738 : vector<16xf32>
      %swap3A_740 = arith.index_cast %mul3A_736 : i32 to index
      %swap3A_741 = tpu.vector_load %arg13[%swap3A_740] {strides = array<i32>} : memref<16384xf32, #tpu.memory_space<vmem>>, vector<16xf32>,
      tpu.vector_store %arg13[%swap3A_740], %mul3A_739 {strides = array<i32>} : memref<16384xf32, #tpu.memory_space<vmem>>, vector<16xf32>,
      %add3A_742 = arith.constant 16 : i32
      %add3A_743 = vector.broadcast %add3A_742 : i32 to vector<16xi32>
      %add3A_744 = arith.addi %iota3A_586, %add3A_743 : vector<16xi32>
      %gather3A_745 = tpu.vector_load_idx %arg9[%add3A_744, %add3A_722] : memref<32x512xf32, #tpu.memory_space<vmem>>[vector<16xi32>, vector<16xi32>], vector<16xf32>,
      %add3A_746 = arith.constant 16 : i32
      %add3A_747 = vector.broadcast %add3A_746 : i32 to vector<16xi32>
      %add3A_748 = arith.addi %iota3A_586, %add3A_747 : vector<16xi32>
      %gather3A_749 = tpu.vector_load_idx %arg10[%add3A_748, %add3A_730] : memref<32x512xf32, #tpu.memory_space<vmem>>[vector<16xi32>, vector<16xi32>], vector<16xf32>,
      %mul3A_750 = arith.mulf %gather3A_745, %gather3A_749 : vector<16xf32>
      %add3A_751 = arith.constant 16 : i32
      %add3A_752 = arith.addi %mul3A_736, %add3A_751 : i32
      %swap3A_753 = arith.index_cast %add3A_752 : i32 to index
      %swap3A_754 = tpu.vector_load %arg13[%swap3A_753] {strides = array<i32>} : memref<16384xf32, #tpu.memory_space<vmem>>, vector<16xf32>,
      tpu.vector_store %arg13[%swap3A_753], %mul3A_750 {strides = array<i32>} : memref<16384xf32, #tpu.memory_space<vmem>>, vector<16xf32>,
      %mul3A_755 = arith.constant 2 : i32
      %mul3A_756 = arith.muli %mul3A_755, %scan3A_571 : i32
      %add3A_757 = arith.constant 2 : i32
      %add3A_758 = arith.addi %mul3A_756, %add3A_757 : i32
      %mul3A_759 = arith.constant 4 : i32
      %mul3A_760 = arith.muli %add3A_758, %mul3A_759 : i32
      %get3A_761 = arith.index_cast %mul3A_760 : i32 to index
      %get3A_762 = tpu.vector_load %arg7[%get3A_761] {strides = array<i32>} : memref<528xi32, #tpu.memory_space<vmem>>, vector<16xi32>,
      %mul3A_763 = arith.constant 4 : i32
      %mul3A_764 = arith.muli %add3A_758, %mul3A_763 : i32
      %get3A_765 = arith.index_cast %mul3A_764 : i32 to index
      %get3A_766 = tpu.vector_load %arg8[%get3A_765] {strides = array<i32>} : memref<528xi32, #tpu.memory_space<vmem>>, vector<16xi32>,
      %slice3A_767 = vector.extract_strided_slice %get3A_762 {offsets = [0], sizes = [1], strides = [1]} : vector<16xi32> to vector<1xi32>
      %squeeze3A_768 = vector.extract %slice3A_767[0] : i32 from vector<1xi32>
      %slice3A_769 = vector.extract_strided_slice %get3A_766 {offsets = [0], sizes = [1], strides = [1]} : vector<16xi32> to vector<1xi32>
      %squeeze3A_770 = vector.extract %slice3A_769[0] : i32 from vector<1xi32>
      %shift_right_arithmetic3A_771 = arith.constant 7 : i32
      %shift_right_arithmetic3A_772 = arith.shrsi %squeeze3A_768, %shift_right_arithmetic3A_771 : i32
      %shift_left3A_773 = arith.constant 7 : i32
      %shift_left3A_774 = arith.shli %shift_right_arithmetic3A_772, %shift_left3A_773 : i32
      %multiple_of3A_775 = tpu.assume_multiple %shift_left3A_774, 128 : i32
      %shift_right_arithmetic3A_776 = arith.constant 7 : i32
      %shift_right_arithmetic3A_777 = arith.shrsi %squeeze3A_770, %shift_right_arithmetic3A_776 : i32
      %shift_left3A_778 = arith.constant 7 : i32
      %shift_left3A_779 = arith.shli %shift_right_arithmetic3A_777, %shift_left3A_778 : i32
      %multiple_of3A_780 = tpu.assume_multiple %shift_left3A_779, 128 : i32
      %dma_start3A_781 = arith.constant 0 : i32
      %dma_start3A_782 = arith.constant 0 : i32
      %dma_start3A_783 = tpu.memref_slice %arg9[%dma_start3A_781, %dma_start3A_782] : memref<32x512xf32, #tpu.memory_space<vmem>> -> memref<32x128xf32, #tpu.memory_space<vmem>>
      %dma_start3A_784 = arith.constant 0 : i32
      %dma_start3A_785 = tpu.memref_slice %arg4[%dma_start3A_784, %multiple_of3A_775] : memref<32x1000000xf32, #tpu.memory_space<hbm>> -> memref<32x128xf32, #tpu.memory_space<hbm>>
      %dma_start3A_786 = arith.constant 0 : i32
      %dma_start3A_787 = arith.constant 0 : i32
      %dma_start3A_788 = tpu.memref_slice %arg9[%dma_start3A_786, %dma_start3A_787] : memref<32x512xf32, #tpu.memory_space<vmem>> -> memref<32x128xf32, #tpu.memory_space<vmem>>
      %dma_start3A_789 = arith.constant 0 : i32
      %dma_start3A_790 = tpu.memref_slice %arg4[%dma_start3A_789, %multiple_of3A_775] : memref<32x1000000xf32, #tpu.memory_space<hbm>> -> memref<32x128xf32, #tpu.memory_space<hbm>>
      tpu.enqueue_dma source(%dma_start3A_790 : memref<32x128xf32, #tpu.memory_space<hbm>>) target(%dma_start3A_788 : memref<32x128xf32, #tpu.memory_space<vmem>>) target_semaphore(%arg15 : memref<!tpu.dma_semaphore, #tpu.memory_space<semaphore_mem>>)
      %dma_start3A_791 = arith.constant 0 : i32
      %dma_start3A_792 = arith.constant 0 : i32
      %dma_start3A_793 = tpu.memref_slice %arg10[%dma_start3A_791, %dma_start3A_792] : memref<32x512xf32, #tpu.memory_space<vmem>> -> memref<32x128xf32, #tpu.memory_space<vmem>>
      %dma_start3A_794 = arith.constant 0 : i32
      %dma_start3A_795 = tpu.memref_slice %arg5[%dma_start3A_794, %multiple_of3A_780] : memref<32x1000000xf32, #tpu.memory_space<hbm>> -> memref<32x128xf32, #tpu.memory_space<hbm>>
      %dma_start3A_796 = arith.constant 0 : i32
      %dma_start3A_797 = arith.constant 0 : i32
      %dma_start3A_798 = tpu.memref_slice %arg10[%dma_start3A_796, %dma_start3A_797] : memref<32x512xf32, #tpu.memory_space<vmem>> -> memref<32x128xf32, #tpu.memory_space<vmem>>
      %dma_start3A_799 = arith.constant 0 : i32
      %dma_start3A_800 = tpu.memref_slice %arg5[%dma_start3A_799, %multiple_of3A_780] : memref<32x1000000xf32, #tpu.memory_space<hbm>> -> memref<32x128xf32, #tpu.memory_space<hbm>>
      tpu.enqueue_dma source(%dma_start3A_800 : memref<32x128xf32, #tpu.memory_space<hbm>>) target(%dma_start3A_798 : memref<32x128xf32, #tpu.memory_space<vmem>>) target_semaphore(%arg15 : memref<!tpu.dma_semaphore, #tpu.memory_space<semaphore_mem>>)
      %slice3A_801 = vector.extract_strided_slice %get3A_762 {offsets = [1], sizes = [1], strides = [1]} : vector<16xi32> to vector<1xi32>
      %squeeze3A_802 = vector.extract %slice3A_801[0] : i32 from vector<1xi32>
      %slice3A_803 = vector.extract_strided_slice %get3A_766 {offsets = [1], sizes = [1], strides = [1]} : vector<16xi32> to vector<1xi32>
      %squeeze3A_804 = vector.extract %slice3A_803[0] : i32 from vector<1xi32>
      %shift_right_arithmetic3A_805 = arith.constant 7 : i32
      %shift_right_arithmetic3A_806 = arith.shrsi %squeeze3A_802, %shift_right_arithmetic3A_805 : i32
      %shift_left3A_807 = arith.constant 7 : i32
      %shift_left3A_808 = arith.shli %shift_right_arithmetic3A_806, %shift_left3A_807 : i32
      %multiple_of3A_809 = tpu.assume_multiple %shift_left3A_808, 128 : i32
      %shift_right_arithmetic3A_810 = arith.constant 7 : i32
      %shift_right_arithmetic3A_811 = arith.shrsi %squeeze3A_804, %shift_right_arithmetic3A_810 : i32
      %shift_left3A_812 = arith.constant 7 : i32
      %shift_left3A_813 = arith.shli %shift_right_arithmetic3A_811, %shift_left3A_812 : i32
      %multiple_of3A_814 = tpu.assume_multiple %shift_left3A_813, 128 : i32
      %dma_start3A_815 = arith.constant 0 : i32
      %dma_start3A_816 = arith.constant 128 : i32
      %dma_start3A_817 = tpu.memref_slice %arg9[%dma_start3A_815, %dma_start3A_816] : memref<32x512xf32, #tpu.memory_space<vmem>> -> memref<32x128xf32, #tpu.memory_space<vmem>>
      %dma_start3A_818 = arith.constant 0 : i32
      %dma_start3A_819 = tpu.memref_slice %arg4[%dma_start3A_818, %multiple_of3A_809] : memref<32x1000000xf32, #tpu.memory_space<hbm>> -> memref<32x128xf32, #tpu.memory_space<hbm>>
      %dma_start3A_820 = arith.constant 0 : i32
      %dma_start3A_821 = arith.constant 128 : i32
      %dma_start3A_822 = tpu.memref_slice %arg9[%dma_start3A_820, %dma_start3A_821] : memref<32x512xf32, #tpu.memory_space<vmem>> -> memref<32x128xf32, #tpu.memory_space<vmem>>
      %dma_start3A_823 = arith.constant 0 : i32
      %dma_start3A_824 = tpu.memref_slice %arg4[%dma_start3A_823, %multiple_of3A_809] : memref<32x1000000xf32, #tpu.memory_space<hbm>> -> memref<32x128xf32, #tpu.memory_space<hbm>>
      tpu.enqueue_dma source(%dma_start3A_824 : memref<32x128xf32, #tpu.memory_space<hbm>>) target(%dma_start3A_822 : memref<32x128xf32, #tpu.memory_space<vmem>>) target_semaphore(%arg15 : memref<!tpu.dma_semaphore, #tpu.memory_space<semaphore_mem>>)
      %dma_start3A_825 = arith.constant 0 : i32
      %dma_start3A_826 = arith.constant 128 : i32
      %dma_start3A_827 = tpu.memref_slice %arg10[%dma_start3A_825, %dma_start3A_826] : memref<32x512xf32, #tpu.memory_space<vmem>> -> memref<32x128xf32, #tpu.memory_space<vmem>>
      %dma_start3A_828 = arith.constant 0 : i32
      %dma_start3A_829 = tpu.memref_slice %arg5[%dma_start3A_828, %multiple_of3A_814] : memref<32x1000000xf32, #tpu.memory_space<hbm>> -> memref<32x128xf32, #tpu.memory_space<hbm>>
      %dma_start3A_830 = arith.constant 0 : i32
      %dma_start3A_831 = arith.constant 128 : i32
      %dma_start3A_832 = tpu.memref_slice %arg10[%dma_start3A_830, %dma_start3A_831] : memref<32x512xf32, #tpu.memory_space<vmem>> -> memref<32x128xf32, #tpu.memory_space<vmem>>
      %dma_start3A_833 = arith.constant 0 : i32
      %dma_start3A_834 = tpu.memref_slice %arg5[%dma_start3A_833, %multiple_of3A_814] : memref<32x1000000xf32, #tpu.memory_space<hbm>> -> memref<32x128xf32, #tpu.memory_space<hbm>>
      tpu.enqueue_dma source(%dma_start3A_834 : memref<32x128xf32, #tpu.memory_space<hbm>>) target(%dma_start3A_832 : memref<32x128xf32, #tpu.memory_space<vmem>>) target_semaphore(%arg15 : memref<!tpu.dma_semaphore, #tpu.memory_space<semaphore_mem>>)
      %slice3A_835 = vector.extract_strided_slice %get3A_762 {offsets = [2], sizes = [1], strides = [1]} : vector<16xi32> to vector<1xi32>
      %squeeze3A_836 = vector.extract %slice3A_835[0] : i32 from vector<1xi32>
      %slice3A_837 = vector.extract_strided_slice %get3A_766 {offsets = [2], sizes = [1], strides = [1]} : vector<16xi32> to vector<1xi32>
      %squeeze3A_838 = vector.extract %slice3A_837[0] : i32 from vector<1xi32>
      %shift_right_arithmetic3A_839 = arith.constant 7 : i32
      %shift_right_arithmetic3A_840 = arith.shrsi %squeeze3A_836, %shift_right_arithmetic3A_839 : i32
      %shift_left3A_841 = arith.constant 7 : i32
      %shift_left3A_842 = arith.shli %shift_right_arithmetic3A_840, %shift_left3A_841 : i32
      %multiple_of3A_843 = tpu.assume_multiple %shift_left3A_842, 128 : i32
      %shift_right_arithmetic3A_844 = arith.constant 7 : i32
      %shift_right_arithmetic3A_845 = arith.shrsi %squeeze3A_838, %shift_right_arithmetic3A_844 : i32
      %shift_left3A_846 = arith.constant 7 : i32
      %shift_left3A_847 = arith.shli %shift_right_arithmetic3A_845, %shift_left3A_846 : i32
      %multiple_of3A_848 = tpu.assume_multiple %shift_left3A_847, 128 : i32
      %dma_start3A_849 = arith.constant 0 : i32
      %dma_start3A_850 = arith.constant 256 : i32
      %dma_start3A_851 = tpu.memref_slice %arg9[%dma_start3A_849, %dma_start3A_850] : memref<32x512xf32, #tpu.memory_space<vmem>> -> memref<32x128xf32, #tpu.memory_space<vmem>>
      %dma_start3A_852 = arith.constant 0 : i32
      %dma_start3A_853 = tpu.memref_slice %arg4[%dma_start3A_852, %multiple_of3A_843] : memref<32x1000000xf32, #tpu.memory_space<hbm>> -> memref<32x128xf32, #tpu.memory_space<hbm>>
      %dma_start3A_854 = arith.constant 0 : i32
      %dma_start3A_855 = arith.constant 256 : i32
      %dma_start3A_856 = tpu.memref_slice %arg9[%dma_start3A_854, %dma_start3A_855] : memref<32x512xf32, #tpu.memory_space<vmem>> -> memref<32x128xf32, #tpu.memory_space<vmem>>
      %dma_start3A_857 = arith.constant 0 : i32
      %dma_start3A_858 = tpu.memref_slice %arg4[%dma_start3A_857, %multiple_of3A_843] : memref<32x1000000xf32, #tpu.memory_space<hbm>> -> memref<32x128xf32, #tpu.memory_space<hbm>>
      tpu.enqueue_dma source(%dma_start3A_858 : memref<32x128xf32, #tpu.memory_space<hbm>>) target(%dma_start3A_856 : memref<32x128xf32, #tpu.memory_space<vmem>>) target_semaphore(%arg15 : memref<!tpu.dma_semaphore, #tpu.memory_space<semaphore_mem>>)
      %dma_start3A_859 = arith.constant 0 : i32
      %dma_start3A_860 = arith.constant 256 : i32
      %dma_start3A_861 = tpu.memref_slice %arg10[%dma_start3A_859, %dma_start3A_860] : memref<32x512xf32, #tpu.memory_space<vmem>> -> memref<32x128xf32, #tpu.memory_space<vmem>>
      %dma_start3A_862 = arith.constant 0 : i32
      %dma_start3A_863 = tpu.memref_slice %arg5[%dma_start3A_862, %multiple_of3A_848] : memref<32x1000000xf32, #tpu.memory_space<hbm>> -> memref<32x128xf32, #tpu.memory_space<hbm>>
      %dma_start3A_864 = arith.constant 0 : i32
      %dma_start3A_865 = arith.constant 256 : i32
      %dma_start3A_866 = tpu.memref_slice %arg10[%dma_start3A_864, %dma_start3A_865] : memref<32x512xf32, #tpu.memory_space<vmem>> -> memref<32x128xf32, #tpu.memory_space<vmem>>
      %dma_start3A_867 = arith.constant 0 : i32
      %dma_start3A_868 = tpu.memref_slice %arg5[%dma_start3A_867, %multiple_of3A_848] : memref<32x1000000xf32, #tpu.memory_space<hbm>> -> memref<32x128xf32, #tpu.memory_space<hbm>>
      tpu.enqueue_dma source(%dma_start3A_868 : memref<32x128xf32, #tpu.memory_space<hbm>>) target(%dma_start3A_866 : memref<32x128xf32, #tpu.memory_space<vmem>>) target_semaphore(%arg15 : memref<!tpu.dma_semaphore, #tpu.memory_space<semaphore_mem>>)
      %slice3A_869 = vector.extract_strided_slice %get3A_762 {offsets = [3], sizes = [1], strides = [1]} : vector<16xi32> to vector<1xi32>
      %squeeze3A_870 = vector.extract %slice3A_869[0] : i32 from vector<1xi32>
      %slice3A_871 = vector.extract_strided_slice %get3A_766 {offsets = [3], sizes = [1], strides = [1]} : vector<16xi32> to vector<1xi32>
      %squeeze3A_872 = vector.extract %slice3A_871[0] : i32 from vector<1xi32>
      %shift_right_arithmetic3A_873 = arith.constant 7 : i32
      %shift_right_arithmetic3A_874 = arith.shrsi %squeeze3A_870, %shift_right_arithmetic3A_873 : i32
      %shift_left3A_875 = arith.constant 7 : i32
      %shift_left3A_876 = arith.shli %shift_right_arithmetic3A_874, %shift_left3A_875 : i32
      %multiple_of3A_877 = tpu.assume_multiple %shift_left3A_876, 128 : i32
      %shift_right_arithmetic3A_878 = arith.constant 7 : i32
      %shift_right_arithmetic3A_879 = arith.shrsi %squeeze3A_872, %shift_right_arithmetic3A_878 : i32
      %shift_left3A_880 = arith.constant 7 : i32
      %shift_left3A_881 = arith.shli %shift_right_arithmetic3A_879, %shift_left3A_880 : i32
      %multiple_of3A_882 = tpu.assume_multiple %shift_left3A_881, 128 : i32
      %dma_start3A_883 = arith.constant 0 : i32
      %dma_start3A_884 = arith.constant 384 : i32
      %dma_start3A_885 = tpu.memref_slice %arg9[%dma_start3A_883, %dma_start3A_884] : memref<32x512xf32, #tpu.memory_space<vmem>> -> memref<32x128xf32, #tpu.memory_space<vmem>>
      %dma_start3A_886 = arith.constant 0 : i32
      %dma_start3A_887 = tpu.memref_slice %arg4[%dma_start3A_886, %multiple_of3A_877] : memref<32x1000000xf32, #tpu.memory_space<hbm>> -> memref<32x128xf32, #tpu.memory_space<hbm>>
      %dma_start3A_888 = arith.constant 0 : i32
      %dma_start3A_889 = arith.constant 384 : i32
      %dma_start3A_890 = tpu.memref_slice %arg9[%dma_start3A_888, %dma_start3A_889] : memref<32x512xf32, #tpu.memory_space<vmem>> -> memref<32x128xf32, #tpu.memory_space<vmem>>
      %dma_start3A_891 = arith.constant 0 : i32
      %dma_start3A_892 = tpu.memref_slice %arg4[%dma_start3A_891, %multiple_of3A_877] : memref<32x1000000xf32, #tpu.memory_space<hbm>> -> memref<32x128xf32, #tpu.memory_space<hbm>>
      tpu.enqueue_dma source(%dma_start3A_892 : memref<32x128xf32, #tpu.memory_space<hbm>>) target(%dma_start3A_890 : memref<32x128xf32, #tpu.memory_space<vmem>>) target_semaphore(%arg15 : memref<!tpu.dma_semaphore, #tpu.memory_space<semaphore_mem>>)
      %dma_start3A_893 = arith.constant 0 : i32
      %dma_start3A_894 = arith.constant 384 : i32
      %dma_start3A_895 = tpu.memref_slice %arg10[%dma_start3A_893, %dma_start3A_894] : memref<32x512xf32, #tpu.memory_space<vmem>> -> memref<32x128xf32, #tpu.memory_space<vmem>>
      %dma_start3A_896 = arith.constant 0 : i32
      %dma_start3A_897 = tpu.memref_slice %arg5[%dma_start3A_896, %multiple_of3A_882] : memref<32x1000000xf32, #tpu.memory_space<hbm>> -> memref<32x128xf32, #tpu.memory_space<hbm>>
      %dma_start3A_898 = arith.constant 0 : i32
      %dma_start3A_899 = arith.constant 384 : i32
      %dma_start3A_900 = tpu.memref_slice %arg10[%dma_start3A_898, %dma_start3A_899] : memref<32x512xf32, #tpu.memory_space<vmem>> -> memref<32x128xf32, #tpu.memory_space<vmem>>
      %dma_start3A_901 = arith.constant 0 : i32
      %dma_start3A_902 = tpu.memref_slice %arg5[%dma_start3A_901, %multiple_of3A_882] : memref<32x1000000xf32, #tpu.memory_space<hbm>> -> memref<32x128xf32, #tpu.memory_space<hbm>>
      tpu.enqueue_dma source(%dma_start3A_902 : memref<32x128xf32, #tpu.memory_space<hbm>>) target(%dma_start3A_900 : memref<32x128xf32, #tpu.memory_space<vmem>>) target_semaphore(%arg15 : memref<!tpu.dma_semaphore, #tpu.memory_space<semaphore_mem>>)
      %dma_wait3A_903 = arith.constant 0 : i32
      %dma_wait3A_904 = arith.constant 0 : i32
      %dma_wait3A_905 = tpu.memref_slice %arg4[%dma_wait3A_903, %dma_wait3A_904] : memref<32x1000000xf32, #tpu.memory_space<hbm>> -> memref<32x512xf32, #tpu.memory_space<hbm>>
      %dma_wait3A_906 = arith.constant 0 : i32
      %dma_wait3A_907 = arith.constant 0 : i32
      %dma_wait3A_908 = tpu.memref_slice %arg4[%dma_wait3A_906, %dma_wait3A_907] : memref<32x1000000xf32, #tpu.memory_space<hbm>> -> memref<32x512xf32, #tpu.memory_space<hbm>>
      tpu.wait_dma2 semaphore(%arg16 : memref<!tpu.dma_semaphore, #tpu.memory_space<semaphore_mem>>) src(%dma_wait3A_908 : memref<32x512xf32, #tpu.memory_space<hbm>>) dst(%arg11 : memref<32x512xf32, #tpu.memory_space<vmem>>)
      %dma_wait3A_909 = arith.constant 0 : i32
      %dma_wait3A_910 = arith.constant 0 : i32
      %dma_wait3A_911 = tpu.memref_slice %arg4[%dma_wait3A_909, %dma_wait3A_910] : memref<32x1000000xf32, #tpu.memory_space<hbm>> -> memref<32x512xf32, #tpu.memory_space<hbm>>
      %dma_wait3A_912 = arith.constant 0 : i32
      %dma_wait3A_913 = arith.constant 0 : i32
      %dma_wait3A_914 = tpu.memref_slice %arg4[%dma_wait3A_912, %dma_wait3A_913] : memref<32x1000000xf32, #tpu.memory_space<hbm>> -> memref<32x512xf32, #tpu.memory_space<hbm>>
      tpu.wait_dma2 semaphore(%arg16 : memref<!tpu.dma_semaphore, #tpu.memory_space<semaphore_mem>>) src(%dma_wait3A_914 : memref<32x512xf32, #tpu.memory_space<hbm>>) dst(%arg12 : memref<32x512xf32, #tpu.memory_space<vmem>>)
      %mul3A_915 = arith.constant 2 : i32
      %mul3A_916 = arith.muli %mul3A_915, %scan3A_571 : i32
      %add3A_917 = arith.constant 1 : i32
      %add3A_918 = arith.addi %mul3A_916, %add3A_917 : i32
      %iota3A_919 = tpu.iota {dimensions = array<i32: 0>} : vector<16xi32>
      %mul3A_920 = arith.constant 4 : i32
      %mul3A_921 = arith.muli %add3A_918, %mul3A_920 : i32
      %get3A_922 = arith.index_cast %mul3A_921 : i32 to index
      %get3A_923 = tpu.vector_load %arg7[%get3A_922] {strides = array<i32>} : memref<528xi32, #tpu.memory_space<vmem>>, vector<16xi32>,
      %mul3A_924 = arith.constant 4 : i32
      %mul3A_925 = arith.muli %add3A_918, %mul3A_924 : i32
      %get3A_926 = arith.index_cast %mul3A_925 : i32 to index
      %get3A_927 = tpu.vector_load %arg8[%get3A_926] {strides = array<i32>} : memref<528xi32, #tpu.memory_space<vmem>>, vector<16xi32>,
      %broadcast_in_dim3A_928 = arith.constant 0 : i32
      %broadcast_in_dim3A_929 = vector.broadcast %broadcast_in_dim3A_928 : i32 to vector<16xi32>
      %slice3A_930 = vector.extract_strided_slice %get3A_923 {offsets = [0], sizes = [1], strides = [1]} : vector<16xi32> to vector<1xi32>
      %squeeze3A_931 = vector.extract %slice3A_930[0] : i32 from vector<1xi32>
      %and3A_932 = arith.constant 127 : i32
      %and3A_933 = arith.andi %squeeze3A_931, %and3A_932 : i32
      %add3A_934 = vector.broadcast %and3A_933 : i32 to vector<16xi32>
      %add3A_935 = arith.addi %broadcast_in_dim3A_929, %add3A_934 : vector<16xi32>
      %broadcast_in_dim3A_936 = arith.constant 0 : i32
      %broadcast_in_dim3A_937 = vector.broadcast %broadcast_in_dim3A_936 : i32 to vector<16xi32>
      %slice3A_938 = vector.extract_strided_slice %get3A_927 {offsets = [0], sizes = [1], strides = [1]} : vector<16xi32> to vector<1xi32>
      %squeeze3A_939 = vector.extract %slice3A_938[0] : i32 from vector<1xi32>
      %and3A_940 = arith.constant 127 : i32
      %and3A_941 = arith.andi %squeeze3A_939, %and3A_940 : i32
      %add3A_942 = vector.broadcast %and3A_941 : i32 to vector<16xi32>
      %add3A_943 = arith.addi %broadcast_in_dim3A_937, %add3A_942 : vector<16xi32>
      %mul3A_944 = arith.constant 4 : i32
      %mul3A_945 = arith.muli %add3A_918, %mul3A_944 : i32
      %add3A_946 = arith.constant 0 : i32
      %add3A_947 = arith.addi %mul3A_945, %add3A_946 : i32
      %mul3A_948 = arith.constant 32 : i32
      %mul3A_949 = arith.muli %add3A_947, %mul3A_948 : i32
      %gather3A_950 = tpu.vector_load_idx %arg11[%iota3A_919, %add3A_935] : memref<32x512xf32, #tpu.memory_space<vmem>>[vector<16xi32>, vector<16xi32>], vector<16xf32>,
      %gather3A_951 = tpu.vector_load_idx %arg12[%iota3A_919, %add3A_943] : memref<32x512xf32, #tpu.memory_space<vmem>>[vector<16xi32>, vector<16xi32>], vector<16xf32>,
      %mul3A_952 = arith.mulf %gather3A_950, %gather3A_951 : vector<16xf32>
      %swap3A_953 = arith.index_cast %mul3A_949 : i32 to index
      %swap3A_954 = tpu.vector_load %arg13[%swap3A_953] {strides = array<i32>} : memref<16384xf32, #tpu.memory_space<vmem>>, vector<16xf32>,
      tpu.vector_store %arg13[%swap3A_953], %mul3A_952 {strides = array<i32>} : memref<16384xf32, #tpu.memory_space<vmem>>, vector<16xf32>,
      %add3A_955 = arith.constant 16 : i32
      %add3A_956 = vector.broadcast %add3A_955 : i32 to vector<16xi32>
      %add3A_957 = arith.addi %iota3A_919, %add3A_956 : vector<16xi32>
      %gather3A_958 = tpu.vector_load_idx %arg11[%add3A_957, %add3A_935] : memref<32x512xf32, #tpu.memory_space<vmem>>[vector<16xi32>, vector<16xi32>], vector<16xf32>,
      %add3A_959 = arith.constant 16 : i32
      %add3A_960 = vector.broadcast %add3A_959 : i32 to vector<16xi32>
      %add3A_961 = arith.addi %iota3A_919, %add3A_960 : vector<16xi32>
      %gather3A_962 = tpu.vector_load_idx %arg12[%add3A_961, %add3A_943] : memref<32x512xf32, #tpu.memory_space<vmem>>[vector<16xi32>, vector<16xi32>], vector<16xf32>,
      %mul3A_963 = arith.mulf %gather3A_958, %gather3A_962 : vector<16xf32>
      %add3A_964 = arith.constant 16 : i32
      %add3A_965 = arith.addi %mul3A_949, %add3A_964 : i32
      %swap3A_966 = arith.index_cast %add3A_965 : i32 to index
      %swap3A_967 = tpu.vector_load %arg13[%swap3A_966] {strides = array<i32>} : memref<16384xf32, #tpu.memory_space<vmem>>, vector<16xf32>,
      tpu.vector_store %arg13[%swap3A_966], %mul3A_963 {strides = array<i32>} : memref<16384xf32, #tpu.memory_space<vmem>>, vector<16xf32>,
      %broadcast_in_dim3A_968 = arith.constant 128 : i32
      %broadcast_in_dim3A_969 = vector.broadcast %broadcast_in_dim3A_968 : i32 to vector<16xi32>
      %slice3A_970 = vector.extract_strided_slice %get3A_923 {offsets = [1], sizes = [1], strides = [1]} : vector<16xi32> to vector<1xi32>
      %squeeze3A_971 = vector.extract %slice3A_970[0] : i32 from vector<1xi32>
      %and3A_972 = arith.constant 127 : i32
      %and3A_973 = arith.andi %squeeze3A_971, %and3A_972 : i32
      %add3A_974 = vector.broadcast %and3A_973 : i32 to vector<16xi32>
      %add3A_975 = arith.addi %broadcast_in_dim3A_969, %add3A_974 : vector<16xi32>
      %broadcast_in_dim3A_976 = arith.constant 128 : i32
      %broadcast_in_dim3A_977 = vector.broadcast %broadcast_in_dim3A_976 : i32 to vector<16xi32>
      %slice3A_978 = vector.extract_strided_slice %get3A_927 {offsets = [1], sizes = [1], strides = [1]} : vector<16xi32> to vector<1xi32>
      %squeeze3A_979 = vector.extract %slice3A_978[0] : i32 from vector<1xi32>
      %and3A_980 = arith.constant 127 : i32
      %and3A_981 = arith.andi %squeeze3A_979, %and3A_980 : i32
      %add3A_982 = vector.broadcast %and3A_981 : i32 to vector<16xi32>
      %add3A_983 = arith.addi %broadcast_in_dim3A_977, %add3A_982 : vector<16xi32>
      %mul3A_984 = arith.constant 4 : i32
      %mul3A_985 = arith.muli %add3A_918, %mul3A_984 : i32
      %add3A_986 = arith.constant 1 : i32
      %add3A_987 = arith.addi %mul3A_985, %add3A_986 : i32
      %mul3A_988 = arith.constant 32 : i32
      %mul3A_989 = arith.muli %add3A_987, %mul3A_988 : i32
      %gather3A_990 = tpu.vector_load_idx %arg11[%iota3A_919, %add3A_975] : memref<32x512xf32, #tpu.memory_space<vmem>>[vector<16xi32>, vector<16xi32>], vector<16xf32>,
      %gather3A_991 = tpu.vector_load_idx %arg12[%iota3A_919, %add3A_983] : memref<32x512xf32, #tpu.memory_space<vmem>>[vector<16xi32>, vector<16xi32>], vector<16xf32>,
      %mul3A_992 = arith.mulf %gather3A_990, %gather3A_991 : vector<16xf32>
      %swap3A_993 = arith.index_cast %mul3A_989 : i32 to index
      %swap3A_994 = tpu.vector_load %arg13[%swap3A_993] {strides = array<i32>} : memref<16384xf32, #tpu.memory_space<vmem>>, vector<16xf32>,
      tpu.vector_store %arg13[%swap3A_993], %mul3A_992 {strides = array<i32>} : memref<16384xf32, #tpu.memory_space<vmem>>, vector<16xf32>,
      %add3A_995 = arith.constant 16 : i32
      %add3A_996 = vector.broadcast %add3A_995 : i32 to vector<16xi32>
      %add3A_997 = arith.addi %iota3A_919, %add3A_996 : vector<16xi32>
      %gather3A_998 = tpu.vector_load_idx %arg11[%add3A_997, %add3A_975] : memref<32x512xf32, #tpu.memory_space<vmem>>[vector<16xi32>, vector<16xi32>], vector<16xf32>,
      %add3A_999 = arith.constant 16 : i32
      %add3A_1000 = vector.broadcast %add3A_999 : i32 to vector<16xi32>
      %add3A_1001 = arith.addi %iota3A_919, %add3A_1000 : vector<16xi32>
      %gather3A_1002 = tpu.vector_load_idx %arg12[%add3A_1001, %add3A_983] : memref<32x512xf32, #tpu.memory_space<vmem>>[vector<16xi32>, vector<16xi32>], vector<16xf32>,
      %mul3A_1003 = arith.mulf %gather3A_998, %gather3A_1002 : vector<16xf32>
      %add3A_1004 = arith.constant 16 : i32
      %add3A_1005 = arith.addi %mul3A_989, %add3A_1004 : i32
      %swap3A_1006 = arith.index_cast %add3A_1005 : i32 to index
      %swap3A_1007 = tpu.vector_load %arg13[%swap3A_1006] {strides = array<i32>} : memref<16384xf32, #tpu.memory_space<vmem>>, vector<16xf32>,
      tpu.vector_store %arg13[%swap3A_1006], %mul3A_1003 {strides = array<i32>} : memref<16384xf32, #tpu.memory_space<vmem>>, vector<16xf32>,
      %broadcast_in_dim3A_1008 = arith.constant 256 : i32
      %broadcast_in_dim3A_1009 = vector.broadcast %broadcast_in_dim3A_1008 : i32 to vector<16xi32>
      %slice3A_1010 = vector.extract_strided_slice %get3A_923 {offsets = [2], sizes = [1], strides = [1]} : vector<16xi32> to vector<1xi32>
      %squeeze3A_1011 = vector.extract %slice3A_1010[0] : i32 from vector<1xi32>
      %and3A_1012 = arith.constant 127 : i32
      %and3A_1013 = arith.andi %squeeze3A_1011, %and3A_1012 : i32
      %add3A_1014 = vector.broadcast %and3A_1013 : i32 to vector<16xi32>
      %add3A_1015 = arith.addi %broadcast_in_dim3A_1009, %add3A_1014 : vector<16xi32>
      %broadcast_in_dim3A_1016 = arith.constant 256 : i32
      %broadcast_in_dim3A_1017 = vector.broadcast %broadcast_in_dim3A_1016 : i32 to vector<16xi32>
      %slice3A_1018 = vector.extract_strided_slice %get3A_927 {offsets = [2], sizes = [1], strides = [1]} : vector<16xi32> to vector<1xi32>
      %squeeze3A_1019 = vector.extract %slice3A_1018[0] : i32 from vector<1xi32>
      %and3A_1020 = arith.constant 127 : i32
      %and3A_1021 = arith.andi %squeeze3A_1019, %and3A_1020 : i32
      %add3A_1022 = vector.broadcast %and3A_1021 : i32 to vector<16xi32>
      %add3A_1023 = arith.addi %broadcast_in_dim3A_1017, %add3A_1022 : vector<16xi32>
      %mul3A_1024 = arith.constant 4 : i32
      %mul3A_1025 = arith.muli %add3A_918, %mul3A_1024 : i32
      %add3A_1026 = arith.constant 2 : i32
      %add3A_1027 = arith.addi %mul3A_1025, %add3A_1026 : i32
      %mul3A_1028 = arith.constant 32 : i32
      %mul3A_1029 = arith.muli %add3A_1027, %mul3A_1028 : i32
      %gather3A_1030 = tpu.vector_load_idx %arg11[%iota3A_919, %add3A_1015] : memref<32x512xf32, #tpu.memory_space<vmem>>[vector<16xi32>, vector<16xi32>], vector<16xf32>,
      %gather3A_1031 = tpu.vector_load_idx %arg12[%iota3A_919, %add3A_1023] : memref<32x512xf32, #tpu.memory_space<vmem>>[vector<16xi32>, vector<16xi32>], vector<16xf32>,
      %mul3A_1032 = arith.mulf %gather3A_1030, %gather3A_1031 : vector<16xf32>
      %swap3A_1033 = arith.index_cast %mul3A_1029 : i32 to index
      %swap3A_1034 = tpu.vector_load %arg13[%swap3A_1033] {strides = array<i32>} : memref<16384xf32, #tpu.memory_space<vmem>>, vector<16xf32>,
      tpu.vector_store %arg13[%swap3A_1033], %mul3A_1032 {strides = array<i32>} : memref<16384xf32, #tpu.memory_space<vmem>>, vector<16xf32>,
      %add3A_1035 = arith.constant 16 : i32
      %add3A_1036 = vector.broadcast %add3A_1035 : i32 to vector<16xi32>
      %add3A_1037 = arith.addi %iota3A_919, %add3A_1036 : vector<16xi32>
      %gather3A_1038 = tpu.vector_load_idx %arg11[%add3A_1037, %add3A_1015] : memref<32x512xf32, #tpu.memory_space<vmem>>[vector<16xi32>, vector<16xi32>], vector<16xf32>,
      %add3A_1039 = arith.constant 16 : i32
      %add3A_1040 = vector.broadcast %add3A_1039 : i32 to vector<16xi32>
      %add3A_1041 = arith.addi %iota3A_919, %add3A_1040 : vector<16xi32>
      %gather3A_1042 = tpu.vector_load_idx %arg12[%add3A_1041, %add3A_1023] : memref<32x512xf32, #tpu.memory_space<vmem>>[vector<16xi32>, vector<16xi32>], vector<16xf32>,
      %mul3A_1043 = arith.mulf %gather3A_1038, %gather3A_1042 : vector<16xf32>
      %add3A_1044 = arith.constant 16 : i32
      %add3A_1045 = arith.addi %mul3A_1029, %add3A_1044 : i32
      %swap3A_1046 = arith.index_cast %add3A_1045 : i32 to index
      %swap3A_1047 = tpu.vector_load %arg13[%swap3A_1046] {strides = array<i32>} : memref<16384xf32, #tpu.memory_space<vmem>>, vector<16xf32>,
      tpu.vector_store %arg13[%swap3A_1046], %mul3A_1043 {strides = array<i32>} : memref<16384xf32, #tpu.memory_space<vmem>>, vector<16xf32>,
      %broadcast_in_dim3A_1048 = arith.constant 384 : i32
      %broadcast_in_dim3A_1049 = vector.broadcast %broadcast_in_dim3A_1048 : i32 to vector<16xi32>
      %slice3A_1050 = vector.extract_strided_slice %get3A_923 {offsets = [3], sizes = [1], strides = [1]} : vector<16xi32> to vector<1xi32>
      %squeeze3A_1051 = vector.extract %slice3A_1050[0] : i32 from vector<1xi32>
      %and3A_1052 = arith.constant 127 : i32
      %and3A_1053 = arith.andi %squeeze3A_1051, %and3A_1052 : i32
      %add3A_1054 = vector.broadcast %and3A_1053 : i32 to vector<16xi32>
      %add3A_1055 = arith.addi %broadcast_in_dim3A_1049, %add3A_1054 : vector<16xi32>
      %broadcast_in_dim3A_1056 = arith.constant 384 : i32
      %broadcast_in_dim3A_1057 = vector.broadcast %broadcast_in_dim3A_1056 : i32 to vector<16xi32>
      %slice3A_1058 = vector.extract_strided_slice %get3A_927 {offsets = [3], sizes = [1], strides = [1]} : vector<16xi32> to vector<1xi32>
      %squeeze3A_1059 = vector.extract %slice3A_1058[0] : i32 from vector<1xi32>
      %and3A_1060 = arith.constant 127 : i32
      %and3A_1061 = arith.andi %squeeze3A_1059, %and3A_1060 : i32
      %add3A_1062 = vector.broadcast %and3A_1061 : i32 to vector<16xi32>
      %add3A_1063 = arith.addi %broadcast_in_dim3A_1057, %add3A_1062 : vector<16xi32>
      %mul3A_1064 = arith.constant 4 : i32
      %mul3A_1065 = arith.muli %add3A_918, %mul3A_1064 : i32
      %add3A_1066 = arith.constant 3 : i32
      %add3A_1067 = arith.addi %mul3A_1065, %add3A_1066 : i32
      %mul3A_1068 = arith.constant 32 : i32
      %mul3A_1069 = arith.muli %add3A_1067, %mul3A_1068 : i32
      %gather3A_1070 = tpu.vector_load_idx %arg11[%iota3A_919, %add3A_1055] : memref<32x512xf32, #tpu.memory_space<vmem>>[vector<16xi32>, vector<16xi32>], vector<16xf32>,
      %gather3A_1071 = tpu.vector_load_idx %arg12[%iota3A_919, %add3A_1063] : memref<32x512xf32, #tpu.memory_space<vmem>>[vector<16xi32>, vector<16xi32>], vector<16xf32>,
      %mul3A_1072 = arith.mulf %gather3A_1070, %gather3A_1071 : vector<16xf32>
      %swap3A_1073 = arith.index_cast %mul3A_1069 : i32 to index
      %swap3A_1074 = tpu.vector_load %arg13[%swap3A_1073] {strides = array<i32>} : memref<16384xf32, #tpu.memory_space<vmem>>, vector<16xf32>,
      tpu.vector_store %arg13[%swap3A_1073], %mul3A_1072 {strides = array<i32>} : memref<16384xf32, #tpu.memory_space<vmem>>, vector<16xf32>,
      %add3A_1075 = arith.constant 16 : i32
      %add3A_1076 = vector.broadcast %add3A_1075 : i32 to vector<16xi32>
      %add3A_1077 = arith.addi %iota3A_919, %add3A_1076 : vector<16xi32>
      %gather3A_1078 = tpu.vector_load_idx %arg11[%add3A_1077, %add3A_1055] : memref<32x512xf32, #tpu.memory_space<vmem>>[vector<16xi32>, vector<16xi32>], vector<16xf32>,
      %add3A_1079 = arith.constant 16 : i32
      %add3A_1080 = vector.broadcast %add3A_1079 : i32 to vector<16xi32>
      %add3A_1081 = arith.addi %iota3A_919, %add3A_1080 : vector<16xi32>
      %gather3A_1082 = tpu.vector_load_idx %arg12[%add3A_1081, %add3A_1063] : memref<32x512xf32, #tpu.memory_space<vmem>>[vector<16xi32>, vector<16xi32>], vector<16xf32>,
      %mul3A_1083 = arith.mulf %gather3A_1078, %gather3A_1082 : vector<16xf32>
      %add3A_1084 = arith.constant 16 : i32
      %add3A_1085 = arith.addi %mul3A_1069, %add3A_1084 : i32
      %swap3A_1086 = arith.index_cast %add3A_1085 : i32 to index
      %swap3A_1087 = tpu.vector_load %arg13[%swap3A_1086] {strides = array<i32>} : memref<16384xf32, #tpu.memory_space<vmem>>, vector<16xf32>,
      tpu.vector_store %arg13[%swap3A_1086], %mul3A_1083 {strides = array<i32>} : memref<16384xf32, #tpu.memory_space<vmem>>, vector<16xf32>,
      %mul3A_1088 = arith.constant 2 : i32
      %mul3A_1089 = arith.muli %mul3A_1088, %scan3A_571 : i32
      %add3A_1090 = arith.constant 3 : i32
      %add3A_1091 = arith.addi %mul3A_1089, %add3A_1090 : i32
      %mul3A_1092 = arith.constant 4 : i32
      %mul3A_1093 = arith.muli %add3A_1091, %mul3A_1092 : i32
      %get3A_1094 = arith.index_cast %mul3A_1093 : i32 to index
      %get3A_1095 = tpu.vector_load %arg7[%get3A_1094] {strides = array<i32>} : memref<528xi32, #tpu.memory_space<vmem>>, vector<16xi32>,
      %mul3A_1096 = arith.constant 4 : i32
      %mul3A_1097 = arith.muli %add3A_1091, %mul3A_1096 : i32
      %get3A_1098 = arith.index_cast %mul3A_1097 : i32 to index
      %get3A_1099 = tpu.vector_load %arg8[%get3A_1098] {strides = array<i32>} : memref<528xi32, #tpu.memory_space<vmem>>, vector<16xi32>,
      %slice3A_1100 = vector.extract_strided_slice %get3A_1095 {offsets = [0], sizes = [1], strides = [1]} : vector<16xi32> to vector<1xi32>
      %squeeze3A_1101 = vector.extract %slice3A_1100[0] : i32 from vector<1xi32>
      %slice3A_1102 = vector.extract_strided_slice %get3A_1099 {offsets = [0], sizes = [1], strides = [1]} : vector<16xi32> to vector<1xi32>
      %squeeze3A_1103 = vector.extract %slice3A_1102[0] : i32 from vector<1xi32>
      %shift_right_arithmetic3A_1104 = arith.constant 7 : i32
      %shift_right_arithmetic3A_1105 = arith.shrsi %squeeze3A_1101, %shift_right_arithmetic3A_1104 : i32
      %shift_left3A_1106 = arith.constant 7 : i32
      %shift_left3A_1107 = arith.shli %shift_right_arithmetic3A_1105, %shift_left3A_1106 : i32
      %multiple_of3A_1108 = tpu.assume_multiple %shift_left3A_1107, 128 : i32
      %shift_right_arithmetic3A_1109 = arith.constant 7 : i32
      %shift_right_arithmetic3A_1110 = arith.shrsi %squeeze3A_1103, %shift_right_arithmetic3A_1109 : i32
      %shift_left3A_1111 = arith.constant 7 : i32
      %shift_left3A_1112 = arith.shli %shift_right_arithmetic3A_1110, %shift_left3A_1111 : i32
      %multiple_of3A_1113 = tpu.assume_multiple %shift_left3A_1112, 128 : i32
      %dma_start3A_1114 = arith.constant 0 : i32
      %dma_start3A_1115 = arith.constant 0 : i32
      %dma_start3A_1116 = tpu.memref_slice %arg11[%dma_start3A_1114, %dma_start3A_1115] : memref<32x512xf32, #tpu.memory_space<vmem>> -> memref<32x128xf32, #tpu.memory_space<vmem>>
      %dma_start3A_1117 = arith.constant 0 : i32
      %dma_start3A_1118 = tpu.memref_slice %arg4[%dma_start3A_1117, %multiple_of3A_1108] : memref<32x1000000xf32, #tpu.memory_space<hbm>> -> memref<32x128xf32, #tpu.memory_space<hbm>>
      %dma_start3A_1119 = arith.constant 0 : i32
      %dma_start3A_1120 = arith.constant 0 : i32
      %dma_start3A_1121 = tpu.memref_slice %arg11[%dma_start3A_1119, %dma_start3A_1120] : memref<32x512xf32, #tpu.memory_space<vmem>> -> memref<32x128xf32, #tpu.memory_space<vmem>>
      %dma_start3A_1122 = arith.constant 0 : i32
      %dma_start3A_1123 = tpu.memref_slice %arg4[%dma_start3A_1122, %multiple_of3A_1108] : memref<32x1000000xf32, #tpu.memory_space<hbm>> -> memref<32x128xf32, #tpu.memory_space<hbm>>
      tpu.enqueue_dma source(%dma_start3A_1123 : memref<32x128xf32, #tpu.memory_space<hbm>>) target(%dma_start3A_1121 : memref<32x128xf32, #tpu.memory_space<vmem>>) target_semaphore(%arg16 : memref<!tpu.dma_semaphore, #tpu.memory_space<semaphore_mem>>)
      %dma_start3A_1124 = arith.constant 0 : i32
      %dma_start3A_1125 = arith.constant 0 : i32
      %dma_start3A_1126 = tpu.memref_slice %arg12[%dma_start3A_1124, %dma_start3A_1125] : memref<32x512xf32, #tpu.memory_space<vmem>> -> memref<32x128xf32, #tpu.memory_space<vmem>>
      %dma_start3A_1127 = arith.constant 0 : i32
      %dma_start3A_1128 = tpu.memref_slice %arg5[%dma_start3A_1127, %multiple_of3A_1113] : memref<32x1000000xf32, #tpu.memory_space<hbm>> -> memref<32x128xf32, #tpu.memory_space<hbm>>
      %dma_start3A_1129 = arith.constant 0 : i32
      %dma_start3A_1130 = arith.constant 0 : i32
      %dma_start3A_1131 = tpu.memref_slice %arg12[%dma_start3A_1129, %dma_start3A_1130] : memref<32x512xf32, #tpu.memory_space<vmem>> -> memref<32x128xf32, #tpu.memory_space<vmem>>
      %dma_start3A_1132 = arith.constant 0 : i32
      %dma_start3A_1133 = tpu.memref_slice %arg5[%dma_start3A_1132, %multiple_of3A_1113] : memref<32x1000000xf32, #tpu.memory_space<hbm>> -> memref<32x128xf32, #tpu.memory_space<hbm>>
      tpu.enqueue_dma source(%dma_start3A_1133 : memref<32x128xf32, #tpu.memory_space<hbm>>) target(%dma_start3A_1131 : memref<32x128xf32, #tpu.memory_space<vmem>>) target_semaphore(%arg16 : memref<!tpu.dma_semaphore, #tpu.memory_space<semaphore_mem>>)
      %slice3A_1134 = vector.extract_strided_slice %get3A_1095 {offsets = [1], sizes = [1], strides = [1]} : vector<16xi32> to vector<1xi32>
      %squeeze3A_1135 = vector.extract %slice3A_1134[0] : i32 from vector<1xi32>
      %slice3A_1136 = vector.extract_strided_slice %get3A_1099 {offsets = [1], sizes = [1], strides = [1]} : vector<16xi32> to vector<1xi32>
      %squeeze3A_1137 = vector.extract %slice3A_1136[0] : i32 from vector<1xi32>
      %shift_right_arithmetic3A_1138 = arith.constant 7 : i32
      %shift_right_arithmetic3A_1139 = arith.shrsi %squeeze3A_1135, %shift_right_arithmetic3A_1138 : i32
      %shift_left3A_1140 = arith.constant 7 : i32
      %shift_left3A_1141 = arith.shli %shift_right_arithmetic3A_1139, %shift_left3A_1140 : i32
      %multiple_of3A_1142 = tpu.assume_multiple %shift_left3A_1141, 128 : i32
      %shift_right_arithmetic3A_1143 = arith.constant 7 : i32
      %shift_right_arithmetic3A_1144 = arith.shrsi %squeeze3A_1137, %shift_right_arithmetic3A_1143 : i32
      %shift_left3A_1145 = arith.constant 7 : i32
      %shift_left3A_1146 = arith.shli %shift_right_arithmetic3A_1144, %shift_left3A_1145 : i32
      %multiple_of3A_1147 = tpu.assume_multiple %shift_left3A_1146, 128 : i32
      %dma_start3A_1148 = arith.constant 0 : i32
      %dma_start3A_1149 = arith.constant 128 : i32
      %dma_start3A_1150 = tpu.memref_slice %arg11[%dma_start3A_1148, %dma_start3A_1149] : memref<32x512xf32, #tpu.memory_space<vmem>> -> memref<32x128xf32, #tpu.memory_space<vmem>>
      %dma_start3A_1151 = arith.constant 0 : i32
      %dma_start3A_1152 = tpu.memref_slice %arg4[%dma_start3A_1151, %multiple_of3A_1142] : memref<32x1000000xf32, #tpu.memory_space<hbm>> -> memref<32x128xf32, #tpu.memory_space<hbm>>
      %dma_start3A_1153 = arith.constant 0 : i32
      %dma_start3A_1154 = arith.constant 128 : i32
      %dma_start3A_1155 = tpu.memref_slice %arg11[%dma_start3A_1153, %dma_start3A_1154] : memref<32x512xf32, #tpu.memory_space<vmem>> -> memref<32x128xf32, #tpu.memory_space<vmem>>
      %dma_start3A_1156 = arith.constant 0 : i32
      %dma_start3A_1157 = tpu.memref_slice %arg4[%dma_start3A_1156, %multiple_of3A_1142] : memref<32x1000000xf32, #tpu.memory_space<hbm>> -> memref<32x128xf32, #tpu.memory_space<hbm>>
      tpu.enqueue_dma source(%dma_start3A_1157 : memref<32x128xf32, #tpu.memory_space<hbm>>) target(%dma_start3A_1155 : memref<32x128xf32, #tpu.memory_space<vmem>>) target_semaphore(%arg16 : memref<!tpu.dma_semaphore, #tpu.memory_space<semaphore_mem>>)
      %dma_start3A_1158 = arith.constant 0 : i32
      %dma_start3A_1159 = arith.constant 128 : i32
      %dma_start3A_1160 = tpu.memref_slice %arg12[%dma_start3A_1158, %dma_start3A_1159] : memref<32x512xf32, #tpu.memory_space<vmem>> -> memref<32x128xf32, #tpu.memory_space<vmem>>
      %dma_start3A_1161 = arith.constant 0 : i32
      %dma_start3A_1162 = tpu.memref_slice %arg5[%dma_start3A_1161, %multiple_of3A_1147] : memref<32x1000000xf32, #tpu.memory_space<hbm>> -> memref<32x128xf32, #tpu.memory_space<hbm>>
      %dma_start3A_1163 = arith.constant 0 : i32
      %dma_start3A_1164 = arith.constant 128 : i32
      %dma_start3A_1165 = tpu.memref_slice %arg12[%dma_start3A_1163, %dma_start3A_1164] : memref<32x512xf32, #tpu.memory_space<vmem>> -> memref<32x128xf32, #tpu.memory_space<vmem>>
      %dma_start3A_1166 = arith.constant 0 : i32
      %dma_start3A_1167 = tpu.memref_slice %arg5[%dma_start3A_1166, %multiple_of3A_1147] : memref<32x1000000xf32, #tpu.memory_space<hbm>> -> memref<32x128xf32, #tpu.memory_space<hbm>>
      tpu.enqueue_dma source(%dma_start3A_1167 : memref<32x128xf32, #tpu.memory_space<hbm>>) target(%dma_start3A_1165 : memref<32x128xf32, #tpu.memory_space<vmem>>) target_semaphore(%arg16 : memref<!tpu.dma_semaphore, #tpu.memory_space<semaphore_mem>>)
      %slice3A_1168 = vector.extract_strided_slice %get3A_1095 {offsets = [2], sizes = [1], strides = [1]} : vector<16xi32> to vector<1xi32>
      %squeeze3A_1169 = vector.extract %slice3A_1168[0] : i32 from vector<1xi32>
      %slice3A_1170 = vector.extract_strided_slice %get3A_1099 {offsets = [2], sizes = [1], strides = [1]} : vector<16xi32> to vector<1xi32>
      %squeeze3A_1171 = vector.extract %slice3A_1170[0] : i32 from vector<1xi32>
      %shift_right_arithmetic3A_1172 = arith.constant 7 : i32
      %shift_right_arithmetic3A_1173 = arith.shrsi %squeeze3A_1169, %shift_right_arithmetic3A_1172 : i32
      %shift_left3A_1174 = arith.constant 7 : i32
      %shift_left3A_1175 = arith.shli %shift_right_arithmetic3A_1173, %shift_left3A_1174 : i32
      %multiple_of3A_1176 = tpu.assume_multiple %shift_left3A_1175, 128 : i32
      %shift_right_arithmetic3A_1177 = arith.constant 7 : i32
      %shift_right_arithmetic3A_1178 = arith.shrsi %squeeze3A_1171, %shift_right_arithmetic3A_1177 : i32
      %shift_left3A_1179 = arith.constant 7 : i32
      %shift_left3A_1180 = arith.shli %shift_right_arithmetic3A_1178, %shift_left3A_1179 : i32
      %multiple_of3A_1181 = tpu.assume_multiple %shift_left3A_1180, 128 : i32
      %dma_start3A_1182 = arith.constant 0 : i32
      %dma_start3A_1183 = arith.constant 256 : i32
      %dma_start3A_1184 = tpu.memref_slice %arg11[%dma_start3A_1182, %dma_start3A_1183] : memref<32x512xf32, #tpu.memory_space<vmem>> -> memref<32x128xf32, #tpu.memory_space<vmem>>
      %dma_start3A_1185 = arith.constant 0 : i32
      %dma_start3A_1186 = tpu.memref_slice %arg4[%dma_start3A_1185, %multiple_of3A_1176] : memref<32x1000000xf32, #tpu.memory_space<hbm>> -> memref<32x128xf32, #tpu.memory_space<hbm>>
      %dma_start3A_1187 = arith.constant 0 : i32
      %dma_start3A_1188 = arith.constant 256 : i32
      %dma_start3A_1189 = tpu.memref_slice %arg11[%dma_start3A_1187, %dma_start3A_1188] : memref<32x512xf32, #tpu.memory_space<vmem>> -> memref<32x128xf32, #tpu.memory_space<vmem>>
      %dma_start3A_1190 = arith.constant 0 : i32
      %dma_start3A_1191 = tpu.memref_slice %arg4[%dma_start3A_1190, %multiple_of3A_1176] : memref<32x1000000xf32, #tpu.memory_space<hbm>> -> memref<32x128xf32, #tpu.memory_space<hbm>>
      tpu.enqueue_dma source(%dma_start3A_1191 : memref<32x128xf32, #tpu.memory_space<hbm>>) target(%dma_start3A_1189 : memref<32x128xf32, #tpu.memory_space<vmem>>) target_semaphore(%arg16 : memref<!tpu.dma_semaphore, #tpu.memory_space<semaphore_mem>>)
      %dma_start3A_1192 = arith.constant 0 : i32
      %dma_start3A_1193 = arith.constant 256 : i32
      %dma_start3A_1194 = tpu.memref_slice %arg12[%dma_start3A_1192, %dma_start3A_1193] : memref<32x512xf32, #tpu.memory_space<vmem>> -> memref<32x128xf32, #tpu.memory_space<vmem>>
      %dma_start3A_1195 = arith.constant 0 : i32
      %dma_start3A_1196 = tpu.memref_slice %arg5[%dma_start3A_1195, %multiple_of3A_1181] : memref<32x1000000xf32, #tpu.memory_space<hbm>> -> memref<32x128xf32, #tpu.memory_space<hbm>>
      %dma_start3A_1197 = arith.constant 0 : i32
      %dma_start3A_1198 = arith.constant 256 : i32
      %dma_start3A_1199 = tpu.memref_slice %arg12[%dma_start3A_1197, %dma_start3A_1198] : memref<32x512xf32, #tpu.memory_space<vmem>> -> memref<32x128xf32, #tpu.memory_space<vmem>>
      %dma_start3A_1200 = arith.constant 0 : i32
      %dma_start3A_1201 = tpu.memref_slice %arg5[%dma_start3A_1200, %multiple_of3A_1181] : memref<32x1000000xf32, #tpu.memory_space<hbm>> -> memref<32x128xf32, #tpu.memory_space<hbm>>
      tpu.enqueue_dma source(%dma_start3A_1201 : memref<32x128xf32, #tpu.memory_space<hbm>>) target(%dma_start3A_1199 : memref<32x128xf32, #tpu.memory_space<vmem>>) target_semaphore(%arg16 : memref<!tpu.dma_semaphore, #tpu.memory_space<semaphore_mem>>)
      %slice3A_1202 = vector.extract_strided_slice %get3A_1095 {offsets = [3], sizes = [1], strides = [1]} : vector<16xi32> to vector<1xi32>
      %squeeze3A_1203 = vector.extract %slice3A_1202[0] : i32 from vector<1xi32>
      %slice3A_1204 = vector.extract_strided_slice %get3A_1099 {offsets = [3], sizes = [1], strides = [1]} : vector<16xi32> to vector<1xi32>
      %squeeze3A_1205 = vector.extract %slice3A_1204[0] : i32 from vector<1xi32>
      %shift_right_arithmetic3A_1206 = arith.constant 7 : i32
      %shift_right_arithmetic3A_1207 = arith.shrsi %squeeze3A_1203, %shift_right_arithmetic3A_1206 : i32
      %shift_left3A_1208 = arith.constant 7 : i32
      %shift_left3A_1209 = arith.shli %shift_right_arithmetic3A_1207, %shift_left3A_1208 : i32
      %multiple_of3A_1210 = tpu.assume_multiple %shift_left3A_1209, 128 : i32
      %shift_right_arithmetic3A_1211 = arith.constant 7 : i32
      %shift_right_arithmetic3A_1212 = arith.shrsi %squeeze3A_1205, %shift_right_arithmetic3A_1211 : i32
      %shift_left3A_1213 = arith.constant 7 : i32
      %shift_left3A_1214 = arith.shli %shift_right_arithmetic3A_1212, %shift_left3A_1213 : i32
      %multiple_of3A_1215 = tpu.assume_multiple %shift_left3A_1214, 128 : i32
      %dma_start3A_1216 = arith.constant 0 : i32
      %dma_start3A_1217 = arith.constant 384 : i32
      %dma_start3A_1218 = tpu.memref_slice %arg11[%dma_start3A_1216, %dma_start3A_1217] : memref<32x512xf32, #tpu.memory_space<vmem>> -> memref<32x128xf32, #tpu.memory_space<vmem>>
      %dma_start3A_1219 = arith.constant 0 : i32
      %dma_start3A_1220 = tpu.memref_slice %arg4[%dma_start3A_1219, %multiple_of3A_1210] : memref<32x1000000xf32, #tpu.memory_space<hbm>> -> memref<32x128xf32, #tpu.memory_space<hbm>>
      %dma_start3A_1221 = arith.constant 0 : i32
      %dma_start3A_1222 = arith.constant 384 : i32
      %dma_start3A_1223 = tpu.memref_slice %arg11[%dma_start3A_1221, %dma_start3A_1222] : memref<32x512xf32, #tpu.memory_space<vmem>> -> memref<32x128xf32, #tpu.memory_space<vmem>>
      %dma_start3A_1224 = arith.constant 0 : i32
      %dma_start3A_1225 = tpu.memref_slice %arg4[%dma_start3A_1224, %multiple_of3A_1210] : memref<32x1000000xf32, #tpu.memory_space<hbm>> -> memref<32x128xf32, #tpu.memory_space<hbm>>
      tpu.enqueue_dma source(%dma_start3A_1225 : memref<32x128xf32, #tpu.memory_space<hbm>>) target(%dma_start3A_1223 : memref<32x128xf32, #tpu.memory_space<vmem>>) target_semaphore(%arg16 : memref<!tpu.dma_semaphore, #tpu.memory_space<semaphore_mem>>)
      %dma_start3A_1226 = arith.constant 0 : i32
      %dma_start3A_1227 = arith.constant 384 : i32
      %dma_start3A_1228 = tpu.memref_slice %arg12[%dma_start3A_1226, %dma_start3A_1227] : memref<32x512xf32, #tpu.memory_space<vmem>> -> memref<32x128xf32, #tpu.memory_space<vmem>>
      %dma_start3A_1229 = arith.constant 0 : i32
      %dma_start3A_1230 = tpu.memref_slice %arg5[%dma_start3A_1229, %multiple_of3A_1215] : memref<32x1000000xf32, #tpu.memory_space<hbm>> -> memref<32x128xf32, #tpu.memory_space<hbm>>
      %dma_start3A_1231 = arith.constant 0 : i32
      %dma_start3A_1232 = arith.constant 384 : i32
      %dma_start3A_1233 = tpu.memref_slice %arg12[%dma_start3A_1231, %dma_start3A_1232] : memref<32x512xf32, #tpu.memory_space<vmem>> -> memref<32x128xf32, #tpu.memory_space<vmem>>
      %dma_start3A_1234 = arith.constant 0 : i32
      %dma_start3A_1235 = tpu.memref_slice %arg5[%dma_start3A_1234, %multiple_of3A_1215] : memref<32x1000000xf32, #tpu.memory_space<hbm>> -> memref<32x128xf32, #tpu.memory_space<hbm>>
      tpu.enqueue_dma source(%dma_start3A_1235 : memref<32x128xf32, #tpu.memory_space<hbm>>) target(%dma_start3A_1233 : memref<32x128xf32, #tpu.memory_space<vmem>>) target_semaphore(%arg16 : memref<!tpu.dma_semaphore, #tpu.memory_space<semaphore_mem>>)
      %jit3A = arith.constant 2 : i32
      %eq3A = arith.constant 0 : i32
      %eq3A_1236 = arith.cmpi eq, %jit3A, %eq3A : i32
      %jit3A_1237 = arith.constant 1 : i32
      %select_n3A = arith.select %eq3A_1236, %jit3A_1237, %jit3A : i32
      %rem3A = arith.remsi %scan3A_571, %select_n3A : i32
      %ne3A = arith.constant 0 : i32
      %ne3A_1238 = arith.cmpi ne, %rem3A, %ne3A : i32
      %lt3A = arith.constant 0 : i32
      %lt3A_1239 = arith.cmpi slt, %rem3A, %lt3A : i32
      %lt3A_1240 = arith.constant 0 : i32
      %lt3A_1241 = arith.cmpi slt, %select_n3A, %lt3A_1240 : i32
      %ne3A_1242 = arith.xori %lt3A_1239, %lt3A_1241 : i1
      %and3A_1243 = arith.andi %ne3A_1242, %ne3A_1238 : i1
      %add3A_1244 = arith.addi %rem3A, %select_n3A : i32
      %select_n3A_1245 = arith.select %and3A_1243, %add3A_1244, %rem3A : i32
      %eq3A_1246 = arith.constant 1 : i32
      %eq3A_1247 = arith.cmpi eq, %select_n3A_1245, %eq3A_1246 : i32
      %convert_element_type3A = arith.extui %eq3A_1247 : i1 to i32
      %cond3A = arith.constant 0 : i32
      %cond3A_1248 = arith.cmpi ne, %convert_element_type3A, %cond3A : i32
      scf.if %cond3A_1248 {
        %sub3A = arith.constant 1 : i32
        %sub3A_1249 = arith.subi %scan3A_571, %sub3A : i32
        %jit3A_1250 = arith.constant 2 : i32
        %div3A = arith.divsi %sub3A_1249, %jit3A_1250 : i32
        %sign3A = arith.constant 0 : i32
        %sign3A_1251 = arith.cmpi sgt, %sub3A_1249, %sign3A : i32
        %sign3A_1252 = arith.extui %sign3A_1251 : i1 to i32
        %sign3A_1253 = arith.constant 0 : i32
        %sign3A_1254 = arith.cmpi slt, %sub3A_1249, %sign3A_1253 : i32
        %sign3A_1255 = arith.extui %sign3A_1254 : i1 to i32
        %sign3A_1256 = arith.subi %sign3A_1252, %sign3A_1255 : i32
        %sign3A_1257 = arith.constant 0 : i32
        %sign3A_1258 = arith.cmpi sgt, %jit3A_1250, %sign3A_1257 : i32
        %sign3A_1259 = arith.extui %sign3A_1258 : i1 to i32
        %sign3A_1260 = arith.constant 0 : i32
        %sign3A_1261 = arith.cmpi slt, %jit3A_1250, %sign3A_1260 : i32
        %sign3A_1262 = arith.extui %sign3A_1261 : i1 to i32
        %sign3A_1263 = arith.subi %sign3A_1259, %sign3A_1262 : i32
        %ne3A_1264 = arith.cmpi ne, %sign3A_1256, %sign3A_1263 : i32
        %rem3A_1265 = arith.remsi %sub3A_1249, %jit3A_1250 : i32
        %ne3A_1266 = arith.constant 0 : i32
        %ne3A_1267 = arith.cmpi ne, %rem3A_1265, %ne3A_1266 : i32
        %and3A_1268 = arith.andi %ne3A_1264, %ne3A_1267 : i1
        %sub3A_1269 = arith.constant 1 : i32
        %sub3A_1270 = arith.subi %div3A, %sub3A_1269 : i32
        %select_n3A_1271 = arith.select %and3A_1268, %sub3A_1270, %div3A : i32
        %iota3A_1272 = tpu.iota {dimensions = array<i32: 0>} : vector<16xi32>
        %mul3A_1273 = arith.constant 16 : i32
        %mul3A_1274 = arith.muli %select_n3A_1271, %mul3A_1273 : i32
        %add3A_1275 = vector.broadcast %mul3A_1274 : i32 to vector<16xi32>
        %add3A_1276 = arith.addi %add3A_1275, %iota3A_1272 : vector<16xi32>
        %mul3A_1277 = arith.constant 32 : i32
        %mul3A_1278 = vector.broadcast %mul3A_1277 : i32 to vector<16xi32>
        %mul3A_1279 = arith.muli %add3A_1276, %mul3A_1278 : vector<16xi32>
        %broadcast_in_dim3A_1280 = arith.constant 0.000000e+00 : f32
        %broadcast_in_dim3A_1281 = vector.broadcast %broadcast_in_dim3A_1280 : f32 to vector<16xf32>
        %add3A_1282 = arith.constant 0 : i32
        %add3A_1283 = vector.broadcast %add3A_1282 : i32 to vector<16xi32>
        %add3A_1284 = arith.addi %mul3A_1279, %add3A_1283 : vector<16xi32>
        %gather3A_1285 = tpu.vector_load_idx %arg13[%add3A_1284] : memref<16384xf32, #tpu.memory_space<vmem>>[vector<16xi32>], vector<16xf32>,
        %add3A_1286 = arith.addf %broadcast_in_dim3A_1281, %gather3A_1285 : vector<16xf32>
        %add3A_1287 = arith.constant 1 : i32
        %add3A_1288 = vector.broadcast %add3A_1287 : i32 to vector<16xi32>
        %add3A_1289 = arith.addi %mul3A_1279, %add3A_1288 : vector<16xi32>
        %gather3A_1290 = tpu.vector_load_idx %arg13[%add3A_1289] : memref<16384xf32, #tpu.memory_space<vmem>>[vector<16xi32>], vector<16xf32>,
        %add3A_1291 = arith.addf %add3A_1286, %gather3A_1290 : vector<16xf32>
        %add3A_1292 = arith.constant 2 : i32
        %add3A_1293 = vector.broadcast %add3A_1292 : i32 to vector<16xi32>
        %add3A_1294 = arith.addi %mul3A_1279, %add3A_1293 : vector<16xi32>
        %gather3A_1295 = tpu.vector_load_idx %arg13[%add3A_1294] : memref<16384xf32, #tpu.memory_space<vmem>>[vector<16xi32>], vector<16xf32>,
        %add3A_1296 = arith.addf %add3A_1291, %gather3A_1295 : vector<16xf32>
        %add3A_1297 = arith.constant 3 : i32
        %add3A_1298 = vector.broadcast %add3A_1297 : i32 to vector<16xi32>
        %add3A_1299 = arith.addi %mul3A_1279, %add3A_1298 : vector<16xi32>
        %gather3A_1300 = tpu.vector_load_idx %arg13[%add3A_1299] : memref<16384xf32, #tpu.memory_space<vmem>>[vector<16xi32>], vector<16xf32>,
        %add3A_1301 = arith.addf %add3A_1296, %gather3A_1300 : vector<16xf32>
        %add3A_1302 = arith.constant 4 : i32
        %add3A_1303 = vector.broadcast %add3A_1302 : i32 to vector<16xi32>
        %add3A_1304 = arith.addi %mul3A_1279, %add3A_1303 : vector<16xi32>
        %gather3A_1305 = tpu.vector_load_idx %arg13[%add3A_1304] : memref<16384xf32, #tpu.memory_space<vmem>>[vector<16xi32>], vector<16xf32>,
        %add3A_1306 = arith.addf %add3A_1301, %gather3A_1305 : vector<16xf32>
        %add3A_1307 = arith.constant 5 : i32
        %add3A_1308 = vector.broadcast %add3A_1307 : i32 to vector<16xi32>
        %add3A_1309 = arith.addi %mul3A_1279, %add3A_1308 : vector<16xi32>
        %gather3A_1310 = tpu.vector_load_idx %arg13[%add3A_1309] : memref<16384xf32, #tpu.memory_space<vmem>>[vector<16xi32>], vector<16xf32>,
        %add3A_1311 = arith.addf %add3A_1306, %gather3A_1310 : vector<16xf32>
        %add3A_1312 = arith.constant 6 : i32
        %add3A_1313 = vector.broadcast %add3A_1312 : i32 to vector<16xi32>
        %add3A_1314 = arith.addi %mul3A_1279, %add3A_1313 : vector<16xi32>
        %gather3A_1315 = tpu.vector_load_idx %arg13[%add3A_1314] : memref<16384xf32, #tpu.memory_space<vmem>>[vector<16xi32>], vector<16xf32>,
        %add3A_1316 = arith.addf %add3A_1311, %gather3A_1315 : vector<16xf32>
        %add3A_1317 = arith.constant 7 : i32
        %add3A_1318 = vector.broadcast %add3A_1317 : i32 to vector<16xi32>
        %add3A_1319 = arith.addi %mul3A_1279, %add3A_1318 : vector<16xi32>
        %gather3A_1320 = tpu.vector_load_idx %arg13[%add3A_1319] : memref<16384xf32, #tpu.memory_space<vmem>>[vector<16xi32>], vector<16xf32>,
        %add3A_1321 = arith.addf %add3A_1316, %gather3A_1320 : vector<16xf32>
        %add3A_1322 = arith.constant 8 : i32
        %add3A_1323 = vector.broadcast %add3A_1322 : i32 to vector<16xi32>
        %add3A_1324 = arith.addi %mul3A_1279, %add3A_1323 : vector<16xi32>
        %gather3A_1325 = tpu.vector_load_idx %arg13[%add3A_1324] : memref<16384xf32, #tpu.memory_space<vmem>>[vector<16xi32>], vector<16xf32>,
        %add3A_1326 = arith.addf %add3A_1321, %gather3A_1325 : vector<16xf32>
        %add3A_1327 = arith.constant 9 : i32
        %add3A_1328 = vector.broadcast %add3A_1327 : i32 to vector<16xi32>
        %add3A_1329 = arith.addi %mul3A_1279, %add3A_1328 : vector<16xi32>
        %gather3A_1330 = tpu.vector_load_idx %arg13[%add3A_1329] : memref<16384xf32, #tpu.memory_space<vmem>>[vector<16xi32>], vector<16xf32>,
        %add3A_1331 = arith.addf %add3A_1326, %gather3A_1330 : vector<16xf32>
        %add3A_1332 = arith.constant 10 : i32
        %add3A_1333 = vector.broadcast %add3A_1332 : i32 to vector<16xi32>
        %add3A_1334 = arith.addi %mul3A_1279, %add3A_1333 : vector<16xi32>
        %gather3A_1335 = tpu.vector_load_idx %arg13[%add3A_1334] : memref<16384xf32, #tpu.memory_space<vmem>>[vector<16xi32>], vector<16xf32>,
        %add3A_1336 = arith.addf %add3A_1331, %gather3A_1335 : vector<16xf32>
        %add3A_1337 = arith.constant 11 : i32
        %add3A_1338 = vector.broadcast %add3A_1337 : i32 to vector<16xi32>
        %add3A_1339 = arith.addi %mul3A_1279, %add3A_1338 : vector<16xi32>
        %gather3A_1340 = tpu.vector_load_idx %arg13[%add3A_1339] : memref<16384xf32, #tpu.memory_space<vmem>>[vector<16xi32>], vector<16xf32>,
        %add3A_1341 = arith.addf %add3A_1336, %gather3A_1340 : vector<16xf32>
        %add3A_1342 = arith.constant 12 : i32
        %add3A_1343 = vector.broadcast %add3A_1342 : i32 to vector<16xi32>
        %add3A_1344 = arith.addi %mul3A_1279, %add3A_1343 : vector<16xi32>
        %gather3A_1345 = tpu.vector_load_idx %arg13[%add3A_1344] : memref<16384xf32, #tpu.memory_space<vmem>>[vector<16xi32>], vector<16xf32>,
        %add3A_1346 = arith.addf %add3A_1341, %gather3A_1345 : vector<16xf32>
        %add3A_1347 = arith.constant 13 : i32
        %add3A_1348 = vector.broadcast %add3A_1347 : i32 to vector<16xi32>
        %add3A_1349 = arith.addi %mul3A_1279, %add3A_1348 : vector<16xi32>
        %gather3A_1350 = tpu.vector_load_idx %arg13[%add3A_1349] : memref<16384xf32, #tpu.memory_space<vmem>>[vector<16xi32>], vector<16xf32>,
        %add3A_1351 = arith.addf %add3A_1346, %gather3A_1350 : vector<16xf32>
        %add3A_1352 = arith.constant 14 : i32
        %add3A_1353 = vector.broadcast %add3A_1352 : i32 to vector<16xi32>
        %add3A_1354 = arith.addi %mul3A_1279, %add3A_1353 : vector<16xi32>
        %gather3A_1355 = tpu.vector_load_idx %arg13[%add3A_1354] : memref<16384xf32, #tpu.memory_space<vmem>>[vector<16xi32>], vector<16xf32>,
        %add3A_1356 = arith.addf %add3A_1351, %gather3A_1355 : vector<16xf32>
        %add3A_1357 = arith.constant 15 : i32
        %add3A_1358 = vector.broadcast %add3A_1357 : i32 to vector<16xi32>
        %add3A_1359 = arith.addi %mul3A_1279, %add3A_1358 : vector<16xi32>
        %gather3A_1360 = tpu.vector_load_idx %arg13[%add3A_1359] : memref<16384xf32, #tpu.memory_space<vmem>>[vector<16xi32>], vector<16xf32>,
        %add3A_1361 = arith.addf %add3A_1356, %gather3A_1360 : vector<16xf32>
        %add3A_1362 = arith.constant 16 : i32
        %add3A_1363 = vector.broadcast %add3A_1362 : i32 to vector<16xi32>
        %add3A_1364 = arith.addi %mul3A_1279, %add3A_1363 : vector<16xi32>
        %gather3A_1365 = tpu.vector_load_idx %arg13[%add3A_1364] : memref<16384xf32, #tpu.memory_space<vmem>>[vector<16xi32>], vector<16xf32>,
        %add3A_1366 = arith.addf %add3A_1361, %gather3A_1365 : vector<16xf32>
        %add3A_1367 = arith.constant 17 : i32
        %add3A_1368 = vector.broadcast %add3A_1367 : i32 to vector<16xi32>
        %add3A_1369 = arith.addi %mul3A_1279, %add3A_1368 : vector<16xi32>
        %gather3A_1370 = tpu.vector_load_idx %arg13[%add3A_1369] : memref<16384xf32, #tpu.memory_space<vmem>>[vector<16xi32>], vector<16xf32>,
        %add3A_1371 = arith.addf %add3A_1366, %gather3A_1370 : vector<16xf32>
        %add3A_1372 = arith.constant 18 : i32
        %add3A_1373 = vector.broadcast %add3A_1372 : i32 to vector<16xi32>
        %add3A_1374 = arith.addi %mul3A_1279, %add3A_1373 : vector<16xi32>
        %gather3A_1375 = tpu.vector_load_idx %arg13[%add3A_1374] : memref<16384xf32, #tpu.memory_space<vmem>>[vector<16xi32>], vector<16xf32>,
        %add3A_1376 = arith.addf %add3A_1371, %gather3A_1375 : vector<16xf32>
        %add3A_1377 = arith.constant 19 : i32
        %add3A_1378 = vector.broadcast %add3A_1377 : i32 to vector<16xi32>
        %add3A_1379 = arith.addi %mul3A_1279, %add3A_1378 : vector<16xi32>
        %gather3A_1380 = tpu.vector_load_idx %arg13[%add3A_1379] : memref<16384xf32, #tpu.memory_space<vmem>>[vector<16xi32>], vector<16xf32>,
        %add3A_1381 = arith.addf %add3A_1376, %gather3A_1380 : vector<16xf32>
        %add3A_1382 = arith.constant 20 : i32
        %add3A_1383 = vector.broadcast %add3A_1382 : i32 to vector<16xi32>
        %add3A_1384 = arith.addi %mul3A_1279, %add3A_1383 : vector<16xi32>
        %gather3A_1385 = tpu.vector_load_idx %arg13[%add3A_1384] : memref<16384xf32, #tpu.memory_space<vmem>>[vector<16xi32>], vector<16xf32>,
        %add3A_1386 = arith.addf %add3A_1381, %gather3A_1385 : vector<16xf32>
        %add3A_1387 = arith.constant 21 : i32
        %add3A_1388 = vector.broadcast %add3A_1387 : i32 to vector<16xi32>
        %add3A_1389 = arith.addi %mul3A_1279, %add3A_1388 : vector<16xi32>
        %gather3A_1390 = tpu.vector_load_idx %arg13[%add3A_1389] : memref<16384xf32, #tpu.memory_space<vmem>>[vector<16xi32>], vector<16xf32>,
        %add3A_1391 = arith.addf %add3A_1386, %gather3A_1390 : vector<16xf32>
        %add3A_1392 = arith.constant 22 : i32
        %add3A_1393 = vector.broadcast %add3A_1392 : i32 to vector<16xi32>
        %add3A_1394 = arith.addi %mul3A_1279, %add3A_1393 : vector<16xi32>
        %gather3A_1395 = tpu.vector_load_idx %arg13[%add3A_1394] : memref<16384xf32, #tpu.memory_space<vmem>>[vector<16xi32>], vector<16xf32>,
        %add3A_1396 = arith.addf %add3A_1391, %gather3A_1395 : vector<16xf32>
        %add3A_1397 = arith.constant 23 : i32
        %add3A_1398 = vector.broadcast %add3A_1397 : i32 to vector<16xi32>
        %add3A_1399 = arith.addi %mul3A_1279, %add3A_1398 : vector<16xi32>
        %gather3A_1400 = tpu.vector_load_idx %arg13[%add3A_1399] : memref<16384xf32, #tpu.memory_space<vmem>>[vector<16xi32>], vector<16xf32>,
        %add3A_1401 = arith.addf %add3A_1396, %gather3A_1400 : vector<16xf32>
        %add3A_1402 = arith.constant 24 : i32
        %add3A_1403 = vector.broadcast %add3A_1402 : i32 to vector<16xi32>
        %add3A_1404 = arith.addi %mul3A_1279, %add3A_1403 : vector<16xi32>
        %gather3A_1405 = tpu.vector_load_idx %arg13[%add3A_1404] : memref<16384xf32, #tpu.memory_space<vmem>>[vector<16xi32>], vector<16xf32>,
        %add3A_1406 = arith.addf %add3A_1401, %gather3A_1405 : vector<16xf32>
        %add3A_1407 = arith.constant 25 : i32
        %add3A_1408 = vector.broadcast %add3A_1407 : i32 to vector<16xi32>
        %add3A_1409 = arith.addi %mul3A_1279, %add3A_1408 : vector<16xi32>
        %gather3A_1410 = tpu.vector_load_idx %arg13[%add3A_1409] : memref<16384xf32, #tpu.memory_space<vmem>>[vector<16xi32>], vector<16xf32>,
        %add3A_1411 = arith.addf %add3A_1406, %gather3A_1410 : vector<16xf32>
        %add3A_1412 = arith.constant 26 : i32
        %add3A_1413 = vector.broadcast %add3A_1412 : i32 to vector<16xi32>
        %add3A_1414 = arith.addi %mul3A_1279, %add3A_1413 : vector<16xi32>
        %gather3A_1415 = tpu.vector_load_idx %arg13[%add3A_1414] : memref<16384xf32, #tpu.memory_space<vmem>>[vector<16xi32>], vector<16xf32>,
        %add3A_1416 = arith.addf %add3A_1411, %gather3A_1415 : vector<16xf32>
        %add3A_1417 = arith.constant 27 : i32
        %add3A_1418 = vector.broadcast %add3A_1417 : i32 to vector<16xi32>
        %add3A_1419 = arith.addi %mul3A_1279, %add3A_1418 : vector<16xi32>
        %gather3A_1420 = tpu.vector_load_idx %arg13[%add3A_1419] : memref<16384xf32, #tpu.memory_space<vmem>>[vector<16xi32>], vector<16xf32>,
        %add3A_1421 = arith.addf %add3A_1416, %gather3A_1420 : vector<16xf32>
        %add3A_1422 = arith.constant 28 : i32
        %add3A_1423 = vector.broadcast %add3A_1422 : i32 to vector<16xi32>
        %add3A_1424 = arith.addi %mul3A_1279, %add3A_1423 : vector<16xi32>
        %gather3A_1425 = tpu.vector_load_idx %arg13[%add3A_1424] : memref<16384xf32, #tpu.memory_space<vmem>>[vector<16xi32>], vector<16xf32>,
        %add3A_1426 = arith.addf %add3A_1421, %gather3A_1425 : vector<16xf32>
        %add3A_1427 = arith.constant 29 : i32
        %add3A_1428 = vector.broadcast %add3A_1427 : i32 to vector<16xi32>
        %add3A_1429 = arith.addi %mul3A_1279, %add3A_1428 : vector<16xi32>
        %gather3A_1430 = tpu.vector_load_idx %arg13[%add3A_1429] : memref<16384xf32, #tpu.memory_space<vmem>>[vector<16xi32>], vector<16xf32>,
        %add3A_1431 = arith.addf %add3A_1426, %gather3A_1430 : vector<16xf32>
        %add3A_1432 = arith.constant 30 : i32
        %add3A_1433 = vector.broadcast %add3A_1432 : i32 to vector<16xi32>
        %add3A_1434 = arith.addi %mul3A_1279, %add3A_1433 : vector<16xi32>
        %gather3A_1435 = tpu.vector_load_idx %arg13[%add3A_1434] : memref<16384xf32, #tpu.memory_space<vmem>>[vector<16xi32>], vector<16xf32>,
        %add3A_1436 = arith.addf %add3A_1431, %gather3A_1435 : vector<16xf32>
        %add3A_1437 = arith.constant 31 : i32
        %add3A_1438 = vector.broadcast %add3A_1437 : i32 to vector<16xi32>
        %add3A_1439 = arith.addi %mul3A_1279, %add3A_1438 : vector<16xi32>
        %gather3A_1440 = tpu.vector_load_idx %arg13[%add3A_1439] : memref<16384xf32, #tpu.memory_space<vmem>>[vector<16xi32>], vector<16xf32>,
        %add3A_1441 = arith.addf %add3A_1436, %gather3A_1440 : vector<16xf32>
        %mul3A_1442 = arith.constant 16 : i32
        %mul3A_1443 = arith.muli %select_n3A_1271, %mul3A_1442 : i32
        %swap3A_1444 = arith.index_cast %mul3A_1443 : i32 to index
        %swap3A_1445 = tpu.vector_load %arg14[%swap3A_1444] {strides = array<i32>} : memref<512xf32, #tpu.memory_space<vmem>>, vector<16xf32>,
        tpu.vector_store %arg14[%swap3A_1444], %add3A_1441 {strides = array<i32>} : memref<512xf32, #tpu.memory_space<vmem>>, vector<16xf32>,
      } else {
      }
    }
    %scan3A_280 = arith.constant 63 : i32
    %dma_wait3A = arith.constant 0 : i32
    %dma_wait3A_281 = arith.constant 0 : i32
    %dma_wait3A_282 = tpu.memref_slice %arg4[%dma_wait3A, %dma_wait3A_281] : memref<32x1000000xf32, #tpu.memory_space<hbm>> -> memref<32x512xf32, #tpu.memory_space<hbm>>
    %dma_wait3A_283 = arith.constant 0 : i32
    %dma_wait3A_284 = arith.constant 0 : i32
    %dma_wait3A_285 = tpu.memref_slice %arg4[%dma_wait3A_283, %dma_wait3A_284] : memref<32x1000000xf32, #tpu.memory_space<hbm>> -> memref<32x512xf32, #tpu.memory_space<hbm>>
    tpu.wait_dma2 semaphore(%arg15 : memref<!tpu.dma_semaphore, #tpu.memory_space<semaphore_mem>>) src(%dma_wait3A_285 : memref<32x512xf32, #tpu.memory_space<hbm>>) dst(%arg9 : memref<32x512xf32, #tpu.memory_space<vmem>>)
    %dma_wait3A_286 = arith.constant 0 : i32
    %dma_wait3A_287 = arith.constant 0 : i32
    %dma_wait3A_288 = tpu.memref_slice %arg4[%dma_wait3A_286, %dma_wait3A_287] : memref<32x1000000xf32, #tpu.memory_space<hbm>> -> memref<32x512xf32, #tpu.memory_space<hbm>>
    %dma_wait3A_289 = arith.constant 0 : i32
    %dma_wait3A_290 = arith.constant 0 : i32
    %dma_wait3A_291 = tpu.memref_slice %arg4[%dma_wait3A_289, %dma_wait3A_290] : memref<32x1000000xf32, #tpu.memory_space<hbm>> -> memref<32x512xf32, #tpu.memory_space<hbm>>
    tpu.wait_dma2 semaphore(%arg15 : memref<!tpu.dma_semaphore, #tpu.memory_space<semaphore_mem>>) src(%dma_wait3A_291 : memref<32x512xf32, #tpu.memory_space<hbm>>) dst(%arg10 : memref<32x512xf32, #tpu.memory_space<vmem>>)
    %iota3A = tpu.iota {dimensions = array<i32: 0>} : vector<16xi32>
    %get3A_292 = arith.constant 504 : index
    %get3A_293 = tpu.vector_load %arg7[%get3A_292] {strides = array<i32>} : memref<528xi32, #tpu.memory_space<vmem>>, vector<16xi32>,
    %get3A_294 = arith.constant 504 : index
    %get3A_295 = tpu.vector_load %arg8[%get3A_294] {strides = array<i32>} : memref<528xi32, #tpu.memory_space<vmem>>, vector<16xi32>,
    %broadcast_in_dim3A = arith.constant 0 : i32
    %broadcast_in_dim3A_296 = vector.broadcast %broadcast_in_dim3A : i32 to vector<16xi32>
    %slice3A_297 = vector.extract_strided_slice %get3A_293 {offsets = [0], sizes = [1], strides = [1]} : vector<16xi32> to vector<1xi32>
    %squeeze3A_298 = vector.extract %slice3A_297[0] : i32 from vector<1xi32>
    %and3A = arith.constant 127 : i32
    %and3A_299 = arith.andi %squeeze3A_298, %and3A : i32
    %add3A_300 = vector.broadcast %and3A_299 : i32 to vector<16xi32>
    %add3A_301 = arith.addi %broadcast_in_dim3A_296, %add3A_300 : vector<16xi32>
    %broadcast_in_dim3A_302 = arith.constant 0 : i32
    %broadcast_in_dim3A_303 = vector.broadcast %broadcast_in_dim3A_302 : i32 to vector<16xi32>
    %slice3A_304 = vector.extract_strided_slice %get3A_295 {offsets = [0], sizes = [1], strides = [1]} : vector<16xi32> to vector<1xi32>
    %squeeze3A_305 = vector.extract %slice3A_304[0] : i32 from vector<1xi32>
    %and3A_306 = arith.constant 127 : i32
    %and3A_307 = arith.andi %squeeze3A_305, %and3A_306 : i32
    %add3A_308 = vector.broadcast %and3A_307 : i32 to vector<16xi32>
    %add3A_309 = arith.addi %broadcast_in_dim3A_303, %add3A_308 : vector<16xi32>
    %gather3A = tpu.vector_load_idx %arg9[%iota3A, %add3A_301] : memref<32x512xf32, #tpu.memory_space<vmem>>[vector<16xi32>, vector<16xi32>], vector<16xf32>,
    %gather3A_310 = tpu.vector_load_idx %arg10[%iota3A, %add3A_309] : memref<32x512xf32, #tpu.memory_space<vmem>>[vector<16xi32>, vector<16xi32>], vector<16xf32>,
    %mul3A_311 = arith.mulf %gather3A, %gather3A_310 : vector<16xf32>
    %swap3A = arith.constant 16128 : index
    %swap3A_312 = tpu.vector_load %arg13[%swap3A] {strides = array<i32>} : memref<16384xf32, #tpu.memory_space<vmem>>, vector<16xf32>,
    tpu.vector_store %arg13[%swap3A], %mul3A_311 {strides = array<i32>} : memref<16384xf32, #tpu.memory_space<vmem>>, vector<16xf32>,
    %add3A_313 = arith.constant 16 : i32
    %add3A_314 = vector.broadcast %add3A_313 : i32 to vector<16xi32>
    %add3A_315 = arith.addi %iota3A, %add3A_314 : vector<16xi32>
    %gather3A_316 = tpu.vector_load_idx %arg9[%add3A_315, %add3A_301] : memref<32x512xf32, #tpu.memory_space<vmem>>[vector<16xi32>, vector<16xi32>], vector<16xf32>,
    %add3A_317 = arith.constant 16 : i32
    %add3A_318 = vector.broadcast %add3A_317 : i32 to vector<16xi32>
    %add3A_319 = arith.addi %iota3A, %add3A_318 : vector<16xi32>
    %gather3A_320 = tpu.vector_load_idx %arg10[%add3A_319, %add3A_309] : memref<32x512xf32, #tpu.memory_space<vmem>>[vector<16xi32>, vector<16xi32>], vector<16xf32>,
    %mul3A_321 = arith.mulf %gather3A_316, %gather3A_320 : vector<16xf32>
    %swap3A_322 = arith.constant 16144 : index
    %swap3A_323 = tpu.vector_load %arg13[%swap3A_322] {strides = array<i32>} : memref<16384xf32, #tpu.memory_space<vmem>>, vector<16xf32>,
    tpu.vector_store %arg13[%swap3A_322], %mul3A_321 {strides = array<i32>} : memref<16384xf32, #tpu.memory_space<vmem>>, vector<16xf32>,
    %broadcast_in_dim3A_324 = arith.constant 128 : i32
    %broadcast_in_dim3A_325 = vector.broadcast %broadcast_in_dim3A_324 : i32 to vector<16xi32>
    %slice3A_326 = vector.extract_strided_slice %get3A_293 {offsets = [1], sizes = [1], strides = [1]} : vector<16xi32> to vector<1xi32>
    %squeeze3A_327 = vector.extract %slice3A_326[0] : i32 from vector<1xi32>
    %and3A_328 = arith.constant 127 : i32
    %and3A_329 = arith.andi %squeeze3A_327, %and3A_328 : i32
    %add3A_330 = vector.broadcast %and3A_329 : i32 to vector<16xi32>
    %add3A_331 = arith.addi %broadcast_in_dim3A_325, %add3A_330 : vector<16xi32>
    %broadcast_in_dim3A_332 = arith.constant 128 : i32
    %broadcast_in_dim3A_333 = vector.broadcast %broadcast_in_dim3A_332 : i32 to vector<16xi32>
    %slice3A_334 = vector.extract_strided_slice %get3A_295 {offsets = [1], sizes = [1], strides = [1]} : vector<16xi32> to vector<1xi32>
    %squeeze3A_335 = vector.extract %slice3A_334[0] : i32 from vector<1xi32>
    %and3A_336 = arith.constant 127 : i32
    %and3A_337 = arith.andi %squeeze3A_335, %and3A_336 : i32
    %add3A_338 = vector.broadcast %and3A_337 : i32 to vector<16xi32>
    %add3A_339 = arith.addi %broadcast_in_dim3A_333, %add3A_338 : vector<16xi32>
    %gather3A_340 = tpu.vector_load_idx %arg9[%iota3A, %add3A_331] : memref<32x512xf32, #tpu.memory_space<vmem>>[vector<16xi32>, vector<16xi32>], vector<16xf32>,
    %gather3A_341 = tpu.vector_load_idx %arg10[%iota3A, %add3A_339] : memref<32x512xf32, #tpu.memory_space<vmem>>[vector<16xi32>, vector<16xi32>], vector<16xf32>,
    %mul3A_342 = arith.mulf %gather3A_340, %gather3A_341 : vector<16xf32>
    %swap3A_343 = arith.constant 16160 : index
    %swap3A_344 = tpu.vector_load %arg13[%swap3A_343] {strides = array<i32>} : memref<16384xf32, #tpu.memory_space<vmem>>, vector<16xf32>,
    tpu.vector_store %arg13[%swap3A_343], %mul3A_342 {strides = array<i32>} : memref<16384xf32, #tpu.memory_space<vmem>>, vector<16xf32>,
    %add3A_345 = arith.constant 16 : i32
    %add3A_346 = vector.broadcast %add3A_345 : i32 to vector<16xi32>
    %add3A_347 = arith.addi %iota3A, %add3A_346 : vector<16xi32>
    %gather3A_348 = tpu.vector_load_idx %arg9[%add3A_347, %add3A_331] : memref<32x512xf32, #tpu.memory_space<vmem>>[vector<16xi32>, vector<16xi32>], vector<16xf32>,
    %add3A_349 = arith.constant 16 : i32
    %add3A_350 = vector.broadcast %add3A_349 : i32 to vector<16xi32>
    %add3A_351 = arith.addi %iota3A, %add3A_350 : vector<16xi32>
    %gather3A_352 = tpu.vector_load_idx %arg10[%add3A_351, %add3A_339] : memref<32x512xf32, #tpu.memory_space<vmem>>[vector<16xi32>, vector<16xi32>], vector<16xf32>,
    %mul3A_353 = arith.mulf %gather3A_348, %gather3A_352 : vector<16xf32>
    %swap3A_354 = arith.constant 16176 : index
    %swap3A_355 = tpu.vector_load %arg13[%swap3A_354] {strides = array<i32>} : memref<16384xf32, #tpu.memory_space<vmem>>, vector<16xf32>,
    tpu.vector_store %arg13[%swap3A_354], %mul3A_353 {strides = array<i32>} : memref<16384xf32, #tpu.memory_space<vmem>>, vector<16xf32>,
    %broadcast_in_dim3A_356 = arith.constant 256 : i32
    %broadcast_in_dim3A_357 = vector.broadcast %broadcast_in_dim3A_356 : i32 to vector<16xi32>
    %slice3A_358 = vector.extract_strided_slice %get3A_293 {offsets = [2], sizes = [1], strides = [1]} : vector<16xi32> to vector<1xi32>
    %squeeze3A_359 = vector.extract %slice3A_358[0] : i32 from vector<1xi32>
    %and3A_360 = arith.constant 127 : i32
    %and3A_361 = arith.andi %squeeze3A_359, %and3A_360 : i32
    %add3A_362 = vector.broadcast %and3A_361 : i32 to vector<16xi32>
    %add3A_363 = arith.addi %broadcast_in_dim3A_357, %add3A_362 : vector<16xi32>
    %broadcast_in_dim3A_364 = arith.constant 256 : i32
    %broadcast_in_dim3A_365 = vector.broadcast %broadcast_in_dim3A_364 : i32 to vector<16xi32>
    %slice3A_366 = vector.extract_strided_slice %get3A_295 {offsets = [2], sizes = [1], strides = [1]} : vector<16xi32> to vector<1xi32>
    %squeeze3A_367 = vector.extract %slice3A_366[0] : i32 from vector<1xi32>
    %and3A_368 = arith.constant 127 : i32
    %and3A_369 = arith.andi %squeeze3A_367, %and3A_368 : i32
    %add3A_370 = vector.broadcast %and3A_369 : i32 to vector<16xi32>
    %add3A_371 = arith.addi %broadcast_in_dim3A_365, %add3A_370 : vector<16xi32>
    %gather3A_372 = tpu.vector_load_idx %arg9[%iota3A, %add3A_363] : memref<32x512xf32, #tpu.memory_space<vmem>>[vector<16xi32>, vector<16xi32>], vector<16xf32>,
    %gather3A_373 = tpu.vector_load_idx %arg10[%iota3A, %add3A_371] : memref<32x512xf32, #tpu.memory_space<vmem>>[vector<16xi32>, vector<16xi32>], vector<16xf32>,
    %mul3A_374 = arith.mulf %gather3A_372, %gather3A_373 : vector<16xf32>
    %swap3A_375 = arith.constant 16192 : index
    %swap3A_376 = tpu.vector_load %arg13[%swap3A_375] {strides = array<i32>} : memref<16384xf32, #tpu.memory_space<vmem>>, vector<16xf32>,
    tpu.vector_store %arg13[%swap3A_375], %mul3A_374 {strides = array<i32>} : memref<16384xf32, #tpu.memory_space<vmem>>, vector<16xf32>,
    %add3A_377 = arith.constant 16 : i32
    %add3A_378 = vector.broadcast %add3A_377 : i32 to vector<16xi32>
    %add3A_379 = arith.addi %iota3A, %add3A_378 : vector<16xi32>
    %gather3A_380 = tpu.vector_load_idx %arg9[%add3A_379, %add3A_363] : memref<32x512xf32, #tpu.memory_space<vmem>>[vector<16xi32>, vector<16xi32>], vector<16xf32>,
    %add3A_381 = arith.constant 16 : i32
    %add3A_382 = vector.broadcast %add3A_381 : i32 to vector<16xi32>
    %add3A_383 = arith.addi %iota3A, %add3A_382 : vector<16xi32>
    %gather3A_384 = tpu.vector_load_idx %arg10[%add3A_383, %add3A_371] : memref<32x512xf32, #tpu.memory_space<vmem>>[vector<16xi32>, vector<16xi32>], vector<16xf32>,
    %mul3A_385 = arith.mulf %gather3A_380, %gather3A_384 : vector<16xf32>
    %swap3A_386 = arith.constant 16208 : index
    %swap3A_387 = tpu.vector_load %arg13[%swap3A_386] {strides = array<i32>} : memref<16384xf32, #tpu.memory_space<vmem>>, vector<16xf32>,
    tpu.vector_store %arg13[%swap3A_386], %mul3A_385 {strides = array<i32>} : memref<16384xf32, #tpu.memory_space<vmem>>, vector<16xf32>,
    %broadcast_in_dim3A_388 = arith.constant 384 : i32
    %broadcast_in_dim3A_389 = vector.broadcast %broadcast_in_dim3A_388 : i32 to vector<16xi32>
    %slice3A_390 = vector.extract_strided_slice %get3A_293 {offsets = [3], sizes = [1], strides = [1]} : vector<16xi32> to vector<1xi32>
    %squeeze3A_391 = vector.extract %slice3A_390[0] : i32 from vector<1xi32>
    %and3A_392 = arith.constant 127 : i32
    %and3A_393 = arith.andi %squeeze3A_391, %and3A_392 : i32
    %add3A_394 = vector.broadcast %and3A_393 : i32 to vector<16xi32>
    %add3A_395 = arith.addi %broadcast_in_dim3A_389, %add3A_394 : vector<16xi32>
    %broadcast_in_dim3A_396 = arith.constant 384 : i32
    %broadcast_in_dim3A_397 = vector.broadcast %broadcast_in_dim3A_396 : i32 to vector<16xi32>
    %slice3A_398 = vector.extract_strided_slice %get3A_295 {offsets = [3], sizes = [1], strides = [1]} : vector<16xi32> to vector<1xi32>
    %squeeze3A_399 = vector.extract %slice3A_398[0] : i32 from vector<1xi32>
    %and3A_400 = arith.constant 127 : i32
    %and3A_401 = arith.andi %squeeze3A_399, %and3A_400 : i32
    %add3A_402 = vector.broadcast %and3A_401 : i32 to vector<16xi32>
    %add3A_403 = arith.addi %broadcast_in_dim3A_397, %add3A_402 : vector<16xi32>
    %gather3A_404 = tpu.vector_load_idx %arg9[%iota3A, %add3A_395] : memref<32x512xf32, #tpu.memory_space<vmem>>[vector<16xi32>, vector<16xi32>], vector<16xf32>,
    %gather3A_405 = tpu.vector_load_idx %arg10[%iota3A, %add3A_403] : memref<32x512xf32, #tpu.memory_space<vmem>>[vector<16xi32>, vector<16xi32>], vector<16xf32>,
    %mul3A_406 = arith.mulf %gather3A_404, %gather3A_405 : vector<16xf32>
    %swap3A_407 = arith.constant 16224 : index
    %swap3A_408 = tpu.vector_load %arg13[%swap3A_407] {strides = array<i32>} : memref<16384xf32, #tpu.memory_space<vmem>>, vector<16xf32>,
    tpu.vector_store %arg13[%swap3A_407], %mul3A_406 {strides = array<i32>} : memref<16384xf32, #tpu.memory_space<vmem>>, vector<16xf32>,
    %add3A_409 = arith.constant 16 : i32
    %add3A_410 = vector.broadcast %add3A_409 : i32 to vector<16xi32>
    %add3A_411 = arith.addi %iota3A, %add3A_410 : vector<16xi32>
    %gather3A_412 = tpu.vector_load_idx %arg9[%add3A_411, %add3A_395] : memref<32x512xf32, #tpu.memory_space<vmem>>[vector<16xi32>, vector<16xi32>], vector<16xf32>,
    %add3A_413 = arith.constant 16 : i32
    %add3A_414 = vector.broadcast %add3A_413 : i32 to vector<16xi32>
    %add3A_415 = arith.addi %iota3A, %add3A_414 : vector<16xi32>
    %gather3A_416 = tpu.vector_load_idx %arg10[%add3A_415, %add3A_403] : memref<32x512xf32, #tpu.memory_space<vmem>>[vector<16xi32>, vector<16xi32>], vector<16xf32>,
    %mul3A_417 = arith.mulf %gather3A_412, %gather3A_416 : vector<16xf32>
    %swap3A_418 = arith.constant 16240 : index
    %swap3A_419 = tpu.vector_load %arg13[%swap3A_418] {strides = array<i32>} : memref<16384xf32, #tpu.memory_space<vmem>>, vector<16xf32>,
    tpu.vector_store %arg13[%swap3A_418], %mul3A_417 {strides = array<i32>} : memref<16384xf32, #tpu.memory_space<vmem>>, vector<16xf32>,
    %dma_wait3A_420 = arith.constant 0 : i32
    %dma_wait3A_421 = arith.constant 0 : i32
    %dma_wait3A_422 = tpu.memref_slice %arg4[%dma_wait3A_420, %dma_wait3A_421] : memref<32x1000000xf32, #tpu.memory_space<hbm>> -> memref<32x512xf32, #tpu.memory_space<hbm>>
    %dma_wait3A_423 = arith.constant 0 : i32
    %dma_wait3A_424 = arith.constant 0 : i32
    %dma_wait3A_425 = tpu.memref_slice %arg4[%dma_wait3A_423, %dma_wait3A_424] : memref<32x1000000xf32, #tpu.memory_space<hbm>> -> memref<32x512xf32, #tpu.memory_space<hbm>>
    tpu.wait_dma2 semaphore(%arg16 : memref<!tpu.dma_semaphore, #tpu.memory_space<semaphore_mem>>) src(%dma_wait3A_425 : memref<32x512xf32, #tpu.memory_space<hbm>>) dst(%arg11 : memref<32x512xf32, #tpu.memory_space<vmem>>)
    %dma_wait3A_426 = arith.constant 0 : i32
    %dma_wait3A_427 = arith.constant 0 : i32
    %dma_wait3A_428 = tpu.memref_slice %arg4[%dma_wait3A_426, %dma_wait3A_427] : memref<32x1000000xf32, #tpu.memory_space<hbm>> -> memref<32x512xf32, #tpu.memory_space<hbm>>
    %dma_wait3A_429 = arith.constant 0 : i32
    %dma_wait3A_430 = arith.constant 0 : i32
    %dma_wait3A_431 = tpu.memref_slice %arg4[%dma_wait3A_429, %dma_wait3A_430] : memref<32x1000000xf32, #tpu.memory_space<hbm>> -> memref<32x512xf32, #tpu.memory_space<hbm>>
    tpu.wait_dma2 semaphore(%arg16 : memref<!tpu.dma_semaphore, #tpu.memory_space<semaphore_mem>>) src(%dma_wait3A_431 : memref<32x512xf32, #tpu.memory_space<hbm>>) dst(%arg12 : memref<32x512xf32, #tpu.memory_space<vmem>>)
    %iota3A_432 = tpu.iota {dimensions = array<i32: 0>} : vector<16xi32>
    %get3A_433 = arith.constant 508 : index
    %get3A_434 = tpu.vector_load %arg7[%get3A_433] {strides = array<i32>} : memref<528xi32, #tpu.memory_space<vmem>>, vector<16xi32>,
    %get3A_435 = arith.constant 508 : index
    %get3A_436 = tpu.vector_load %arg8[%get3A_435] {strides = array<i32>} : memref<528xi32, #tpu.memory_space<vmem>>, vector<16xi32>,
    %broadcast_in_dim3A_437 = arith.constant 0 : i32
    %broadcast_in_dim3A_438 = vector.broadcast %broadcast_in_dim3A_437 : i32 to vector<16xi32>
    %slice3A_439 = vector.extract_strided_slice %get3A_434 {offsets = [0], sizes = [1], strides = [1]} : vector<16xi32> to vector<1xi32>
    %squeeze3A_440 = vector.extract %slice3A_439[0] : i32 from vector<1xi32>
    %and3A_441 = arith.constant 127 : i32
    %and3A_442 = arith.andi %squeeze3A_440, %and3A_441 : i32
    %add3A_443 = vector.broadcast %and3A_442 : i32 to vector<16xi32>
    %add3A_444 = arith.addi %broadcast_in_dim3A_438, %add3A_443 : vector<16xi32>
    %broadcast_in_dim3A_445 = arith.constant 0 : i32
    %broadcast_in_dim3A_446 = vector.broadcast %broadcast_in_dim3A_445 : i32 to vector<16xi32>
    %slice3A_447 = vector.extract_strided_slice %get3A_436 {offsets = [0], sizes = [1], strides = [1]} : vector<16xi32> to vector<1xi32>
    %squeeze3A_448 = vector.extract %slice3A_447[0] : i32 from vector<1xi32>
    %and3A_449 = arith.constant 127 : i32
    %and3A_450 = arith.andi %squeeze3A_448, %and3A_449 : i32
    %add3A_451 = vector.broadcast %and3A_450 : i32 to vector<16xi32>
    %add3A_452 = arith.addi %broadcast_in_dim3A_446, %add3A_451 : vector<16xi32>
    %gather3A_453 = tpu.vector_load_idx %arg11[%iota3A_432, %add3A_444] : memref<32x512xf32, #tpu.memory_space<vmem>>[vector<16xi32>, vector<16xi32>], vector<16xf32>,
    %gather3A_454 = tpu.vector_load_idx %arg12[%iota3A_432, %add3A_452] : memref<32x512xf32, #tpu.memory_space<vmem>>[vector<16xi32>, vector<16xi32>], vector<16xf32>,
    %mul3A_455 = arith.mulf %gather3A_453, %gather3A_454 : vector<16xf32>
    %swap3A_456 = arith.constant 16256 : index
    %swap3A_457 = tpu.vector_load %arg13[%swap3A_456] {strides = array<i32>} : memref<16384xf32, #tpu.memory_space<vmem>>, vector<16xf32>,
    tpu.vector_store %arg13[%swap3A_456], %mul3A_455 {strides = array<i32>} : memref<16384xf32, #tpu.memory_space<vmem>>, vector<16xf32>,
    %add3A_458 = arith.constant 16 : i32
    %add3A_459 = vector.broadcast %add3A_458 : i32 to vector<16xi32>
    %add3A_460 = arith.addi %iota3A_432, %add3A_459 : vector<16xi32>
    %gather3A_461 = tpu.vector_load_idx %arg11[%add3A_460, %add3A_444] : memref<32x512xf32, #tpu.memory_space<vmem>>[vector<16xi32>, vector<16xi32>], vector<16xf32>,
    %add3A_462 = arith.constant 16 : i32
    %add3A_463 = vector.broadcast %add3A_462 : i32 to vector<16xi32>
    %add3A_464 = arith.addi %iota3A_432, %add3A_463 : vector<16xi32>
    %gather3A_465 = tpu.vector_load_idx %arg12[%add3A_464, %add3A_452] : memref<32x512xf32, #tpu.memory_space<vmem>>[vector<16xi32>, vector<16xi32>], vector<16xf32>,
    %mul3A_466 = arith.mulf %gather3A_461, %gather3A_465 : vector<16xf32>
    %swap3A_467 = arith.constant 16272 : index
    %swap3A_468 = tpu.vector_load %arg13[%swap3A_467] {strides = array<i32>} : memref<16384xf32, #tpu.memory_space<vmem>>, vector<16xf32>,
    tpu.vector_store %arg13[%swap3A_467], %mul3A_466 {strides = array<i32>} : memref<16384xf32, #tpu.memory_space<vmem>>, vector<16xf32>,
    %broadcast_in_dim3A_469 = arith.constant 128 : i32
    %broadcast_in_dim3A_470 = vector.broadcast %broadcast_in_dim3A_469 : i32 to vector<16xi32>
    %slice3A_471 = vector.extract_strided_slice %get3A_434 {offsets = [1], sizes = [1], strides = [1]} : vector<16xi32> to vector<1xi32>
    %squeeze3A_472 = vector.extract %slice3A_471[0] : i32 from vector<1xi32>
    %and3A_473 = arith.constant 127 : i32
    %and3A_474 = arith.andi %squeeze3A_472, %and3A_473 : i32
    %add3A_475 = vector.broadcast %and3A_474 : i32 to vector<16xi32>
    %add3A_476 = arith.addi %broadcast_in_dim3A_470, %add3A_475 : vector<16xi32>
    %broadcast_in_dim3A_477 = arith.constant 128 : i32
    %broadcast_in_dim3A_478 = vector.broadcast %broadcast_in_dim3A_477 : i32 to vector<16xi32>
    %slice3A_479 = vector.extract_strided_slice %get3A_436 {offsets = [1], sizes = [1], strides = [1]} : vector<16xi32> to vector<1xi32>
    %squeeze3A_480 = vector.extract %slice3A_479[0] : i32 from vector<1xi32>
    %and3A_481 = arith.constant 127 : i32
    %and3A_482 = arith.andi %squeeze3A_480, %and3A_481 : i32
    %add3A_483 = vector.broadcast %and3A_482 : i32 to vector<16xi32>
    %add3A_484 = arith.addi %broadcast_in_dim3A_478, %add3A_483 : vector<16xi32>
    %gather3A_485 = tpu.vector_load_idx %arg11[%iota3A_432, %add3A_476] : memref<32x512xf32, #tpu.memory_space<vmem>>[vector<16xi32>, vector<16xi32>], vector<16xf32>,
    %gather3A_486 = tpu.vector_load_idx %arg12[%iota3A_432, %add3A_484] : memref<32x512xf32, #tpu.memory_space<vmem>>[vector<16xi32>, vector<16xi32>], vector<16xf32>,
    %mul3A_487 = arith.mulf %gather3A_485, %gather3A_486 : vector<16xf32>
    %swap3A_488 = arith.constant 16288 : index
    %swap3A_489 = tpu.vector_load %arg13[%swap3A_488] {strides = array<i32>} : memref<16384xf32, #tpu.memory_space<vmem>>, vector<16xf32>,
    tpu.vector_store %arg13[%swap3A_488], %mul3A_487 {strides = array<i32>} : memref<16384xf32, #tpu.memory_space<vmem>>, vector<16xf32>,
    %add3A_490 = arith.constant 16 : i32
    %add3A_491 = vector.broadcast %add3A_490 : i32 to vector<16xi32>
    %add3A_492 = arith.addi %iota3A_432, %add3A_491 : vector<16xi32>
    %gather3A_493 = tpu.vector_load_idx %arg11[%add3A_492, %add3A_476] : memref<32x512xf32, #tpu.memory_space<vmem>>[vector<16xi32>, vector<16xi32>], vector<16xf32>,
    %add3A_494 = arith.constant 16 : i32
    %add3A_495 = vector.broadcast %add3A_494 : i32 to vector<16xi32>
    %add3A_496 = arith.addi %iota3A_432, %add3A_495 : vector<16xi32>
    %gather3A_497 = tpu.vector_load_idx %arg12[%add3A_496, %add3A_484] : memref<32x512xf32, #tpu.memory_space<vmem>>[vector<16xi32>, vector<16xi32>], vector<16xf32>,
    %mul3A_498 = arith.mulf %gather3A_493, %gather3A_497 : vector<16xf32>
    %swap3A_499 = arith.constant 16304 : index
    %swap3A_500 = tpu.vector_load %arg13[%swap3A_499] {strides = array<i32>} : memref<16384xf32, #tpu.memory_space<vmem>>, vector<16xf32>,
    tpu.vector_store %arg13[%swap3A_499], %mul3A_498 {strides = array<i32>} : memref<16384xf32, #tpu.memory_space<vmem>>, vector<16xf32>,
    %broadcast_in_dim3A_501 = arith.constant 256 : i32
    %broadcast_in_dim3A_502 = vector.broadcast %broadcast_in_dim3A_501 : i32 to vector<16xi32>
    %slice3A_503 = vector.extract_strided_slice %get3A_434 {offsets = [2], sizes = [1], strides = [1]} : vector<16xi32> to vector<1xi32>
    %squeeze3A_504 = vector.extract %slice3A_503[0] : i32 from vector<1xi32>
    %and3A_505 = arith.constant 127 : i32
    %and3A_506 = arith.andi %squeeze3A_504, %and3A_505 : i32
    %add3A_507 = vector.broadcast %and3A_506 : i32 to vector<16xi32>
    %add3A_508 = arith.addi %broadcast_in_dim3A_502, %add3A_507 : vector<16xi32>
    %broadcast_in_dim3A_509 = arith.constant 256 : i32
    %broadcast_in_dim3A_510 = vector.broadcast %broadcast_in_dim3A_509 : i32 to vector<16xi32>
    %slice3A_511 = vector.extract_strided_slice %get3A_436 {offsets = [2], sizes = [1], strides = [1]} : vector<16xi32> to vector<1xi32>
    %squeeze3A_512 = vector.extract %slice3A_511[0] : i32 from vector<1xi32>
    %and3A_513 = arith.constant 127 : i32
    %and3A_514 = arith.andi %squeeze3A_512, %and3A_513 : i32
    %add3A_515 = vector.broadcast %and3A_514 : i32 to vector<16xi32>
    %add3A_516 = arith.addi %broadcast_in_dim3A_510, %add3A_515 : vector<16xi32>
    %gather3A_517 = tpu.vector_load_idx %arg11[%iota3A_432, %add3A_508] : memref<32x512xf32, #tpu.memory_space<vmem>>[vector<16xi32>, vector<16xi32>], vector<16xf32>,
    %gather3A_518 = tpu.vector_load_idx %arg12[%iota3A_432, %add3A_516] : memref<32x512xf32, #tpu.memory_space<vmem>>[vector<16xi32>, vector<16xi32>], vector<16xf32>,
    %mul3A_519 = arith.mulf %gather3A_517, %gather3A_518 : vector<16xf32>
    %swap3A_520 = arith.constant 16320 : index
    %swap3A_521 = tpu.vector_load %arg13[%swap3A_520] {strides = array<i32>} : memref<16384xf32, #tpu.memory_space<vmem>>, vector<16xf32>,
    tpu.vector_store %arg13[%swap3A_520], %mul3A_519 {strides = array<i32>} : memref<16384xf32, #tpu.memory_space<vmem>>, vector<16xf32>,
    %add3A_522 = arith.constant 16 : i32
    %add3A_523 = vector.broadcast %add3A_522 : i32 to vector<16xi32>
    %add3A_524 = arith.addi %iota3A_432, %add3A_523 : vector<16xi32>
    %gather3A_525 = tpu.vector_load_idx %arg11[%add3A_524, %add3A_508] : memref<32x512xf32, #tpu.memory_space<vmem>>[vector<16xi32>, vector<16xi32>], vector<16xf32>,
    %add3A_526 = arith.constant 16 : i32
    %add3A_527 = vector.broadcast %add3A_526 : i32 to vector<16xi32>
    %add3A_528 = arith.addi %iota3A_432, %add3A_527 : vector<16xi32>
    %gather3A_529 = tpu.vector_load_idx %arg12[%add3A_528, %add3A_516] : memref<32x512xf32, #tpu.memory_space<vmem>>[vector<16xi32>, vector<16xi32>], vector<16xf32>,
    %mul3A_530 = arith.mulf %gather3A_525, %gather3A_529 : vector<16xf32>
    %swap3A_531 = arith.constant 16336 : index
    %swap3A_532 = tpu.vector_load %arg13[%swap3A_531] {strides = array<i32>} : memref<16384xf32, #tpu.memory_space<vmem>>, vector<16xf32>,
    tpu.vector_store %arg13[%swap3A_531], %mul3A_530 {strides = array<i32>} : memref<16384xf32, #tpu.memory_space<vmem>>, vector<16xf32>,
    %broadcast_in_dim3A_533 = arith.constant 384 : i32
    %broadcast_in_dim3A_534 = vector.broadcast %broadcast_in_dim3A_533 : i32 to vector<16xi32>
    %slice3A_535 = vector.extract_strided_slice %get3A_434 {offsets = [3], sizes = [1], strides = [1]} : vector<16xi32> to vector<1xi32>
    %squeeze3A_536 = vector.extract %slice3A_535[0] : i32 from vector<1xi32>
    %and3A_537 = arith.constant 127 : i32
    %and3A_538 = arith.andi %squeeze3A_536, %and3A_537 : i32
    %add3A_539 = vector.broadcast %and3A_538 : i32 to vector<16xi32>
    %add3A_540 = arith.addi %broadcast_in_dim3A_534, %add3A_539 : vector<16xi32>
    %broadcast_in_dim3A_541 = arith.constant 384 : i32
    %broadcast_in_dim3A_542 = vector.broadcast %broadcast_in_dim3A_541 : i32 to vector<16xi32>
    %slice3A_543 = vector.extract_strided_slice %get3A_436 {offsets = [3], sizes = [1], strides = [1]} : vector<16xi32> to vector<1xi32>
    %squeeze3A_544 = vector.extract %slice3A_543[0] : i32 from vector<1xi32>
    %and3A_545 = arith.constant 127 : i32
    %and3A_546 = arith.andi %squeeze3A_544, %and3A_545 : i32
    %add3A_547 = vector.broadcast %and3A_546 : i32 to vector<16xi32>
    %add3A_548 = arith.addi %broadcast_in_dim3A_542, %add3A_547 : vector<16xi32>
    %gather3A_549 = tpu.vector_load_idx %arg11[%iota3A_432, %add3A_540] : memref<32x512xf32, #tpu.memory_space<vmem>>[vector<16xi32>, vector<16xi32>], vector<16xf32>,
    %gather3A_550 = tpu.vector_load_idx %arg12[%iota3A_432, %add3A_548] : memref<32x512xf32, #tpu.memory_space<vmem>>[vector<16xi32>, vector<16xi32>], vector<16xf32>,
    %mul3A_551 = arith.mulf %gather3A_549, %gather3A_550 : vector<16xf32>
    %swap3A_552 = arith.constant 16352 : index
    %swap3A_553 = tpu.vector_load %arg13[%swap3A_552] {strides = array<i32>} : memref<16384xf32, #tpu.memory_space<vmem>>, vector<16xf32>,
    tpu.vector_store %arg13[%swap3A_552], %mul3A_551 {strides = array<i32>} : memref<16384xf32, #tpu.memory_space<vmem>>, vector<16xf32>,
    %add3A_554 = arith.constant 16 : i32
    %add3A_555 = vector.broadcast %add3A_554 : i32 to vector<16xi32>
    %add3A_556 = arith.addi %iota3A_432, %add3A_555 : vector<16xi32>
    %gather3A_557 = tpu.vector_load_idx %arg11[%add3A_556, %add3A_540] : memref<32x512xf32, #tpu.memory_space<vmem>>[vector<16xi32>, vector<16xi32>], vector<16xf32>,
    %add3A_558 = arith.constant 16 : i32
    %add3A_559 = vector.broadcast %add3A_558 : i32 to vector<16xi32>
    %add3A_560 = arith.addi %iota3A_432, %add3A_559 : vector<16xi32>
    %gather3A_561 = tpu.vector_load_idx %arg12[%add3A_560, %add3A_548] : memref<32x512xf32, #tpu.memory_space<vmem>>[vector<16xi32>, vector<16xi32>], vector<16xf32>,
    %mul3A_562 = arith.mulf %gather3A_557, %gather3A_561 : vector<16xf32>
    %swap3A_563 = arith.constant 16368 : index
    %swap3A_564 = tpu.vector_load %arg13[%swap3A_563] {strides = array<i32>} : memref<16384xf32, #tpu.memory_space<vmem>>, vector<16xf32>,
    tpu.vector_store %arg13[%swap3A_563], %mul3A_562 {strides = array<i32>} : memref<16384xf32, #tpu.memory_space<vmem>>, vector<16xf32>,
    %scan3A_565 = arith.constant 0 : i32
    %scan3A_566 = arith.constant 30 : i32
    %scan3A_567 = arith.constant 2 : i32
    %scan3A_568 = arith.addi %scan3A_566, %scan3A_567 : i32
    %scan3A_569 = arith.constant 1 : i32
    scf.for %scan3A_571 = %scan3A_566 to %scan3A_568 step %scan3A_569  : i32 {
      %iota3A_572 = tpu.iota {dimensions = array<i32: 0>} : vector<16xi32>
      %mul3A_573 = arith.constant 16 : i32
      %mul3A_574 = arith.muli %scan3A_571, %mul3A_573 : i32
      %add3A_575 = vector.broadcast %mul3A_574 : i32 to vector<16xi32>
      %add3A_576 = arith.addi %add3A_575, %iota3A_572 : vector<16xi32>
      %mul3A_577 = arith.constant 32 : i32
      %mul3A_578 = vector.broadcast %mul3A_577 : i32 to vector<16xi32>
      %mul3A_579 = arith.muli %add3A_576, %mul3A_578 : vector<16xi32>
      %broadcast_in_dim3A_580 = arith.constant 0.000000e+00 : f32
      %broadcast_in_dim3A_581 = vector.broadcast %broadcast_in_dim3A_580 : f32 to vector<16xf32>
      %add3A_582 = arith.constant 0 : i32
      %add3A_583 = vector.broadcast %add3A_582 : i32 to vector<16xi32>
      %add3A_584 = arith.addi %mul3A_579, %add3A_583 : vector<16xi32>
      %gather3A_585 = tpu.vector_load_idx %arg13[%add3A_584] : memref<16384xf32, #tpu.memory_space<vmem>>[vector<16xi32>], vector<16xf32>,
      %add3A_586 = arith.addf %broadcast_in_dim3A_581, %gather3A_585 : vector<16xf32>
      %add3A_587 = arith.constant 1 : i32
      %add3A_588 = vector.broadcast %add3A_587 : i32 to vector<16xi32>
      %add3A_589 = arith.addi %mul3A_579, %add3A_588 : vector<16xi32>
      %gather3A_590 = tpu.vector_load_idx %arg13[%add3A_589] : memref<16384xf32, #tpu.memory_space<vmem>>[vector<16xi32>], vector<16xf32>,
      %add3A_591 = arith.addf %add3A_586, %gather3A_590 : vector<16xf32>
      %add3A_592 = arith.constant 2 : i32
      %add3A_593 = vector.broadcast %add3A_592 : i32 to vector<16xi32>
      %add3A_594 = arith.addi %mul3A_579, %add3A_593 : vector<16xi32>
      %gather3A_595 = tpu.vector_load_idx %arg13[%add3A_594] : memref<16384xf32, #tpu.memory_space<vmem>>[vector<16xi32>], vector<16xf32>,
      %add3A_596 = arith.addf %add3A_591, %gather3A_595 : vector<16xf32>
      %add3A_597 = arith.constant 3 : i32
      %add3A_598 = vector.broadcast %add3A_597 : i32 to vector<16xi32>
      %add3A_599 = arith.addi %mul3A_579, %add3A_598 : vector<16xi32>
      %gather3A_600 = tpu.vector_load_idx %arg13[%add3A_599] : memref<16384xf32, #tpu.memory_space<vmem>>[vector<16xi32>], vector<16xf32>,
      %add3A_601 = arith.addf %add3A_596, %gather3A_600 : vector<16xf32>
      %add3A_602 = arith.constant 4 : i32
      %add3A_603 = vector.broadcast %add3A_602 : i32 to vector<16xi32>
      %add3A_604 = arith.addi %mul3A_579, %add3A_603 : vector<16xi32>
      %gather3A_605 = tpu.vector_load_idx %arg13[%add3A_604] : memref<16384xf32, #tpu.memory_space<vmem>>[vector<16xi32>], vector<16xf32>,
      %add3A_606 = arith.addf %add3A_601, %gather3A_605 : vector<16xf32>
      %add3A_607 = arith.constant 5 : i32
      %add3A_608 = vector.broadcast %add3A_607 : i32 to vector<16xi32>
      %add3A_609 = arith.addi %mul3A_579, %add3A_608 : vector<16xi32>
      %gather3A_610 = tpu.vector_load_idx %arg13[%add3A_609] : memref<16384xf32, #tpu.memory_space<vmem>>[vector<16xi32>], vector<16xf32>,
      %add3A_611 = arith.addf %add3A_606, %gather3A_610 : vector<16xf32>
      %add3A_612 = arith.constant 6 : i32
      %add3A_613 = vector.broadcast %add3A_612 : i32 to vector<16xi32>
      %add3A_614 = arith.addi %mul3A_579, %add3A_613 : vector<16xi32>
      %gather3A_615 = tpu.vector_load_idx %arg13[%add3A_614] : memref<16384xf32, #tpu.memory_space<vmem>>[vector<16xi32>], vector<16xf32>,
      %add3A_616 = arith.addf %add3A_611, %gather3A_615 : vector<16xf32>
      %add3A_617 = arith.constant 7 : i32
      %add3A_618 = vector.broadcast %add3A_617 : i32 to vector<16xi32>
      %add3A_619 = arith.addi %mul3A_579, %add3A_618 : vector<16xi32>
      %gather3A_620 = tpu.vector_load_idx %arg13[%add3A_619] : memref<16384xf32, #tpu.memory_space<vmem>>[vector<16xi32>], vector<16xf32>,
      %add3A_621 = arith.addf %add3A_616, %gather3A_620 : vector<16xf32>
      %add3A_622 = arith.constant 8 : i32
      %add3A_623 = vector.broadcast %add3A_622 : i32 to vector<16xi32>
      %add3A_624 = arith.addi %mul3A_579, %add3A_623 : vector<16xi32>
      %gather3A_625 = tpu.vector_load_idx %arg13[%add3A_624] : memref<16384xf32, #tpu.memory_space<vmem>>[vector<16xi32>], vector<16xf32>,
      %add3A_626 = arith.addf %add3A_621, %gather3A_625 : vector<16xf32>
      %add3A_627 = arith.constant 9 : i32
      %add3A_628 = vector.broadcast %add3A_627 : i32 to vector<16xi32>
      %add3A_629 = arith.addi %mul3A_579, %add3A_628 : vector<16xi32>
      %gather3A_630 = tpu.vector_load_idx %arg13[%add3A_629] : memref<16384xf32, #tpu.memory_space<vmem>>[vector<16xi32>], vector<16xf32>,
      %add3A_631 = arith.addf %add3A_626, %gather3A_630 : vector<16xf32>
      %add3A_632 = arith.constant 10 : i32
      %add3A_633 = vector.broadcast %add3A_632 : i32 to vector<16xi32>
      %add3A_634 = arith.addi %mul3A_579, %add3A_633 : vector<16xi32>
      %gather3A_635 = tpu.vector_load_idx %arg13[%add3A_634] : memref<16384xf32, #tpu.memory_space<vmem>>[vector<16xi32>], vector<16xf32>,
      %add3A_636 = arith.addf %add3A_631, %gather3A_635 : vector<16xf32>
      %add3A_637 = arith.constant 11 : i32
      %add3A_638 = vector.broadcast %add3A_637 : i32 to vector<16xi32>
      %add3A_639 = arith.addi %mul3A_579, %add3A_638 : vector<16xi32>
      %gather3A_640 = tpu.vector_load_idx %arg13[%add3A_639] : memref<16384xf32, #tpu.memory_space<vmem>>[vector<16xi32>], vector<16xf32>,
      %add3A_641 = arith.addf %add3A_636, %gather3A_640 : vector<16xf32>
      %add3A_642 = arith.constant 12 : i32
      %add3A_643 = vector.broadcast %add3A_642 : i32 to vector<16xi32>
      %add3A_644 = arith.addi %mul3A_579, %add3A_643 : vector<16xi32>
      %gather3A_645 = tpu.vector_load_idx %arg13[%add3A_644] : memref<16384xf32, #tpu.memory_space<vmem>>[vector<16xi32>], vector<16xf32>,
      %add3A_646 = arith.addf %add3A_641, %gather3A_645 : vector<16xf32>
      %add3A_647 = arith.constant 13 : i32
      %add3A_648 = vector.broadcast %add3A_647 : i32 to vector<16xi32>
      %add3A_649 = arith.addi %mul3A_579, %add3A_648 : vector<16xi32>
      %gather3A_650 = tpu.vector_load_idx %arg13[%add3A_649] : memref<16384xf32, #tpu.memory_space<vmem>>[vector<16xi32>], vector<16xf32>,
      %add3A_651 = arith.addf %add3A_646, %gather3A_650 : vector<16xf32>
      %add3A_652 = arith.constant 14 : i32
      %add3A_653 = vector.broadcast %add3A_652 : i32 to vector<16xi32>
      %add3A_654 = arith.addi %mul3A_579, %add3A_653 : vector<16xi32>
      %gather3A_655 = tpu.vector_load_idx %arg13[%add3A_654] : memref<16384xf32, #tpu.memory_space<vmem>>[vector<16xi32>], vector<16xf32>,
      %add3A_656 = arith.addf %add3A_651, %gather3A_655 : vector<16xf32>
      %add3A_657 = arith.constant 15 : i32
      %add3A_658 = vector.broadcast %add3A_657 : i32 to vector<16xi32>
      %add3A_659 = arith.addi %mul3A_579, %add3A_658 : vector<16xi32>
      %gather3A_660 = tpu.vector_load_idx %arg13[%add3A_659] : memref<16384xf32, #tpu.memory_space<vmem>>[vector<16xi32>], vector<16xf32>,
      %add3A_661 = arith.addf %add3A_656, %gather3A_660 : vector<16xf32>
      %add3A_662 = arith.constant 16 : i32
      %add3A_663 = vector.broadcast %add3A_662 : i32 to vector<16xi32>
      %add3A_664 = arith.addi %mul3A_579, %add3A_663 : vector<16xi32>
      %gather3A_665 = tpu.vector_load_idx %arg13[%add3A_664] : memref<16384xf32, #tpu.memory_space<vmem>>[vector<16xi32>], vector<16xf32>,
      %add3A_666 = arith.addf %add3A_661, %gather3A_665 : vector<16xf32>
      %add3A_667 = arith.constant 17 : i32
      %add3A_668 = vector.broadcast %add3A_667 : i32 to vector<16xi32>
      %add3A_669 = arith.addi %mul3A_579, %add3A_668 : vector<16xi32>
      %gather3A_670 = tpu.vector_load_idx %arg13[%add3A_669] : memref<16384xf32, #tpu.memory_space<vmem>>[vector<16xi32>], vector<16xf32>,
      %add3A_671 = arith.addf %add3A_666, %gather3A_670 : vector<16xf32>
      %add3A_672 = arith.constant 18 : i32
      %add3A_673 = vector.broadcast %add3A_672 : i32 to vector<16xi32>
      %add3A_674 = arith.addi %mul3A_579, %add3A_673 : vector<16xi32>
      %gather3A_675 = tpu.vector_load_idx %arg13[%add3A_674] : memref<16384xf32, #tpu.memory_space<vmem>>[vector<16xi32>], vector<16xf32>,
      %add3A_676 = arith.addf %add3A_671, %gather3A_675 : vector<16xf32>
      %add3A_677 = arith.constant 19 : i32
      %add3A_678 = vector.broadcast %add3A_677 : i32 to vector<16xi32>
      %add3A_679 = arith.addi %mul3A_579, %add3A_678 : vector<16xi32>
      %gather3A_680 = tpu.vector_load_idx %arg13[%add3A_679] : memref<16384xf32, #tpu.memory_space<vmem>>[vector<16xi32>], vector<16xf32>,
      %add3A_681 = arith.addf %add3A_676, %gather3A_680 : vector<16xf32>
      %add3A_682 = arith.constant 20 : i32
      %add3A_683 = vector.broadcast %add3A_682 : i32 to vector<16xi32>
      %add3A_684 = arith.addi %mul3A_579, %add3A_683 : vector<16xi32>
      %gather3A_685 = tpu.vector_load_idx %arg13[%add3A_684] : memref<16384xf32, #tpu.memory_space<vmem>>[vector<16xi32>], vector<16xf32>,
      %add3A_686 = arith.addf %add3A_681, %gather3A_685 : vector<16xf32>
      %add3A_687 = arith.constant 21 : i32
      %add3A_688 = vector.broadcast %add3A_687 : i32 to vector<16xi32>
      %add3A_689 = arith.addi %mul3A_579, %add3A_688 : vector<16xi32>
      %gather3A_690 = tpu.vector_load_idx %arg13[%add3A_689] : memref<16384xf32, #tpu.memory_space<vmem>>[vector<16xi32>], vector<16xf32>,
      %add3A_691 = arith.addf %add3A_686, %gather3A_690 : vector<16xf32>
      %add3A_692 = arith.constant 22 : i32
      %add3A_693 = vector.broadcast %add3A_692 : i32 to vector<16xi32>
      %add3A_694 = arith.addi %mul3A_579, %add3A_693 : vector<16xi32>
      %gather3A_695 = tpu.vector_load_idx %arg13[%add3A_694] : memref<16384xf32, #tpu.memory_space<vmem>>[vector<16xi32>], vector<16xf32>,
      %add3A_696 = arith.addf %add3A_691, %gather3A_695 : vector<16xf32>
      %add3A_697 = arith.constant 23 : i32
      %add3A_698 = vector.broadcast %add3A_697 : i32 to vector<16xi32>
      %add3A_699 = arith.addi %mul3A_579, %add3A_698 : vector<16xi32>
      %gather3A_700 = tpu.vector_load_idx %arg13[%add3A_699] : memref<16384xf32, #tpu.memory_space<vmem>>[vector<16xi32>], vector<16xf32>,
      %add3A_701 = arith.addf %add3A_696, %gather3A_700 : vector<16xf32>
      %add3A_702 = arith.constant 24 : i32
      %add3A_703 = vector.broadcast %add3A_702 : i32 to vector<16xi32>
      %add3A_704 = arith.addi %mul3A_579, %add3A_703 : vector<16xi32>
      %gather3A_705 = tpu.vector_load_idx %arg13[%add3A_704] : memref<16384xf32, #tpu.memory_space<vmem>>[vector<16xi32>], vector<16xf32>,
      %add3A_706 = arith.addf %add3A_701, %gather3A_705 : vector<16xf32>
      %add3A_707 = arith.constant 25 : i32
      %add3A_708 = vector.broadcast %add3A_707 : i32 to vector<16xi32>
      %add3A_709 = arith.addi %mul3A_579, %add3A_708 : vector<16xi32>
      %gather3A_710 = tpu.vector_load_idx %arg13[%add3A_709] : memref<16384xf32, #tpu.memory_space<vmem>>[vector<16xi32>], vector<16xf32>,
      %add3A_711 = arith.addf %add3A_706, %gather3A_710 : vector<16xf32>
      %add3A_712 = arith.constant 26 : i32
      %add3A_713 = vector.broadcast %add3A_712 : i32 to vector<16xi32>
      %add3A_714 = arith.addi %mul3A_579, %add3A_713 : vector<16xi32>
      %gather3A_715 = tpu.vector_load_idx %arg13[%add3A_714] : memref<16384xf32, #tpu.memory_space<vmem>>[vector<16xi32>], vector<16xf32>,
      %add3A_716 = arith.addf %add3A_711, %gather3A_715 : vector<16xf32>
      %add3A_717 = arith.constant 27 : i32
      %add3A_718 = vector.broadcast %add3A_717 : i32 to vector<16xi32>
      %add3A_719 = arith.addi %mul3A_579, %add3A_718 : vector<16xi32>
      %gather3A_720 = tpu.vector_load_idx %arg13[%add3A_719] : memref<16384xf32, #tpu.memory_space<vmem>>[vector<16xi32>], vector<16xf32>,
      %add3A_721 = arith.addf %add3A_716, %gather3A_720 : vector<16xf32>
      %add3A_722 = arith.constant 28 : i32
      %add3A_723 = vector.broadcast %add3A_722 : i32 to vector<16xi32>
      %add3A_724 = arith.addi %mul3A_579, %add3A_723 : vector<16xi32>
      %gather3A_725 = tpu.vector_load_idx %arg13[%add3A_724] : memref<16384xf32, #tpu.memory_space<vmem>>[vector<16xi32>], vector<16xf32>,
      %add3A_726 = arith.addf %add3A_721, %gather3A_725 : vector<16xf32>
      %add3A_727 = arith.constant 29 : i32
      %add3A_728 = vector.broadcast %add3A_727 : i32 to vector<16xi32>
      %add3A_729 = arith.addi %mul3A_579, %add3A_728 : vector<16xi32>
      %gather3A_730 = tpu.vector_load_idx %arg13[%add3A_729] : memref<16384xf32, #tpu.memory_space<vmem>>[vector<16xi32>], vector<16xf32>,
      %add3A_731 = arith.addf %add3A_726, %gather3A_730 : vector<16xf32>
      %add3A_732 = arith.constant 30 : i32
      %add3A_733 = vector.broadcast %add3A_732 : i32 to vector<16xi32>
      %add3A_734 = arith.addi %mul3A_579, %add3A_733 : vector<16xi32>
      %gather3A_735 = tpu.vector_load_idx %arg13[%add3A_734] : memref<16384xf32, #tpu.memory_space<vmem>>[vector<16xi32>], vector<16xf32>,
      %add3A_736 = arith.addf %add3A_731, %gather3A_735 : vector<16xf32>
      %add3A_737 = arith.constant 31 : i32
      %add3A_738 = vector.broadcast %add3A_737 : i32 to vector<16xi32>
      %add3A_739 = arith.addi %mul3A_579, %add3A_738 : vector<16xi32>
      %gather3A_740 = tpu.vector_load_idx %arg13[%add3A_739] : memref<16384xf32, #tpu.memory_space<vmem>>[vector<16xi32>], vector<16xf32>,
      %add3A_741 = arith.addf %add3A_736, %gather3A_740 : vector<16xf32>
      %mul3A_742 = arith.constant 16 : i32
      %mul3A_743 = arith.muli %scan3A_571, %mul3A_742 : i32
      %swap3A_744 = arith.index_cast %mul3A_743 : i32 to index
      %swap3A_745 = tpu.vector_load %arg14[%swap3A_744] {strides = array<i32>} : memref<512xf32, #tpu.memory_space<vmem>>, vector<16xf32>,
      tpu.vector_store %arg14[%swap3A_744], %add3A_741 {strides = array<i32>} : memref<512xf32, #tpu.memory_space<vmem>>, vector<16xf32>,
    }
    %scan3A_570 = arith.constant 2 : i32
    "tpu.region"() ({
      %run_scoped3A = tpu.sem_alloc : memref<!tpu.dma_semaphore, #tpu.memory_space<semaphore_mem>>
      %dma_start3A_571 = tpu.memref_slice %arg6[%mul3A_2] : memref<16384xf32, #tpu.memory_space<hbm>> -> memref<512xf32, #tpu.memory_space<hbm>>
      %dma_start3A_572 = tpu.memref_slice %arg6[%mul3A_2] : memref<16384xf32, #tpu.memory_space<hbm>> -> memref<512xf32, #tpu.memory_space<hbm>>
      tpu.enqueue_dma source(%arg14 : memref<512xf32, #tpu.memory_space<vmem>>) target(%dma_start3A_572 : memref<512xf32, #tpu.memory_space<hbm>>) target_semaphore(%run_scoped3A : memref<!tpu.dma_semaphore, #tpu.memory_space<semaphore_mem>>)
      %dma_wait3A_573 = tpu.memref_slice %arg6[%mul3A_2] : memref<16384xf32, #tpu.memory_space<hbm>> -> memref<512xf32, #tpu.memory_space<hbm>>
      %dma_wait3A_574 = tpu.memref_slice %arg6[%mul3A_2] : memref<16384xf32, #tpu.memory_space<hbm>> -> memref<512xf32, #tpu.memory_space<hbm>>
      tpu.wait_dma2 semaphore(%run_scoped3A : memref<!tpu.dma_semaphore, #tpu.memory_space<semaphore_mem>>) src(%arg14 : memref<512xf32, #tpu.memory_space<vmem>>) dst(%dma_wait3A_574 : memref<512xf32, #tpu.memory_space<hbm>>)
      tpu.yield
    }) : () -> ()
    return
  }
}

</mosaic_0001>

<sc_bundles>
// kernel: _mf_sc.3.cloned.1.call-start
scs
__scs_entry_jumppad:
0x0: {  	(pc) =	sbr.rel $0x88, $3  }
0x1: {  	(tag) =	ssettag $0x0;
	lr =	simm.s32 $0x1  }
0x2: {  	[smem:$0x3F9D] =	sst lr;
	_ =	strace $0xD0000000  }
0x3: {  	_ = 	snop  }
0x4: {  	_ = 	snop  }
0x5: {  	_ = 	snop  }
0x6: {  	_ = 	snop  }
0x7: {  	_ = 	snop  }
__scs_overlays_trampoline_lowered:
0x8: {  	[smem:$0x3FAC] =	sst s0  }
0x9: {  	[smem:$0x3FAD] =	sst s1  }
0xa: {  	[smem:$0x3FAE] =	sst s2  }
0xb: {  	[smem:$0x3FAF] =	sst s3  }
0xc: {  	[smem:$0x3FB0] =	sst s4  }
0xd: {  	[smem:$0x3FB1] =	sst s5  }
0xe: {  	[smem:$0x3FB2] =	sst s6  }
0xf: {  	[smem:$0x3FB3] =	sst s7  }
0x10: {  	[smem:$0x3FB4] =	sst s8  }
0x11: {  	[smem:$0x3FB5] =	sst s9;
	s0 =	simm.s32 @!p0 $0x0  }
0x12: {  	s1 =	sld [smem:$0x3F9B];
	s0 =	simm.s32 @p0 $0x1  }
0x13: {  	[smem:$0x3FB6] =	sst s0;
	s0 =	simm.s32 @!p1 $0x0  }
0x14: {  	s2 =	sld [smem:$0x3F9A];
	s0 =	simm.s32 @p1 $0x1  }
0x15: {  	[smem:$0x3FB7] =	sst s0;
	s0 =	simm.s32 @!p2 $0x0  }
0x16: {  	s3 =	sld [smem:$0x3FDB];
	s0 =	simm.s32 @p2 $0x1  }
0x17: {  	s4 =	simm.s32 $0x1BF5;
	[smem:$0x3FB9] =	sst s0  }
0x18: {  	s0 =	sld [smem:$0x3F9C];
	_ =	swait.ge [sflag:s4], $0x0  }
0x19: {  	s7 =	sld [smem:$0x3F9D]  }
0x1a: {  	s8 =	sadd.s32 $0xFFFFE003, lr  }
0x1b: {  	s9 =	sadd.s32 $0xFFFFFEF7, lr;
	s5 =	simm.s32 $0xFFFFFFFF;
	p2 =	slt.u32 s8, $0xFFFFF086  }
0x1c: {  	p1 =	slt.u32 s9, $0xF7A;
	s5 =	simm.s32 @!p2 $0x0  }
0x1d: {  	s5 =	simm.s32 @p1 $0x1;
	p0 =	seq.s32 s7, s2  }
0x1e: {  	s7 =	smul.u32 @!p0 $0xF7A, s2;
	p2 =	seq.s32 @!p0 s5, $0x0  }
0x1f: {  	s9 =	smul.u32 $0xF7A, s1;
	s8 =	simm.s32 @!p0 $0x1BF5;
	p2 =	por !p2, p0  }
0x20: {  	[sflag:s8] =	ssyncset.s32 @!p0 $0xFFFFF086;
	s6 =	sadd.s32 @!p0 s3, s7;
	s7 =	simm.s32 @!p0 $0x108  }
0x21: {  	s3 =	sadd.s32 s3, s9;
	s6 =	sadd.s32 @!p0 $0x88, s6;
	s7 =	simm.s32 @p2 $0x1082  }
0x22: {  	[simem:s7], [sflag:s8] =	dma.local @!p0 [hbm:s6], $0xF7A  }
0x23: {  	s9 =	sor.u32 $0xD0000000, s2;
	s6 =	simm.s32 $0x108;
	_ =	swait.ge @!p0 [sflag:s8], $0x0  }
0x24: {  	s3 =	sadd.s32 $0x88, s3;
	s6 =	simm.s32 @!p1 $0x1082;
	[sflag:s4] =	ssyncset.s32 $0xFFFFF086  }
0x25: {  	[simem:s6], [sflag:s4] =	dma.local [hbm:s3], $0xF7A  }
0x26: {  	[smem:$0x3F9D] =	sst s1;
	(tag) =	ssettag s2;
	_ =	strace s9  }
0x27: {  	s1 =	sld [smem:$0x3FAD]  }
0x28: {  	s2 =	sld [smem:$0x3FAE]  }
0x29: {  	s4 =	sld [smem:$0x3FB0]  }
0x2a: {  	p0 =	seq.s32 s5, $0x0;
	s5 =	sld [smem:$0x3FB1]  }
0x2b: {  	s6 =	sld [smem:$0x3FB2]  }
0x2c: {  	s7 =	sld [smem:$0x3FB3]  }
0x2d: {  	s3 =	simm.s32 $0x108;
	s8 =	sld [smem:$0x3FB4]  }
0x2e: {  	s3 =	simm.s32 @!p0 $0x1082;
	s9 =	sld [smem:$0x3FB5]  }
0x2f: {  	lr =	sadd.s32 s0, s3;
	s0 =	sld [smem:$0x3FAC]  }
0x30: {  	s3 =	sld [smem:$0x3FAF]  }
0x31: {  	[smem:$0x3FB8] =	sst s10  }
0x32: {  	s10 =	sld [smem:$0x3FB6];
	_ =	sdelay $0x3  }
0x33: {  	p0 =	seq.s32 s10, $0x1;
	s10 =	sld [smem:$0x3FB8];
	_ =	sdelay $0x3  }
0x34: {  	[smem:$0x3FB8] =	sst s10  }
0x35: {  	s10 =	sld [smem:$0x3FB7];
	_ =	sdelay $0x3  }
0x36: {  	p1 =	seq.s32 s10, $0x1;
	s10 =	sld [smem:$0x3FB8];
	_ =	sdelay $0x3  }
0x37: {  	[smem:$0x3FB8] =	sst s10  }
0x38: {  	s10 =	sld [smem:$0x3FB9]  }
0x39: {  	_ = 	snop;
	(pc) =	sbr.ind lr, $3  }
0x3a: {  	_ = 	snop  }
0x3b: {  	_ = 	snop  }
0x3c: {  	p2 =	seq.s32 s10, $0x1;
	s10 =	sld [smem:$0x3FB8]  }
0x3d: {  	_ =	shalt  }
0x3e: {  	_ =	shalt  }
0x3f: {  	_ =	shalt  }
0x40: {  	_ =	shalt  }
0x41: {  	_ =	shalt  }
0x42: {  	_ =	shalt  }
0x43: {  	_ =	shalt  }
0x44: {  	_ =	shalt  }
0x45: {  	_ =	shalt  }
0x46: {  	_ =	shalt  }
0x47: {  	_ =	shalt  }
0x48: {  	_ =	shalt  }
0x49: {  	_ =	shalt  }
0x4a: {  	_ =	shalt  }
0x4b: {  	_ =	shalt  }
0x4c: {  	_ =	shalt  }
0x4d: {  	_ =	shalt  }
0x4e: {  	_ =	shalt  }
0x4f: {  	_ =	shalt  }
0x50: {  	_ =	shalt  }
0x51: {  	_ =	shalt  }
0x52: {  	_ =	shalt  }
0x53: {  	_ =	shalt  }
0x54: {  	_ =	shalt  }
0x55: {  	_ =	shalt  }
0x56: {  	_ =	shalt  }
0x57: {  	_ =	shalt  }
0x58: {  	_ =	shalt  }
0x59: {  	_ =	shalt  }
0x5a: {  	_ =	shalt  }
0x5b: {  	_ =	shalt  }
0x5c: {  	_ =	shalt  }
0x5d: {  	_ =	shalt  }
0x5e: {  	_ =	shalt  }
0x5f: {  	_ =	shalt  }
0x60: {  	_ =	shalt  }
0x61: {  	_ =	shalt  }
0x62: {  	_ =	shalt  }
0x63: {  	_ =	shalt  }
0x64: {  	_ =	shalt  }
0x65: {  	_ =	shalt  }
0x66: {  	_ =	shalt  }
0x67: {  	_ =	shalt  }
0x68: {  	_ =	shalt  }
0x69: {  	_ =	shalt  }
0x6a: {  	_ =	shalt  }
0x6b: {  	_ =	shalt  }
0x6c: {  	_ =	shalt  }
0x6d: {  	_ =	shalt  }
0x6e: {  	_ =	shalt  }
0x6f: {  	_ =	shalt  }
0x70: {  	_ =	shalt  }
0x71: {  	_ =	shalt  }
0x72: {  	_ =	shalt  }
0x73: {  	_ =	shalt  }
0x74: {  	_ =	shalt  }
0x75: {  	_ =	shalt  }
0x76: {  	_ =	shalt  }
0x77: {  	_ =	shalt  }
0x78: {  	_ =	shalt  }
0x79: {  	_ =	shalt  }
0x7a: {  	_ =	shalt  }
0x7b: {  	_ =	shalt  }
0x7c: {  	_ =	shalt  }
0x7d: {  	_ =	shalt  }
0x7e: {  	_ =	shalt  }
0x7f: {  	_ =	shalt  }
0x80: {  	_ =	shalt  }
0x81: {  	_ =	shalt  }
0x82: {  	_ =	shalt  }
0x83: {  	_ =	shalt  }
0x84: {  	_ =	shalt  }
0x85: {  	_ =	shalt  }
0x86: {  	_ =	shalt  }
0x87: {  	_ =	shalt  }
.Lfunc_end0:
.L_simem_size_0:
called_computation_lowered:
.L_overlay_start_0:
0x88: {  	s2 =	sld [smem:$0x3FD9]  }
0x89: {  	s3 =	sld [smem:$0x3FFE];
	_ =	sdelay $0x1  }
0x8a: {  	s1 =	srdreg.scid  }
0x8b: {  	s0 =	sand.u32 $0x1, s1  }
0x8c: {  	s18 =	sshll.u32 s0, $0xA;
	s2 =	sadd.s32 s3, s2  }
0x8d: {  	s2 =	sadd.s32 s2, s18  }
0x8e: {  	[smem:$0x3FC4] =	sst s2  }
0x8f: {  	_ = 	snop  }
0x90: {  	s2 =	sld [smem:$0x3FC9]  }
0x91: {  	s19 =	sld [smem:$0x3FC8]  }
0x92: {  	s4 =	sld [smem:$0x3FC7]  }
0x93: {  	s5 =	sld [smem:$0x3FC6]  }
0x94: {  	s6 =	sld [smem:$0x3FD0];
	(tm) =	ssettm $0x1  }
0x95: {  	s7 =	sld [smem:$0x3FFB];
	_ =	sdelay $0x3  }
0x96: {  	_ =	strace s7  }
0x97: {  	s7 =	sld [smem:$0x3FFC];
	_ =	sdelay $0x3  }
0x98: {  	_ =	strace s7  }
0x99: {  	s7 =	sld [smem:$0x3FFD];
	_ =	sdelay $0x3  }
0x9a: {  	_ =	strace s7  }
0x9b: {  	_ =	strace $0x8FFFFFFF  }
0x9c: {  	s20 =	sld [smem:$0x3FDB];
	_ =	sdelay $0x1  }
0x9d: {  	s8 =	simm.s32 $_scs_section_size  }
0x9e: {  	s9 =	simm.s32 $_size__tile_overlayer_lowered;
	s10 =	simm.s32 $_tile_overlayer_lowered  }
0x9f: {  	s23 =	simm.s32 $0x1BFF;
	s22 =	sshll.u32 s10, $0x1;
	s7 =	sadd.s32 s8, s20  }
0xa0: {  	s11 =	simm.s32 $0x0;
	s21 =	sshll.u32 s9, $0x1;
	s9 =	sadd.s32 s22, s7  }
0xa1: {  	[timem:s11], [sflag:s23] =	dma.local [hbm:s9], s21  }
0xa2: {  	_ =	swait.ge [sflag:s23], s21  }
0xa3: {  	s8 =	ssub.s32 $0x0, s21;
	[sflag:s23] =	ssyncset.done $0x0  }
0xa4: {  	[sflag:s23] =	ssyncadd.s32 s8;
	_ =	sdelay $0x1  }
0xa5: {  	s24 =	simm.s32 $0x1B8B  }
0xa6: {  	_ =	swait.ge [sflag:s24], $0x1  }
0xa7: {  	[sflag:s24] =	ssyncset.done $0x0  }
0xa8: {  	s25 =	simm.s32 $0x1B8E;
	[sflag:s24] =	ssyncadd.s32 $0xFFFFFFFF  }
0xa9: {  	s26 =	simm.s32 $execute0_lowered;
	[smem:$0x3FD2] =	sst s25  }
0xaa: {  	s8 =	sshll.u32 s26, $0x1;
	_ =	strace $0x80000046;
	[dreg:$0x1] =	wrdreg $0xFFFFFFFF  }
0xab: {  	s28 =	simm.s32 $_size_execute0_lowered;
	s7 =	sadd.s32 s7, s8;
	[dreg:$0x0] =	wrdreg $0x0  }
0xac: {  	s8 =	sshll.u32 s28, $0x1;
	[dreg:$0x2] =	wrdreg s7  }
0xad: {  	[dreg:$0x3] =	wrdreg s8  }
0xae: {  	[dreg:$0x4] =	wrdreg $0xC0  }
0xaf: {  	_ =	task [dreg:s11], $0x5FFFF  }
0xb0: {  	[dreg:$0x1] =	wrdreg $0xFFFFFFFF  }
0xb1: {  	[dreg:$0x0] =	wrdreg $0x60  }
0xb2: {  	[dreg:$0x2] =	wrdreg s2  }
0xb3: {  	[dreg:$0x3] =	wrdreg s19  }
0xb4: {  	[dreg:$0x4] =	wrdreg s4  }
0xb5: {  	[dreg:$0x5] =	wrdreg s5  }
0xb6: {  	[dreg:$0x6] =	wrdreg s6  }
0xb7: {  	[dreg:$0x7] =	wrdreg $0x9  }
0xb8: {  	_ =	task.clear_ibuf [dreg:s11], $0x8FFFF;
	_ =	strace $0x90000046  }
0xb9: {  	s29 =	simm.s32 $0x9;
	_ =	strace $0x80000048  }
0xba: {  	_ =	swait.ge [sflag:s29], $0x1  }
0xbb: {  	[sflag:s29] =	ssyncadd.s32 $0xFFFFFFFF  }
0xbc: {  	_ =	strace $0x90000048  }
0xbd: {  	_ =	sfence  }
0xbe: {  	s30 =	sld [smem:$0x0];
	_ =	sdelay $0x2  }
0xbf: {  	s31 =	sshll.u32 s1, $0xD;
	s1 =	sshrl.u32 s1, $0x2  }
0xc0: {  	s3 =	sand.u32 $0x4000, s31;
	s1 =	sadd.s32 s1, s30  }
0xc1: {  	s0 =	sor.u32 s3, s0;
	s1 =	sshll.u32 s1, $0x11  }
0xc2: {  	s0 =	sor.u32 s1, s0  }
0xc3: {  	s0 =	sadd.s32 $0x8F2B, s0  }
0xc4: {  	[sflag:s0] =	ssyncadd.remote.s32 $0x1  }
0xc5: {  	_ =	sfence.sel $0xFFFF  }
0xc6: {  	[dreg:$0x0] =	wrdreg $0xFFFFFFFF;
	(pc) =	sbr.abs _section_cstart, $3  }
0xc7: {  	[dreg:$0x1] =	wrdreg $0xFFFFFFFF  }
0xc8: {  	_ =	task.clear_ibuf [dreg:s11], $0x2FFFF;
	_ =	strace $0x9FFFFFFF  }
0xc9: {  	(tm) =	ssettm $0x7FFFFFFF  }
tec
execute0_lowered:
.L_overlay_start_1:
0x0: {  	(tag) =	ssettag $0x1  }
0x1: {  	v0 =	vimm.s32 $0x1380  }
0x2: {  	vm14 =	vcmask $0x300;
	vm13 =	vcmask $0x704;
	v1 =	vimm.s32 $0x3380  }
0x3: {  	vm12 =	vcmask $0xB08;
	vm11 =	vcmask $0xF0C;
	vm10 =	vcmask $0x1310  }
0x4: {  	vm9 =	vcmask $0x1714;
	vm8 =	vcmask $0x1B18;
	vm7 =	vcmask $0x1F1C  }
0x5: {  	vm6 =	vcmask $0x2320;
	vm5 =	vcmask $0x2724;
	vm4 =	vcmask $0x2B28  }
0x6: {  	vm3 =	vcmask $0x2F2C;
	vm2 =	vcmask $0x3330;
	vm1 =	vcmask $0x3734  }
0x7: {  	vm0 =	vcmask $0x3B38;
	v2 =	vimm.s32 $0x1780;
	v3 =	vimm.s32 $0x3780  }
0x8: {  	v4 =	vimm.s32 $0x1B80;
	v5 =	vimm.s32 $0x3B80;
	v6 =	vimm.s32 $0x1F80  }
0x9: {  	v7 =	vimm.s32 $0x3F80;
	v8 =	vlaneseq.u32;
	v0 =	vsel vm14, $0x0, v0  }
0xa: {  	v1 =	vsel vm14, $0x2000, v1;
	v2 =	vsel vm14, $0x400, v2;
	v3 =	vsel vm14, $0x2400, v3  }
0xb: {  	v4 =	vsel vm14, $0x800, v4;
	v5 =	vsel vm14, $0x2800, v5;
	v6 =	vsel vm14, $0xC00, v6  }
0xc: {  	v7 =	vsel vm14, $0x2C00, v7;
	v8 =	vmul.u32 $0x20, v8;
	v0 =	vsel vm13, $0x80, v0  }
0xd: {  	v1 =	vsel vm13, $0x2080, v1;
	v2 =	vsel vm13, $0x480, v2;
	v3 =	vsel vm13, $0x2480, v3  }
0xe: {  	v4 =	vsel vm13, $0x880, v4;
	v5 =	vsel vm13, $0x2880, v5;
	v6 =	vsel vm13, $0xC80, v6  }
0xf: {  	v7 =	vsel vm13, $0x2C80, v7;
	v0 =	vsel vm12, $0x100, v0;
	v1 =	vsel vm12, $0x2100, v1  }
0x10: {  	v2 =	vsel vm12, $0x500, v2;
	v3 =	vsel vm12, $0x2500, v3;
	v4 =	vsel vm12, $0x900, v4  }
0x11: {  	v5 =	vsel vm12, $0x2900, v5;
	v6 =	vsel vm12, $0xD00, v6;
	v7 =	vsel vm12, $0x2D00, v7  }
0x12: {  	v0 =	vsel vm11, $0x180, v0;
	v1 =	vsel vm11, $0x2180, v1;
	v2 =	vsel vm11, $0x580, v2  }
0x13: {  	v3 =	vsel vm11, $0x2580, v3;
	v4 =	vsel vm11, $0x980, v4;
	v5 =	vsel vm11, $0x2980, v5  }
0x14: {  	v6 =	vsel vm11, $0xD80, v6;
	v7 =	vsel vm11, $0x2D80, v7;
	v0 =	vsel vm10, $0x200, v0  }
0x15: {  	v1 =	vsel vm10, $0x2200, v1;
	v2 =	vsel vm10, $0x600, v2;
	v3 =	vsel vm10, $0x2600, v3  }
0x16: {  	v4 =	vsel vm10, $0xA00, v4;
	v5 =	vsel vm10, $0x2A00, v5;
	v6 =	vsel vm10, $0xE00, v6  }
0x17: {  	v7 =	vsel vm10, $0x2E00, v7;
	v0 =	vsel vm9, $0x280, v0;
	v1 =	vsel vm9, $0x2280, v1  }
0x18: {  	v2 =	vsel vm9, $0x680, v2;
	v3 =	vsel vm9, $0x2680, v3;
	v4 =	vsel vm9, $0xA80, v4  }
0x19: {  	v5 =	vsel vm9, $0x2A80, v5;
	v6 =	vsel vm9, $0xE80, v6;
	v7 =	vsel vm9, $0x2E80, v7  }
0x1a: {  	v0 =	vsel vm8, $0x300, v0;
	v1 =	vsel vm8, $0x2300, v1;
	v2 =	vsel vm8, $0x700, v2  }
0x1b: {  	v3 =	vsel vm8, $0x2700, v3;
	v4 =	vsel vm8, $0xB00, v4;
	v5 =	vsel vm8, $0x2B00, v5  }
0x1c: {  	v6 =	vsel vm8, $0xF00, v6;
	v7 =	vsel vm8, $0x2F00, v7;
	v0 =	vsel vm7, $0x380, v0  }
0x1d: {  	v1 =	vsel vm7, $0x2380, v1;
	v2 =	vsel vm7, $0x780, v2;
	v3 =	vsel vm7, $0x2780, v3  }
0x1e: {  	v4 =	vsel vm7, $0xB80, v4;
	v5 =	vsel vm7, $0x2B80, v5;
	v6 =	vsel vm7, $0xF80, v6  }
0x1f: {  	v7 =	vsel vm7, $0x2F80, v7;
	v0 =	vsel vm6, $0x1000, v0;
	v1 =	vsel vm6, $0x3000, v1  }
0x20: {  	s2 =	rddreg [dreg:$0x0];
	v2 =	vsel vm6, $0x1400, v2;
	v3 =	vsel vm6, $0x3400, v3;
	v4 =	vsel vm6, $0x1800, v4  }
0x21: {  	s4 =	rddreg [dreg:$0x1];
	v5 =	vsel vm6, $0x3800, v5;
	v6 =	vsel vm6, $0x1C00, v6;
	v7 =	vsel vm6, $0x3C00, v7  }
0x22: {  	s0 =	rddreg [dreg:$0x2];
	v0 =	vsel vm5, $0x1080, v0;
	v1 =	vsel vm5, $0x3080, v1;
	v2 =	vsel vm5, $0x1480, v2  }
0x23: {  	s1 =	rddreg [dreg:$0x3];
	v3 =	vsel vm5, $0x3480, v3;
	v4 =	vsel vm5, $0x1880, v4;
	v5 =	vsel vm5, $0x3880, v5  }
0x24: {  	s5 =	rddreg [dreg:$0x4];
	s6 =	srdreg.scid;
	s3 =	simm.s32 $0x0;
	v6 =	vsel vm5, $0x1C80, v6;
	v7 =	vsel vm5, $0x3C80, v7;
	v0 =	vsel vm4, $0x1100, v0  }
0x25: {  	s9 =	stileid.u32;
	s11 =	simm.s32 $0x500;
	s15 =	simm.s32 $0x4500;
	v1 =	vsel vm4, $0x3100, v1;
	v2 =	vsel vm4, $0x1500, v2;
	v3 =	vsel vm4, $0x3500, v3  }
0x26: {  	s17 =	simm.s32 $0x8500;
	s21 =	simm.s32 $0xC500;
	s12 =	simm.s32 $0xED00;
	v4 =	vsel vm4, $0x1900, v4;
	v5 =	vsel vm4, $0x3900, v5;
	v6 =	vsel vm4, $0x1D00, v6  }
0x27: {  	s13 =	simm.s32 $0xFD00;
	s14 =	simm.s32 $0x9100;
	s16 =	simm.s32 $0xA100;
	v7 =	vsel vm4, $0x3D00, v7;
	v0 =	vsel vm3, $0x1180, v0;
	v1 =	vsel vm3, $0x3180, v1  }
0x28: {  	s18 =	simm.s32 $0xB100;
	s19 =	simm.s32 $0xC100;
	s20 =	simm.s32 $0xD100;
	v2 =	vsel vm3, $0x1580, v2;
	v3 =	vsel vm3, $0x3580, v3;
	v4 =	vsel vm3, $0x1980, v4  }
0x29: {  	s22 =	simm.s32 $0xE100;
	s23 =	simm.s32 $0xF100;
	s24 =	simm.s32 $0x10100;
	v5 =	vsel vm3, $0x3980, v5;
	v6 =	vsel vm3, $0x1D80, v6;
	v7 =	vsel vm3, $0x3D80, v7  }
0x2a: {  	s25 =	simm.s32 $0x1;
	s26 =	simm.s32 $0x2;
	s6 =	sand.u32 $0x1, s6;
	v0 =	vsel vm2, $0x1200, v0;
	v1 =	vsel vm2, $0x3200, v1;
	v2 =	vsel vm2, $0x1600, v2  }
0x2b: {  	s9 =	sshll.u32 s9, $0x7;
	s7 =	ssub.s32 $0x2, s6;
	s6 =	sshll.u32 s6, $0x6;
	v3 =	vsel vm2, $0x3600, v3;
	v4 =	vsel vm2, $0x1A00, v4;
	v5 =	vsel vm2, $0x3A00, v5  }
0x2c: {  	s28 =	simm.s32 $0x10500;
	[smem:$0x7FF] =	sst s3;
	s6 =	sor.u32 s6, s9;
	v6 =	vsel vm2, $0x1E00, v6;
	v7 =	vsel vm2, $0x3E00, v7;
	v0 =	vsel vm1, $0x1280, v0  }
0x2d: {  	_ =	strace $0x80000047;
	s8 =	sshrl.u32 s7, $0x1;
	s2 =	sadd.s32 s2, s6;
	v1 =	vsel vm1, $0x3280, v1;
	v2 =	vsel vm1, $0x1680, v2;
	v3 =	vsel vm1, $0x3680, v3  }
0x2e: {  	s9 =	simm.s32 $0xDD00;
	s29 =	sadd.s32 s4, s6;
	[dreg:$0x6] =	wrdreg s2;
	v4 =	vsel vm1, $0x1A80, v4;
	v5 =	vsel vm1, $0x3A80, v5;
	v6 =	vsel vm1, $0x1E80, v6  }
0x2f: {  	s7 =	ssub.s32 s7, s8;
	s30 =	sadd.s32 s5, s6;
	[dreg:$0x7] =	wrdreg s29;
	v7 =	vsel vm1, $0x3E80, v7;
	v0 =	vsel vm0, $0x1300, v0;
	v1 =	vsel vm0, $0x3300, v1  }
0x30: {  	s4 =	simm.s32 $0x3;
	[dreg:$0x8] =	wrdreg s30;
	s31 =	smax.u32 s7, $0x1;
	v2 =	vsel vm0, $0x1700, v2;
	v3 =	vsel vm0, $0x3700, v3;
	v4 =	vsel vm0, $0x1B00, v4  }
0x31: {  	s8 =	simm.s32 $0xCD00;
	s5 =	simm.s32 $0x0;
	[dreg:$0x9] =	wrdreg s31;
	v5 =	vsel vm0, $0x3B00, v5;
	v6 =	vsel vm0, $0x1F00, v6;
	v7 =	vsel vm0, $0x3F00, v7  }
.LBB2_1:
0x32: {  	[dreg:$0xa] =	wrdreg s5  }
0x33: {  	s2 =	rddreg [dreg:$0x6]  }
0x34: {  	[tilespmem:s3], [sflag:$0x3] =	stream.linear.gather [hbm4b:s2+s3], $0x200, $0x38;
	[tilespmem:$0x14700] =	vst v63  }
0x35: {  	_ =	swait.ge [sflag:s4], $0x200  }
0x36: {  	[sflag:s4] =	ssyncset.done $0x0  }
0x37: {  	s10 =	simm.s32 $0x280;
	s7 =	rddreg [dreg:$0x7];
	[sflag:s4] =	ssyncadd.s32 $0xFFFFFE00  }
0x38: {  	[tilespmem:s10], [sflag:$0x3] =	stream.linear.gather [hbm4b:s7+s3], $0x200, $0x38;
	[tilespmem:$0x14700] =	vst v63  }
0x39: {  	_ =	swait.ge [sflag:s4], $0x200  }
0x3a: {  	[sflag:s4] =	ssyncset.done $0x0  }
0x3b: {  	[sflag:s4] =	ssyncadd.s32 $0xFFFFFE00  }
0x3c: {  	v9 =	vld [tilespmem:$0x0];
	_ =	sdelay $0x4  }
0x3d: {  	(v2sf) =	vpush v9, $0x0;
	_ =	sdelay $0x2  }
0x3e: {  	v10 =	vld [tilespmem:$0x280];
	_ =	sdelay $0x4  }
0x3f: {  	(v2sf) =	vpush v10, $0x0;
	_ =	sdelay $0x6  }
0x40: {  	s6 =	spop (v2sf)  }
0x41: {  	s2 =	sand.u32 $0xFFFFF80, s6  }
0x42: {  	(v2sf) =	vpush v9, $0x1;
	s2 =	sadd.s32 s0, s2  }
0x43: {  	[tilespmem:s11], [sflag:$0x1] =	stream.linear.gather [hbm4b:s2+s3], $0x400, $0x38;
	[tilespmem:$0x14700] =	vst v63  }
0x44: {  	s10 =	simm.s32 $0x1500;
	s7 =	sadd.s32 $0xF4280, s2  }
0x45: {  	[tilespmem:s10], [sflag:$0x1] =	stream.linear.gather [hbm4b:s7+s3], $0x400, $0x38;
	[tilespmem:$0x14700] =	vst v63  }
0x46: {  	s6 =	sadd.s32 $0x1E8500, s2;
	s7 =	simm.s32 $0x2500  }
0x47: {  	[tilespmem:s7], [sflag:$0x1] =	stream.linear.gather [hbm4b:s6+s3], $0x400, $0x38;
	[tilespmem:$0x14700] =	vst v63  }
0x48: {  	s4 =	spop (v2sf);
	s2 =	sadd.s32 $0x2DC780, s2;
	s10 =	simm.s32 $0x3500  }
0x49: {  	[tilespmem:s10], [sflag:$0x1] =	stream.linear.gather [hbm4b:s2+s3], $0x400, $0x38;
	[tilespmem:$0x14700] =	vst v63  }
0x4a: {  	s2 =	sand.u32 $0xFFFFF80, s4  }
0x4b: {  	(v2sf) =	vpush v10, $0x1;
	s2 =	sadd.s32 s1, s2  }
0x4c: {  	[tilespmem:s15], [sflag:$0x1] =	stream.linear.gather [hbm4b:s2+s3], $0x400, $0x38;
	[tilespmem:$0x14700] =	vst v63  }
0x4d: {  	s6 =	simm.s32 $0x5500;
	s5 =	sadd.s32 $0xF4280, s2  }
0x4e: {  	[tilespmem:s6], [sflag:$0x1] =	stream.linear.gather [hbm4b:s5+s3], $0x400, $0x38;
	[tilespmem:$0x14700] =	vst v63  }
0x4f: {  	s10 =	simm.s32 $0x6500;
	s7 =	sadd.s32 $0x1E8500, s2  }
0x50: {  	[tilespmem:s10], [sflag:$0x1] =	stream.linear.gather [hbm4b:s7+s3], $0x400, $0x38;
	[tilespmem:$0x14700] =	vst v63  }
0x51: {  	s2 =	sadd.s32 $0x2DC780, s2;
	s6 =	simm.s32 $0x7500;
	s7 =	spop (v2sf)  }
0x52: {  	[tilespmem:s6], [sflag:$0x1] =	stream.linear.gather [hbm4b:s2+s3], $0x400, $0x38;
	[tilespmem:$0x14700] =	vst v63  }
0x53: {  	s2 =	sand.u32 $0xFFFFF80, s7  }
0x54: {  	s10 =	simm.s32 $0x900;
	(v2sf) =	vpush v9, $0x2;
	s2 =	sadd.s32 s0, s2  }
0x55: {  	[tilespmem:s10], [sflag:$0x1] =	stream.linear.gather [hbm4b:s2+s3], $0x400, $0x38;
	[tilespmem:$0x14700] =	vst v63  }
0x56: {  	s6 =	simm.s32 $0x1900;
	s5 =	sadd.s32 $0xF4280, s2  }
0x57: {  	[tilespmem:s6], [sflag:$0x1] =	stream.linear.gather [hbm4b:s5+s3], $0x400, $0x38;
	[tilespmem:$0x14700] =	vst v63  }
0x58: {  	s7 =	sadd.s32 $0x1E8500, s2;
	s10 =	simm.s32 $0x2900  }
0x59: {  	[tilespmem:s10], [sflag:$0x1] =	stream.linear.gather [hbm4b:s7+s3], $0x400, $0x38;
	[tilespmem:$0x14700] =	vst v63  }
0x5a: {  	s2 =	sadd.s32 $0x2DC780, s2;
	s6 =	simm.s32 $0x3900;
	s7 =	spop (v2sf)  }
0x5b: {  	[tilespmem:s6], [sflag:$0x1] =	stream.linear.gather [hbm4b:s2+s3], $0x400, $0x38;
	[tilespmem:$0x14700] =	vst v63  }
0x5c: {  	s2 =	sand.u32 $0xFFFFF80, s7  }
0x5d: {  	s10 =	simm.s32 $0x4900;
	(v2sf) =	vpush v10, $0x2;
	s2 =	sadd.s32 s1, s2  }
0x5e: {  	[tilespmem:s10], [sflag:$0x1] =	stream.linear.gather [hbm4b:s2+s3], $0x400, $0x38;
	[tilespmem:$0x14700] =	vst v63  }
0x5f: {  	s6 =	simm.s32 $0x5900;
	s5 =	sadd.s32 $0xF4280, s2  }
0x60: {  	[tilespmem:s6], [sflag:$0x1] =	stream.linear.gather [hbm4b:s5+s3], $0x400, $0x38;
	[tilespmem:$0x14700] =	vst v63  }
0x61: {  	s7 =	sadd.s32 $0x1E8500, s2;
	s10 =	simm.s32 $0x6900  }
0x62: {  	[tilespmem:s10], [sflag:$0x1] =	stream.linear.gather [hbm4b:s7+s3], $0x400, $0x38;
	[tilespmem:$0x14700] =	vst v63  }
0x63: {  	s2 =	sadd.s32 $0x2DC780, s2;
	s6 =	simm.s32 $0x7900;
	s7 =	spop (v2sf)  }
0x64: {  	[tilespmem:s6], [sflag:$0x1] =	stream.linear.gather [hbm4b:s2+s3], $0x400, $0x38;
	[tilespmem:$0x14700] =	vst v63  }
0x65: {  	s2 =	sand.u32 $0xFFFFF80, s7  }
0x66: {  	s10 =	simm.s32 $0xD00;
	(v2sf) =	vpush v9, $0x3;
	s2 =	sadd.s32 s0, s2  }
0x67: {  	[tilespmem:s10], [sflag:$0x1] =	stream.linear.gather [hbm4b:s2+s3], $0x400, $0x38;
	[tilespmem:$0x14700] =	vst v63  }
0x68: {  	s6 =	simm.s32 $0x1D00;
	s5 =	sadd.s32 $0xF4280, s2  }
0x69: {  	[tilespmem:s6], [sflag:$0x1] =	stream.linear.gather [hbm4b:s5+s3], $0x400, $0x38;
	[tilespmem:$0x14700] =	vst v63  }
0x6a: {  	s7 =	sadd.s32 $0x1E8500, s2;
	s10 =	simm.s32 $0x2D00  }
0x6b: {  	[tilespmem:s10], [sflag:$0x1] =	stream.linear.gather [hbm4b:s7+s3], $0x400, $0x38;
	[tilespmem:$0x14700] =	vst v63  }
0x6c: {  	s2 =	sadd.s32 $0x2DC780, s2;
	s6 =	simm.s32 $0x3D00;
	s7 =	spop (v2sf)  }
0x6d: {  	[tilespmem:s6], [sflag:$0x1] =	stream.linear.gather [hbm4b:s2+s3], $0x400, $0x38;
	[tilespmem:$0x14700] =	vst v63  }
0x6e: {  	s2 =	sand.u32 $0xFFFFF80, s7  }
0x6f: {  	s10 =	simm.s32 $0x4D00;
	(v2sf) =	vpush v10, $0x3;
	s2 =	sadd.s32 s1, s2  }
0x70: {  	[tilespmem:s10], [sflag:$0x1] =	stream.linear.gather [hbm4b:s2+s3], $0x400, $0x38;
	[tilespmem:$0x14700] =	vst v63  }
0x71: {  	s6 =	simm.s32 $0x5D00;
	s5 =	sadd.s32 $0xF4280, s2  }
0x72: {  	[tilespmem:s6], [sflag:$0x1] =	stream.linear.gather [hbm4b:s5+s3], $0x400, $0x38;
	[tilespmem:$0x14700] =	vst v63  }
0x73: {  	s7 =	sadd.s32 $0x1E8500, s2;
	s10 =	simm.s32 $0x6D00  }
0x74: {  	[tilespmem:s10], [sflag:$0x1] =	stream.linear.gather [hbm4b:s7+s3], $0x400, $0x38;
	[tilespmem:$0x14700] =	vst v63  }
0x75: {  	s2 =	sadd.s32 $0x2DC780, s2;
	s6 =	simm.s32 $0x7D00;
	s7 =	spop (v2sf)  }
0x76: {  	[tilespmem:s6], [sflag:$0x1] =	stream.linear.gather [hbm4b:s2+s3], $0x400, $0x38;
	[tilespmem:$0x14700] =	vst v63  }
0x77: {  	s2 =	sand.u32 $0xFFFFF80, s7  }
0x78: {  	s10 =	simm.s32 $0x1100;
	s2 =	sadd.s32 s0, s2  }
0x79: {  	[tilespmem:s10], [sflag:$0x1] =	stream.linear.gather [hbm4b:s2+s3], $0x400, $0x38;
	[tilespmem:$0x14700] =	vst v63  }
0x7a: {  	s6 =	simm.s32 $0x2100;
	s5 =	sadd.s32 $0xF4280, s2  }
0x7b: {  	[tilespmem:s6], [sflag:$0x1] =	stream.linear.gather [hbm4b:s5+s3], $0x400, $0x38;
	[tilespmem:$0x14700] =	vst v63  }
0x7c: {  	s7 =	sadd.s32 $0x1E8500, s2;
	s10 =	simm.s32 $0x3100  }
0x7d: {  	[tilespmem:s10], [sflag:$0x1] =	stream.linear.gather [hbm4b:s7+s3], $0x400, $0x38;
	[tilespmem:$0x14700] =	vst v63  }
0x7e: {  	s2 =	sadd.s32 $0x2DC780, s2;
	s6 =	simm.s32 $0x4100;
	s7 =	spop (v2sf)  }
0x7f: {  	[tilespmem:s6], [sflag:$0x1] =	stream.linear.gather [hbm4b:s2+s3], $0x400, $0x38;
	[tilespmem:$0x14700] =	vst v63  }
0x80: {  	s2 =	sand.u32 $0xFFFFF80, s7  }
0x81: {  	s10 =	simm.s32 $0x5100;
	s2 =	sadd.s32 s1, s2  }
0x82: {  	[tilespmem:s10], [sflag:$0x1] =	stream.linear.gather [hbm4b:s2+s3], $0x400, $0x38;
	[tilespmem:$0x14700] =	vst v63  }
0x83: {  	s6 =	simm.s32 $0x6100;
	s5 =	sadd.s32 $0xF4280, s2  }
0x84: {  	[tilespmem:s6], [sflag:$0x1] =	stream.linear.gather [hbm4b:s5+s3], $0x400, $0x38;
	[tilespmem:$0x14700] =	vst v63  }
0x85: {  	s7 =	sadd.s32 $0x1E8500, s2;
	s10 =	simm.s32 $0x7100  }
0x86: {  	[tilespmem:s10], [sflag:$0x1] =	stream.linear.gather [hbm4b:s7+s3], $0x400, $0x38;
	[tilespmem:$0x14700] =	vst v63  }
0x87: {  	s2 =	sadd.s32 $0x2DC780, s2;
	s5 =	simm.s32 $0x8100  }
0x88: {  	[tilespmem:s5], [sflag:$0x1] =	stream.linear.gather [hbm4b:s2+s3], $0x400, $0x38;
	[tilespmem:$0x14700] =	vst v63  }
0x89: {  	v9 =	vld [tilespmem:$0x4];
	_ =	sdelay $0x4  }
0x8a: {  	(v2sf) =	vpush v9, $0x0;
	_ =	sdelay $0x2  }
0x8b: {  	v10 =	vld [tilespmem:$0x284];
	_ =	sdelay $0x4  }
0x8c: {  	(v2sf) =	vpush v10, $0x0;
	_ =	sdelay $0x6  }
0x8d: {  	s6 =	spop (v2sf)  }
0x8e: {  	s2 =	sand.u32 $0xFFFFF80, s6  }
0x8f: {  	(v2sf) =	vpush v9, $0x1;
	s2 =	sadd.s32 s0, s2  }
0x90: {  	[tilespmem:s17], [sflag:$0x2] =	stream.linear.gather [hbm4b:s2+s3], $0x400, $0x38;
	[tilespmem:$0x14700] =	vst v63  }
0x91: {  	s10 =	simm.s32 $0x9500;
	s7 =	sadd.s32 $0xF4280, s2  }
0x92: {  	[tilespmem:s10], [sflag:$0x2] =	stream.linear.gather [hbm4b:s7+s3], $0x400, $0x38;
	[tilespmem:$0x14700] =	vst v63  }
0x93: {  	s6 =	sadd.s32 $0x1E8500, s2;
	s7 =	simm.s32 $0xA500  }
0x94: {  	[tilespmem:s7], [sflag:$0x2] =	stream.linear.gather [hbm4b:s6+s3], $0x400, $0x38;
	[tilespmem:$0x14700] =	vst v63  }
0x95: {  	s4 =	spop (v2sf);
	s2 =	sadd.s32 $0x2DC780, s2;
	s10 =	simm.s32 $0xB500  }
0x96: {  	[tilespmem:s10], [sflag:$0x2] =	stream.linear.gather [hbm4b:s2+s3], $0x400, $0x38;
	[tilespmem:$0x14700] =	vst v63  }
0x97: {  	s2 =	sand.u32 $0xFFFFF80, s4  }
0x98: {  	(v2sf) =	vpush v10, $0x1;
	s2 =	sadd.s32 s1, s2  }
0x99: {  	[tilespmem:s21], [sflag:$0x2] =	stream.linear.gather [hbm4b:s2+s3], $0x400, $0x38;
	[tilespmem:$0x14700] =	vst v63  }
0x9a: {  	s6 =	simm.s32 $0xD500;
	s5 =	sadd.s32 $0xF4280, s2  }
0x9b: {  	[tilespmem:s6], [sflag:$0x2] =	stream.linear.gather [hbm4b:s5+s3], $0x400, $0x38;
	[tilespmem:$0x14700] =	vst v63  }
0x9c: {  	s10 =	simm.s32 $0xE500;
	s7 =	sadd.s32 $0x1E8500, s2  }
0x9d: {  	[tilespmem:s10], [sflag:$0x2] =	stream.linear.gather [hbm4b:s7+s3], $0x400, $0x38;
	[tilespmem:$0x14700] =	vst v63  }
0x9e: {  	s2 =	sadd.s32 $0x2DC780, s2;
	s6 =	simm.s32 $0xF500;
	s7 =	spop (v2sf)  }
0x9f: {  	[tilespmem:s6], [sflag:$0x2] =	stream.linear.gather [hbm4b:s2+s3], $0x400, $0x38;
	[tilespmem:$0x14700] =	vst v63  }
0xa0: {  	s2 =	sand.u32 $0xFFFFF80, s7  }
0xa1: {  	s10 =	simm.s32 $0x8900;
	(v2sf) =	vpush v9, $0x2;
	s2 =	sadd.s32 s0, s2  }
0xa2: {  	[tilespmem:s10], [sflag:$0x2] =	stream.linear.gather [hbm4b:s2+s3], $0x400, $0x38;
	[tilespmem:$0x14700] =	vst v63  }
0xa3: {  	s6 =	simm.s32 $0x9900;
	s5 =	sadd.s32 $0xF4280, s2  }
0xa4: {  	[tilespmem:s6], [sflag:$0x2] =	stream.linear.gather [hbm4b:s5+s3], $0x400, $0x38;
	[tilespmem:$0x14700] =	vst v63  }
0xa5: {  	s7 =	sadd.s32 $0x1E8500, s2;
	s10 =	simm.s32 $0xA900  }
0xa6: {  	[tilespmem:s10], [sflag:$0x2] =	stream.linear.gather [hbm4b:s7+s3], $0x400, $0x38;
	[tilespmem:$0x14700] =	vst v63  }
0xa7: {  	s2 =	sadd.s32 $0x2DC780, s2;
	s6 =	simm.s32 $0xB900;
	s7 =	spop (v2sf)  }
0xa8: {  	[tilespmem:s6], [sflag:$0x2] =	stream.linear.gather [hbm4b:s2+s3], $0x400, $0x38;
	[tilespmem:$0x14700] =	vst v63  }
0xa9: {  	s2 =	sand.u32 $0xFFFFF80, s7  }
0xaa: {  	s10 =	simm.s32 $0xC900;
	(v2sf) =	vpush v10, $0x2;
	s2 =	sadd.s32 s1, s2  }
0xab: {  	[tilespmem:s10], [sflag:$0x2] =	stream.linear.gather [hbm4b:s2+s3], $0x400, $0x38;
	[tilespmem:$0x14700] =	vst v63  }
0xac: {  	s6 =	simm.s32 $0xD900;
	s5 =	sadd.s32 $0xF4280, s2  }
0xad: {  	[tilespmem:s6], [sflag:$0x2] =	stream.linear.gather [hbm4b:s5+s3], $0x400, $0x38;
	[tilespmem:$0x14700] =	vst v63  }
0xae: {  	s7 =	sadd.s32 $0x1E8500, s2;
	s10 =	simm.s32 $0xE900  }
0xaf: {  	[tilespmem:s10], [sflag:$0x2] =	stream.linear.gather [hbm4b:s7+s3], $0x400, $0x38;
	[tilespmem:$0x14700] =	vst v63  }
0xb0: {  	s2 =	sadd.s32 $0x2DC780, s2;
	s6 =	simm.s32 $0xF900;
	s7 =	spop (v2sf)  }
0xb1: {  	(v2sf) =	vpush v9, $0x3;
	[tilespmem:s6], [sflag:$0x2] =	stream.linear.gather [hbm4b:s2+s3], $0x400, $0x38;
	[tilespmem:$0x14700] =	vst v63  }
0xb2: {  	s2 =	sand.u32 $0xFFFFF80, s7  }
0xb3: {  	s10 =	simm.s32 $0x8D00;
	s2 =	sadd.s32 s0, s2  }
0xb4: {  	[tilespmem:s10], [sflag:$0x2] =	stream.linear.gather [hbm4b:s2+s3], $0x400, $0x38;
	[tilespmem:$0x14700] =	vst v63  }
0xb5: {  	s6 =	simm.s32 $0x9D00;
	s5 =	sadd.s32 $0xF4280, s2  }
0xb6: {  	[tilespmem:s6], [sflag:$0x2] =	stream.linear.gather [hbm4b:s5+s3], $0x400, $0x38;
	[tilespmem:$0x14700] =	vst v63  }
0xb7: {  	s7 =	sadd.s32 $0x1E8500, s2;
	s10 =	simm.s32 $0xAD00  }
0xb8: {  	[tilespmem:s10], [sflag:$0x2] =	stream.linear.gather [hbm4b:s7+s3], $0x400, $0x38;
	[tilespmem:$0x14700] =	vst v63  }
0xb9: {  	s2 =	sadd.s32 $0x2DC780, s2;
	s6 =	simm.s32 $0xBD00;
	s7 =	spop (v2sf)  }
0xba: {  	[tilespmem:s6], [sflag:$0x2] =	stream.linear.gather [hbm4b:s2+s3], $0x400, $0x38;
	[tilespmem:$0x14700] =	vst v63  }
0xbb: {  	(v2sf) =	vpush v10, $0x3;
	s2 =	sand.u32 $0xFFFFF80, s7  }
0xbc: {  	s2 =	sadd.s32 s1, s2  }
0xbd: {  	[tilespmem:s8], [sflag:$0x2] =	stream.linear.gather [hbm4b:s2+s3], $0x400, $0x38;
	[tilespmem:$0x14700] =	vst v63  }
0xbe: {  	s10 =	sadd.s32 $0xF4280, s2  }
0xbf: {  	[tilespmem:s9], [sflag:$0x2] =	stream.linear.gather [hbm4b:s10+s3], $0x400, $0x38;
	[tilespmem:$0x14700] =	vst v63  }
0xc0: {  	s5 =	sadd.s32 $0x1E8500, s2;
	s6 =	spop (v2sf)  }
0xc1: {  	[tilespmem:s12], [sflag:$0x2] =	stream.linear.gather [hbm4b:s5+s3], $0x400, $0x38;
	[tilespmem:$0x14700] =	vst v63  }
0xc2: {  	s2 =	sadd.s32 $0x2DC780, s2;
	s7 =	sand.u32 $0xFFFFF80, s6  }
0xc3: {  	[tilespmem:s13], [sflag:$0x2] =	stream.linear.gather [hbm4b:s2+s3], $0x400, $0x38;
	[tilespmem:$0x14700] =	vst v63  }
0xc4: {  	s2 =	sadd.s32 s0, s7  }
0xc5: {  	[tilespmem:s14], [sflag:$0x2] =	stream.linear.gather [hbm4b:s2+s3], $0x400, $0x38;
	[tilespmem:$0x14700] =	vst v63  }
0xc6: {  	s10 =	sadd.s32 $0xF4280, s2  }
0xc7: {  	[tilespmem:s16], [sflag:$0x2] =	stream.linear.gather [hbm4b:s10+s3], $0x400, $0x38;
	[tilespmem:$0x14700] =	vst v63  }
0xc8: {  	s5 =	sadd.s32 $0x1E8500, s2  }
0xc9: {  	[tilespmem:s18], [sflag:$0x2] =	stream.linear.gather [hbm4b:s5+s3], $0x400, $0x38;
	[tilespmem:$0x14700] =	vst v63  }
0xca: {  	s2 =	sadd.s32 $0x2DC780, s2;
	s6 =	spop (v2sf)  }
0xcb: {  	[tilespmem:s19], [sflag:$0x2] =	stream.linear.gather [hbm4b:s2+s3], $0x400, $0x38;
	[tilespmem:$0x14700] =	vst v63  }
0xcc: {  	s2 =	sand.u32 $0xFFFFF80, s6  }
0xcd: {  	s2 =	sadd.s32 s1, s2  }
0xce: {  	[tilespmem:s20], [sflag:$0x2] =	stream.linear.gather [hbm4b:s2+s3], $0x400, $0x38;
	[tilespmem:$0x14700] =	vst v63  }
0xcf: {  	s7 =	sadd.s32 $0xF4280, s2  }
0xd0: {  	[tilespmem:s22], [sflag:$0x2] =	stream.linear.gather [hbm4b:s7+s3], $0x400, $0x38;
	[tilespmem:$0x14700] =	vst v63  }
.Ltmp0:
0xd1: {  	s29 =	simm.s32 $0xFFFFFFF8;
	s10 =	sadd.s32 $0x1E8500, s2;
	(pc) =	sbr.rel .LBB2_2-.Ltmp0, $4  }
0xd2: {  	[tilespmem:s23], [sflag:$0x2] =	stream.linear.gather [hbm4b:s10+s3], $0x400, $0x38;
	[tilespmem:$0x14700] =	vst v63  }
0xd3: {  	s30 =	simm.s32 $0x288;
	s31 =	simm.s32 $0x8;
	s2 =	sadd.s32 $0x2DC780, s2  }
0xd4: {  	[tilespmem:s24], [sflag:$0x2] =	stream.linear.gather [hbm4b:s2+s3], $0x400, $0x38;
	[tilespmem:$0x14700] =	vst v63  }
0xd5: {  	s4 =	simm.s32 $0x10580;
	s10 =	simm.s32 $0x0;
	s2 =	simm.s32 $0x144F8  }
.LBB2_4:
0xd6: {  	s29 =	sadd.s32 $0x8, s29  }
0xd7: {  	p0 =	sne.s32 s29, $0x1F0  }
.Ltmp1:
0xd8: {  	_ = 	snop;
	(pc) =	sbr.rel @!p0 .LBB2_5-.Ltmp1, $3  }
0xd9: {  	_ =	sdelay $0x1  }
0xda: {  	s10 =	sadd.s32 $0x1, s10;
	s30 =	sadd.s32 $0x8, s30  }
0xdb: {  	s31 =	sadd.s32 $0x8, s31;
	s2 =	sadd.s32 $0x8, s2;
	s4 =	sadd.s32 $0x100, s4  }
.LBB2_2:
0xdc: {  	_ =	swait.ge [sflag:s25], $0x4000  }
0xdd: {  	[sflag:s25] =	ssyncset.done $0x0  }
0xde: {  	[sflag:s25] =	ssyncadd.s32 $0xFFFFC000  }
0xdf: {  	_ =	swait.ge [sflag:s25], $0x4000  }
0xe0: {  	[sflag:s25] =	ssyncset.done $0x0  }
0xe1: {  	[sflag:s25] =	ssyncadd.s32 $0xFFFFC000  }
0xe2: {  	v9 =	vld [tilespmem:s31+$0xFFFFFFF8]  }
0xe3: {  	v10 =	vld [tilespmem:s30+$0xFFFFFFF8];
	_ =	sdelay $0x3  }
0xe4: {  	(v2sf) =	vpush v9, $0x0  }
0xe5: {  	(v2sf) =	vpush v10, $0x0;
	_ =	sdelay $0xd  }
0xe6: {  	s5 =	spop (v2sf)  }
0xe7: {  	s5 =	sand.u32 $0x7F, s5;
	s6 =	spop (v2sf)  }
0xe8: {  	s6 =	sand.u32 $0x7F, s6;
	v11 =	vor.u32 s5, v0  }
0xe9: {  	v12 =	vor.u32 s6, v0;
	_ =	sdelay $0x3  }
0xea: {  	v11 =	vld.idx.msk [tilespmem:v11+s11+$0x0], $0xffff  }
0xeb: {  	v12 =	vld.idx.msk [tilespmem:v12+s15+$0x0], $0xffff;
	_ =	sdelay $0x2  }
0xec: {  	v13 =	vor.u32 s5, v1  }
0xed: {  	v14 =	vor.u32 s6, v1  }
0xee: {  	v11 =	vmul.f32 v12, v11;
	_ =	sdelay $0x1  }
0xef: {  	[tilespmem:s4+$0xFFFFFF80] =	vst v11  }
0xf0: {  	v11 =	vld.idx.msk [tilespmem:v13+s11+$0x0], $0xffff  }
0xf1: {  	v9 =	vand.u32 $0x7F, v9;
	v31 =	vld.idx.msk [tilespmem:v14+s15+$0x0], $0xffff  }
0xf2: {  	v32 =	vbroadcast v9, $0x1;
	v10 =	vand.u32 $0x7F, v10  }
0xf3: {  	v33 =	vbroadcast v10, $0x1  }
0xf4: {  	v15 =	vor.u32 v2, v32  }
0xf5: {  	v16 =	vor.u32 v2, v33  }
0xf6: {  	v11 =	vmul.f32 v31, v11;
	_ =	sdelay $0x1  }
0xf7: {  	[tilespmem:s4+$0xFFFFFF90] =	vst v11  }
0xf8: {  	v11 =	vld.idx.msk [tilespmem:v15+s11+$0x0], $0xffff  }
0xf9: {  	v34 =	vld.idx.msk [tilespmem:v16+s15+$0x0], $0xffff;
	_ =	sdelay $0x2  }
0xfa: {  	v13 =	vor.u32 v3, v32  }
0xfb: {  	v14 =	vor.u32 v3, v33  }
0xfc: {  	v11 =	vmul.f32 v34, v11;
	_ =	sdelay $0x1  }
0xfd: {  	[tilespmem:s4+$0xFFFFFFA0] =	vst v11  }
0xfe: {  	v11 =	vld.idx.msk [tilespmem:v13+s11+$0x0], $0xffff  }
0xff: {  	v35 =	vld.idx.msk [tilespmem:v14+s15+$0x0], $0xffff  }
0x100: {  	v36 =	vbroadcast v9, $0x2  }
0x101: {  	v37 =	vbroadcast v10, $0x2  }
0x102: {  	v38 =	vor.u32 v4, v36  }
0x103: {  	v39 =	vor.u32 v4, v37  }
0x104: {  	v11 =	vmul.f32 v35, v11;
	_ =	sdelay $0x1  }
0x105: {  	[tilespmem:s4+$0xFFFFFFB0] =	vst v11  }
0x106: {  	v11 =	vld.idx.msk [tilespmem:v38+s11+$0x0], $0xffff  }
0x107: {  	v40 =	vld.idx.msk [tilespmem:v39+s15+$0x0], $0xffff;
	_ =	sdelay $0x2  }
0x108: {  	v13 =	vor.u32 v5, v36  }
0x109: {  	v14 =	vor.u32 v5, v37  }
0x10a: {  	v11 =	vmul.f32 v40, v11;
	_ =	sdelay $0x1  }
0x10b: {  	[tilespmem:s4+$0xFFFFFFC0] =	vst v11  }
0x10c: {  	v11 =	vld.idx.msk [tilespmem:v13+s11+$0x0], $0xffff  }
0x10d: {  	v41 =	vld.idx.msk [tilespmem:v14+s15+$0x0], $0xffff  }
0x10e: {  	v9 =	vbroadcast v9, $0x3  }
0x10f: {  	v10 =	vbroadcast v10, $0x3  }
0x110: {  	v42 =	vor.u32 v6, v9  }
0x111: {  	v43 =	vor.u32 v6, v10  }
0x112: {  	v11 =	vmul.f32 v41, v11;
	_ =	sdelay $0x1  }
0x113: {  	[tilespmem:s4+$0xFFFFFFD0] =	vst v11  }
0x114: {  	v11 =	vld.idx.msk [tilespmem:v42+s11+$0x0], $0xffff  }
0x115: {  	v44 =	vld.idx.msk [tilespmem:v43+s15+$0x0], $0xffff;
	_ =	sdelay $0x2  }
0x116: {  	v9 =	vor.u32 v7, v9  }
0x117: {  	v10 =	vor.u32 v7, v10  }
0x118: {  	v11 =	vmul.f32 v44, v11;
	_ =	sdelay $0x1  }
0x119: {  	[tilespmem:s4+$0xFFFFFFE0] =	vst v11  }
0x11a: {  	v9 =	vld.idx.msk [tilespmem:v9+s11+$0x0], $0xffff  }
0x11b: {  	v10 =	vld.idx.msk [tilespmem:v10+s15+$0x0], $0xffff;
	_ =	sdelay $0x4  }
0x11c: {  	v9 =	vmul.f32 v10, v9;
	_ =	sdelay $0x1  }
0x11d: {  	[tilespmem:s4+$0xFFFFFFF0] =	vst v9  }
0x11e: {  	v9 =	vld [tilespmem:s31+$0x0];
	_ =	sdelay $0x4  }
0x11f: {  	(v2sf) =	vpush v9, $0x0;
	_ =	sdelay $0x2  }
0x120: {  	v10 =	vld [tilespmem:s30+$0x0];
	_ =	sdelay $0x4  }
0x121: {  	(v2sf) =	vpush v10, $0x0;
	_ =	sdelay $0x6  }
0x122: {  	s6 =	spop (v2sf)  }
0x123: {  	s5 =	sand.u32 $0xFFFFF80, s6  }
0x124: {  	(v2sf) =	vpush v9, $0x1;
	s5 =	sadd.s32 s0, s5  }
0x125: {  	[tilespmem:s11], [sflag:$0x1] =	stream.linear.gather [hbm4b:s5+s3], $0x400, $0x38;
	[tilespmem:$0x14700] =	vst v63  }
0x126: {  	s7 =	simm.s32 $0x1500;
	s6 =	sadd.s32 $0xF4280, s5  }
0x127: {  	[tilespmem:s7], [sflag:$0x1] =	stream.linear.gather [hbm4b:s6+s3], $0x400, $0x38;
	[tilespmem:$0x14700] =	vst v63  }
0x128: {  	s6 =	sadd.s32 $0x1E8500, s5;
	s7 =	simm.s32 $0x2500  }
0x129: {  	[tilespmem:s7], [sflag:$0x1] =	stream.linear.gather [hbm4b:s6+s3], $0x400, $0x38;
	[tilespmem:$0x14700] =	vst v63  }
0x12a: {  	s5 =	sadd.s32 $0x2DC780, s5;
	s7 =	simm.s32 $0x3500;
	s6 =	spop (v2sf)  }
0x12b: {  	[tilespmem:s7], [sflag:$0x1] =	stream.linear.gather [hbm4b:s5+s3], $0x400, $0x38;
	[tilespmem:$0x14700] =	vst v63  }
0x12c: {  	s5 =	sand.u32 $0xFFFFF80, s6  }
0x12d: {  	(v2sf) =	vpush v10, $0x1;
	s5 =	sadd.s32 s1, s5  }
0x12e: {  	[tilespmem:s15], [sflag:$0x1] =	stream.linear.gather [hbm4b:s5+s3], $0x400, $0x38;
	[tilespmem:$0x14700] =	vst v63  }
0x12f: {  	s7 =	simm.s32 $0x5500;
	s6 =	sadd.s32 $0xF4280, s5  }
0x130: {  	[tilespmem:s7], [sflag:$0x1] =	stream.linear.gather [hbm4b:s6+s3], $0x400, $0x38;
	[tilespmem:$0x14700] =	vst v63  }
0x131: {  	s6 =	sadd.s32 $0x1E8500, s5;
	s7 =	simm.s32 $0x6500  }
0x132: {  	[tilespmem:s7], [sflag:$0x1] =	stream.linear.gather [hbm4b:s6+s3], $0x400, $0x38;
	[tilespmem:$0x14700] =	vst v63  }
0x133: {  	s5 =	sadd.s32 $0x2DC780, s5;
	s7 =	simm.s32 $0x7500;
	s6 =	spop (v2sf)  }
0x134: {  	[tilespmem:s7], [sflag:$0x1] =	stream.linear.gather [hbm4b:s5+s3], $0x400, $0x38;
	[tilespmem:$0x14700] =	vst v63  }
0x135: {  	s5 =	sand.u32 $0xFFFFF80, s6  }
0x136: {  	(v2sf) =	vpush v9, $0x2;
	s7 =	simm.s32 $0x900;
	s5 =	sadd.s32 s0, s5  }
0x137: {  	[tilespmem:s7], [sflag:$0x1] =	stream.linear.gather [hbm4b:s5+s3], $0x400, $0x38;
	[tilespmem:$0x14700] =	vst v63  }
0x138: {  	s6 =	sadd.s32 $0xF4280, s5;
	s7 =	simm.s32 $0x1900  }
0x139: {  	[tilespmem:s7], [sflag:$0x1] =	stream.linear.gather [hbm4b:s6+s3], $0x400, $0x38;
	[tilespmem:$0x14700] =	vst v63  }
0x13a: {  	s6 =	sadd.s32 $0x1E8500, s5;
	s7 =	simm.s32 $0x2900  }
0x13b: {  	[tilespmem:s7], [sflag:$0x1] =	stream.linear.gather [hbm4b:s6+s3], $0x400, $0x38;
	[tilespmem:$0x14700] =	vst v63  }
0x13c: {  	s5 =	sadd.s32 $0x2DC780, s5;
	s7 =	simm.s32 $0x3900;
	s6 =	spop (v2sf)  }
0x13d: {  	[tilespmem:s7], [sflag:$0x1] =	stream.linear.gather [hbm4b:s5+s3], $0x400, $0x38;
	[tilespmem:$0x14700] =	vst v63  }
0x13e: {  	s5 =	sand.u32 $0xFFFFF80, s6  }
0x13f: {  	(v2sf) =	vpush v10, $0x2;
	s7 =	simm.s32 $0x4900;
	s5 =	sadd.s32 s1, s5  }
0x140: {  	[tilespmem:s7], [sflag:$0x1] =	stream.linear.gather [hbm4b:s5+s3], $0x400, $0x38;
	[tilespmem:$0x14700] =	vst v63  }
0x141: {  	s6 =	sadd.s32 $0xF4280, s5;
	s7 =	simm.s32 $0x5900  }
0x142: {  	[tilespmem:s7], [sflag:$0x1] =	stream.linear.gather [hbm4b:s6+s3], $0x400, $0x38;
	[tilespmem:$0x14700] =	vst v63  }
0x143: {  	s6 =	sadd.s32 $0x1E8500, s5;
	s7 =	simm.s32 $0x6900  }
0x144: {  	[tilespmem:s7], [sflag:$0x1] =	stream.linear.gather [hbm4b:s6+s3], $0x400, $0x38;
	[tilespmem:$0x14700] =	vst v63  }
0x145: {  	s5 =	sadd.s32 $0x2DC780, s5;
	s7 =	simm.s32 $0x7900;
	s6 =	spop (v2sf)  }
0x146: {  	[tilespmem:s7], [sflag:$0x1] =	stream.linear.gather [hbm4b:s5+s3], $0x400, $0x38;
	[tilespmem:$0x14700] =	vst v63  }
0x147: {  	s5 =	sand.u32 $0xFFFFF80, s6  }
0x148: {  	(v2sf) =	vpush v9, $0x3;
	s7 =	simm.s32 $0xD00;
	s5 =	sadd.s32 s0, s5  }
0x149: {  	[tilespmem:s7], [sflag:$0x1] =	stream.linear.gather [hbm4b:s5+s3], $0x400, $0x38;
	[tilespmem:$0x14700] =	vst v63  }
0x14a: {  	s6 =	sadd.s32 $0xF4280, s5;
	s7 =	simm.s32 $0x1D00  }
0x14b: {  	[tilespmem:s7], [sflag:$0x1] =	stream.linear.gather [hbm4b:s6+s3], $0x400, $0x38;
	[tilespmem:$0x14700] =	vst v63  }
0x14c: {  	s6 =	sadd.s32 $0x1E8500, s5;
	s7 =	simm.s32 $0x2D00  }
0x14d: {  	[tilespmem:s7], [sflag:$0x1] =	stream.linear.gather [hbm4b:s6+s3], $0x400, $0x38;
	[tilespmem:$0x14700] =	vst v63  }
0x14e: {  	s5 =	sadd.s32 $0x2DC780, s5;
	s7 =	simm.s32 $0x3D00;
	s6 =	spop (v2sf)  }
0x14f: {  	[tilespmem:s7], [sflag:$0x1] =	stream.linear.gather [hbm4b:s5+s3], $0x400, $0x38;
	[tilespmem:$0x14700] =	vst v63  }
0x150: {  	s5 =	sand.u32 $0xFFFFF80, s6  }
0x151: {  	(v2sf) =	vpush v10, $0x3;
	s7 =	simm.s32 $0x4D00;
	s5 =	sadd.s32 s1, s5  }
0x152: {  	[tilespmem:s7], [sflag:$0x1] =	stream.linear.gather [hbm4b:s5+s3], $0x400, $0x38;
	[tilespmem:$0x14700] =	vst v63  }
0x153: {  	s6 =	sadd.s32 $0xF4280, s5;
	s7 =	simm.s32 $0x5D00  }
0x154: {  	[tilespmem:s7], [sflag:$0x1] =	stream.linear.gather [hbm4b:s6+s3], $0x400, $0x38;
	[tilespmem:$0x14700] =	vst v63  }
0x155: {  	s6 =	sadd.s32 $0x1E8500, s5;
	s7 =	simm.s32 $0x6D00  }
0x156: {  	[tilespmem:s7], [sflag:$0x1] =	stream.linear.gather [hbm4b:s6+s3], $0x400, $0x38;
	[tilespmem:$0x14700] =	vst v63  }
0x157: {  	s5 =	sadd.s32 $0x2DC780, s5;
	s7 =	simm.s32 $0x7D00;
	s6 =	spop (v2sf)  }
0x158: {  	[tilespmem:s7], [sflag:$0x1] =	stream.linear.gather [hbm4b:s5+s3], $0x400, $0x38;
	[tilespmem:$0x14700] =	vst v63  }
0x159: {  	s5 =	sand.u32 $0xFFFFF80, s6  }
0x15a: {  	s7 =	simm.s32 $0x1100;
	s5 =	sadd.s32 s0, s5  }
0x15b: {  	[tilespmem:s7], [sflag:$0x1] =	stream.linear.gather [hbm4b:s5+s3], $0x400, $0x38;
	[tilespmem:$0x14700] =	vst v63  }
0x15c: {  	s6 =	sadd.s32 $0xF4280, s5;
	s7 =	simm.s32 $0x2100  }
0x15d: {  	[tilespmem:s7], [sflag:$0x1] =	stream.linear.gather [hbm4b:s6+s3], $0x400, $0x38;
	[tilespmem:$0x14700] =	vst v63  }
0x15e: {  	s6 =	sadd.s32 $0x1E8500, s5;
	s7 =	simm.s32 $0x3100  }
0x15f: {  	[tilespmem:s7], [sflag:$0x1] =	stream.linear.gather [hbm4b:s6+s3], $0x400, $0x38;
	[tilespmem:$0x14700] =	vst v63  }
0x160: {  	s5 =	sadd.s32 $0x2DC780, s5;
	s7 =	simm.s32 $0x4100;
	s6 =	spop (v2sf)  }
0x161: {  	[tilespmem:s7], [sflag:$0x1] =	stream.linear.gather [hbm4b:s5+s3], $0x400, $0x38;
	[tilespmem:$0x14700] =	vst v63  }
0x162: {  	s5 =	sand.u32 $0xFFFFF80, s6  }
0x163: {  	s7 =	simm.s32 $0x5100;
	s5 =	sadd.s32 s1, s5  }
0x164: {  	[tilespmem:s7], [sflag:$0x1] =	stream.linear.gather [hbm4b:s5+s3], $0x400, $0x38;
	[tilespmem:$0x14700] =	vst v63  }
0x165: {  	s6 =	sadd.s32 $0xF4280, s5;
	s7 =	simm.s32 $0x6100  }
0x166: {  	[tilespmem:s7], [sflag:$0x1] =	stream.linear.gather [hbm4b:s6+s3], $0x400, $0x38;
	[tilespmem:$0x14700] =	vst v63  }
0x167: {  	s6 =	sadd.s32 $0x1E8500, s5;
	s7 =	simm.s32 $0x7100  }
0x168: {  	[tilespmem:s7], [sflag:$0x1] =	stream.linear.gather [hbm4b:s6+s3], $0x400, $0x38;
	[tilespmem:$0x14700] =	vst v63  }
0x169: {  	s5 =	sadd.s32 $0x2DC780, s5;
	s7 =	simm.s32 $0x8100  }
0x16a: {  	[tilespmem:s7], [sflag:$0x1] =	stream.linear.gather [hbm4b:s5+s3], $0x400, $0x38;
	[tilespmem:$0x14700] =	vst v63  }
0x16b: {  	_ =	swait.ge [sflag:s26], $0x4000  }
0x16c: {  	[sflag:s26] =	ssyncset.done $0x0  }
0x16d: {  	[sflag:s26] =	ssyncadd.s32 $0xFFFFC000  }
0x16e: {  	_ =	swait.ge [sflag:s26], $0x4000  }
0x16f: {  	[sflag:s26] =	ssyncset.done $0x0  }
0x170: {  	[sflag:s26] =	ssyncadd.s32 $0xFFFFC000  }
0x171: {  	v9 =	vld [tilespmem:s31+$0xFFFFFFFC]  }
0x172: {  	v10 =	vld [tilespmem:s30+$0xFFFFFFFC];
	_ =	sdelay $0x3  }
0x173: {  	(v2sf) =	vpush v9, $0x0  }
0x174: {  	(v2sf) =	vpush v10, $0x0;
	_ =	sdelay $0xd  }
0x175: {  	s6 =	spop (v2sf)  }
0x176: {  	s5 =	sand.u32 $0x7F, s6;
	s7 =	spop (v2sf)  }
0x177: {  	s6 =	sand.u32 $0x7F, s7;
	v11 =	vor.u32 s5, v0  }
0x178: {  	v45 =	vor.u32 s6, v0;
	_ =	sdelay $0x3  }
0x179: {  	v11 =	vld.idx.msk [tilespmem:v11+s17+$0x0], $0xffff  }
0x17a: {  	v12 =	vld.idx.msk [tilespmem:v45+s21+$0x0], $0xffff;
	_ =	sdelay $0x2  }
0x17b: {  	v46 =	vor.u32 s5, v1  }
0x17c: {  	v47 =	vor.u32 s6, v1  }
0x17d: {  	v11 =	vmul.f32 v12, v11;
	_ =	sdelay $0x1  }
0x17e: {  	[tilespmem:s4+$0x0] =	vst v11  }
0x17f: {  	v11 =	vld.idx.msk [tilespmem:v46+s17+$0x0], $0xffff  }
0x180: {  	v9 =	vand.u32 $0x7F, v9;
	v48 =	vld.idx.msk [tilespmem:v47+s21+$0x0], $0xffff  }
0x181: {  	v49 =	vbroadcast v9, $0x1;
	v10 =	vand.u32 $0x7F, v10  }
0x182: {  	v50 =	vbroadcast v10, $0x1  }
0x183: {  	v51 =	vor.u32 v2, v49  }
0x184: {  	v52 =	vor.u32 v2, v50  }
0x185: {  	v11 =	vmul.f32 v48, v11;
	_ =	sdelay $0x1  }
0x186: {  	[tilespmem:s4+$0x10] =	vst v11  }
0x187: {  	v11 =	vld.idx.msk [tilespmem:v51+s17+$0x0], $0xffff  }
0x188: {  	v53 =	vld.idx.msk [tilespmem:v52+s21+$0x0], $0xffff;
	_ =	sdelay $0x2  }
0x189: {  	v13 =	vor.u32 v3, v49  }
0x18a: {  	v14 =	vor.u32 v3, v50  }
0x18b: {  	v11 =	vmul.f32 v53, v11;
	_ =	sdelay $0x1  }
0x18c: {  	[tilespmem:s4+$0x20] =	vst v11  }
0x18d: {  	v11 =	vld.idx.msk [tilespmem:v13+s17+$0x0], $0xffff  }
0x18e: {  	v54 =	vld.idx.msk [tilespmem:v14+s21+$0x0], $0xffff  }
0x18f: {  	v55 =	vbroadcast v9, $0x2  }
0x190: {  	v56 =	vbroadcast v10, $0x2  }
0x191: {  	v57 =	vor.u32 v4, v55  }
0x192: {  	v58 =	vor.u32 v4, v56  }
0x193: {  	v11 =	vmul.f32 v54, v11;
	_ =	sdelay $0x1  }
0x194: {  	[tilespmem:s4+$0x30] =	vst v11  }
0x195: {  	v11 =	vld.idx.msk [tilespmem:v57+s17+$0x0], $0xffff  }
0x196: {  	v59 =	vld.idx.msk [tilespmem:v58+s21+$0x0], $0xffff;
	_ =	sdelay $0x2  }
0x197: {  	v13 =	vor.u32 v5, v55  }
0x198: {  	v14 =	vor.u32 v5, v56  }
0x199: {  	v11 =	vmul.f32 v59, v11;
	_ =	sdelay $0x1  }
0x19a: {  	[tilespmem:s4+$0x40] =	vst v11  }
0x19b: {  	v11 =	vld.idx.msk [tilespmem:v13+s17+$0x0], $0xffff  }
0x19c: {  	v60 =	vld.idx.msk [tilespmem:v14+s21+$0x0], $0xffff  }
0x19d: {  	v9 =	vbroadcast v9, $0x3  }
0x19e: {  	v10 =	vbroadcast v10, $0x3  }
0x19f: {  	v61 =	vor.u32 v6, v9  }
0x1a0: {  	v62 =	vor.u32 v6, v10  }
0x1a1: {  	v11 =	vmul.f32 v60, v11;
	_ =	sdelay $0x1  }
0x1a2: {  	[tilespmem:s4+$0x50] =	vst v11  }
0x1a3: {  	v11 =	vld.idx.msk [tilespmem:v61+s17+$0x0], $0xffff  }
0x1a4: {  	v63 =	vld.idx.msk [tilespmem:v62+s21+$0x0], $0xffff;
	_ =	sdelay $0x2  }
0x1a5: {  	v9 =	vor.u32 v7, v9  }
0x1a6: {  	v10 =	vor.u32 v7, v10  }
0x1a7: {  	v11 =	vmul.f32 v63, v11;
	_ =	sdelay $0x1  }
0x1a8: {  	[tilespmem:s4+$0x60] =	vst v11  }
0x1a9: {  	v9 =	vld.idx.msk [tilespmem:v9+s17+$0x0], $0xffff  }
0x1aa: {  	v10 =	vld.idx.msk [tilespmem:v10+s21+$0x0], $0xffff;
	_ =	sdelay $0x4  }
0x1ab: {  	v9 =	vmul.f32 v10, v9;
	_ =	sdelay $0x1  }
0x1ac: {  	[tilespmem:s4+$0x70] =	vst v9  }
0x1ad: {  	v9 =	vld [tilespmem:s31+$0x4];
	_ =	sdelay $0x4  }
0x1ae: {  	(v2sf) =	vpush v9, $0x0;
	_ =	sdelay $0x2  }
0x1af: {  	v10 =	vld [tilespmem:s30+$0x4];
	_ =	sdelay $0x4  }
0x1b0: {  	(v2sf) =	vpush v10, $0x0;
	_ =	sdelay $0x6  }
0x1b1: {  	s6 =	spop (v2sf)  }
0x1b2: {  	s5 =	sand.u32 $0xFFFFF80, s6  }
0x1b3: {  	(v2sf) =	vpush v9, $0x1;
	s5 =	sadd.s32 s0, s5  }
0x1b4: {  	[tilespmem:s17], [sflag:$0x2] =	stream.linear.gather [hbm4b:s5+s3], $0x400, $0x38;
	[tilespmem:$0x14700] =	vst v63  }
0x1b5: {  	s7 =	simm.s32 $0x9500;
	s6 =	sadd.s32 $0xF4280, s5  }
0x1b6: {  	[tilespmem:s7], [sflag:$0x2] =	stream.linear.gather [hbm4b:s6+s3], $0x400, $0x38;
	[tilespmem:$0x14700] =	vst v63  }
0x1b7: {  	s6 =	sadd.s32 $0x1E8500, s5;
	s7 =	simm.s32 $0xA500  }
0x1b8: {  	[tilespmem:s7], [sflag:$0x2] =	stream.linear.gather [hbm4b:s6+s3], $0x400, $0x38;
	[tilespmem:$0x14700] =	vst v63  }
0x1b9: {  	s5 =	sadd.s32 $0x2DC780, s5;
	s7 =	simm.s32 $0xB500;
	s6 =	spop (v2sf)  }
0x1ba: {  	[tilespmem:s7], [sflag:$0x2] =	stream.linear.gather [hbm4b:s5+s3], $0x400, $0x38;
	[tilespmem:$0x14700] =	vst v63  }
0x1bb: {  	s5 =	sand.u32 $0xFFFFF80, s6  }
0x1bc: {  	(v2sf) =	vpush v10, $0x1;
	s5 =	sadd.s32 s1, s5  }
0x1bd: {  	[tilespmem:s21], [sflag:$0x2] =	stream.linear.gather [hbm4b:s5+s3], $0x400, $0x38;
	[tilespmem:$0x14700] =	vst v63  }
0x1be: {  	s7 =	simm.s32 $0xD500;
	s6 =	sadd.s32 $0xF4280, s5  }
0x1bf: {  	[tilespmem:s7], [sflag:$0x2] =	stream.linear.gather [hbm4b:s6+s3], $0x400, $0x38;
	[tilespmem:$0x14700] =	vst v63  }
0x1c0: {  	s6 =	sadd.s32 $0x1E8500, s5;
	s7 =	simm.s32 $0xE500  }
0x1c1: {  	[tilespmem:s7], [sflag:$0x2] =	stream.linear.gather [hbm4b:s6+s3], $0x400, $0x38;
	[tilespmem:$0x14700] =	vst v63  }
0x1c2: {  	s5 =	sadd.s32 $0x2DC780, s5;
	s7 =	simm.s32 $0xF500;
	s6 =	spop (v2sf)  }
0x1c3: {  	[tilespmem:s7], [sflag:$0x2] =	stream.linear.gather [hbm4b:s5+s3], $0x400, $0x38;
	[tilespmem:$0x14700] =	vst v63  }
0x1c4: {  	s5 =	sand.u32 $0xFFFFF80, s6  }
0x1c5: {  	(v2sf) =	vpush v9, $0x2;
	s7 =	simm.s32 $0x8900;
	s5 =	sadd.s32 s0, s5  }
0x1c6: {  	[tilespmem:s7], [sflag:$0x2] =	stream.linear.gather [hbm4b:s5+s3], $0x400, $0x38;
	[tilespmem:$0x14700] =	vst v63  }
0x1c7: {  	s6 =	sadd.s32 $0xF4280, s5;
	s7 =	simm.s32 $0x9900  }
0x1c8: {  	[tilespmem:s7], [sflag:$0x2] =	stream.linear.gather [hbm4b:s6+s3], $0x400, $0x38;
	[tilespmem:$0x14700] =	vst v63  }
0x1c9: {  	s6 =	sadd.s32 $0x1E8500, s5;
	s7 =	simm.s32 $0xA900  }
0x1ca: {  	[tilespmem:s7], [sflag:$0x2] =	stream.linear.gather [hbm4b:s6+s3], $0x400, $0x38;
	[tilespmem:$0x14700] =	vst v63  }
0x1cb: {  	s5 =	sadd.s32 $0x2DC780, s5;
	s7 =	simm.s32 $0xB900;
	s6 =	spop (v2sf)  }
0x1cc: {  	[tilespmem:s7], [sflag:$0x2] =	stream.linear.gather [hbm4b:s5+s3], $0x400, $0x38;
	[tilespmem:$0x14700] =	vst v63  }
0x1cd: {  	s5 =	sand.u32 $0xFFFFF80, s6  }
0x1ce: {  	(v2sf) =	vpush v10, $0x2;
	s7 =	simm.s32 $0xC900;
	s5 =	sadd.s32 s1, s5  }
0x1cf: {  	[tilespmem:s7], [sflag:$0x2] =	stream.linear.gather [hbm4b:s5+s3], $0x400, $0x38;
	[tilespmem:$0x14700] =	vst v63  }
0x1d0: {  	s6 =	sadd.s32 $0xF4280, s5;
	s7 =	simm.s32 $0xD900  }
0x1d1: {  	[tilespmem:s7], [sflag:$0x2] =	stream.linear.gather [hbm4b:s6+s3], $0x400, $0x38;
	[tilespmem:$0x14700] =	vst v63  }
0x1d2: {  	s6 =	sadd.s32 $0x1E8500, s5;
	s7 =	simm.s32 $0xE900  }
0x1d3: {  	[tilespmem:s7], [sflag:$0x2] =	stream.linear.gather [hbm4b:s6+s3], $0x400, $0x38;
	[tilespmem:$0x14700] =	vst v63  }
0x1d4: {  	s5 =	sadd.s32 $0x2DC780, s5;
	s7 =	simm.s32 $0xF900;
	s6 =	spop (v2sf)  }
0x1d5: {  	[tilespmem:s7], [sflag:$0x2] =	stream.linear.gather [hbm4b:s5+s3], $0x400, $0x38;
	[tilespmem:$0x14700] =	vst v63  }
0x1d6: {  	s5 =	sand.u32 $0xFFFFF80, s6  }
0x1d7: {  	(v2sf) =	vpush v9, $0x3;
	s7 =	simm.s32 $0x8D00;
	s5 =	sadd.s32 s0, s5  }
0x1d8: {  	[tilespmem:s7], [sflag:$0x2] =	stream.linear.gather [hbm4b:s5+s3], $0x400, $0x38;
	[tilespmem:$0x14700] =	vst v63  }
0x1d9: {  	s6 =	sadd.s32 $0xF4280, s5;
	s7 =	simm.s32 $0x9D00  }
0x1da: {  	[tilespmem:s7], [sflag:$0x2] =	stream.linear.gather [hbm4b:s6+s3], $0x400, $0x38;
	[tilespmem:$0x14700] =	vst v63  }
0x1db: {  	s6 =	sadd.s32 $0x1E8500, s5;
	s7 =	simm.s32 $0xAD00  }
0x1dc: {  	[tilespmem:s7], [sflag:$0x2] =	stream.linear.gather [hbm4b:s6+s3], $0x400, $0x38;
	[tilespmem:$0x14700] =	vst v63  }
0x1dd: {  	s5 =	sadd.s32 $0x2DC780, s5;
	s7 =	simm.s32 $0xBD00;
	s6 =	spop (v2sf)  }
0x1de: {  	[tilespmem:s7], [sflag:$0x2] =	stream.linear.gather [hbm4b:s5+s3], $0x400, $0x38;
	[tilespmem:$0x14700] =	vst v63  }
0x1df: {  	s5 =	sand.u32 $0xFFFFF80, s6  }
0x1e0: {  	(v2sf) =	vpush v10, $0x3;
	s5 =	sadd.s32 s1, s5  }
0x1e1: {  	[tilespmem:s8], [sflag:$0x2] =	stream.linear.gather [hbm4b:s5+s3], $0x400, $0x38;
	[tilespmem:$0x14700] =	vst v63  }
0x1e2: {  	s7 =	sadd.s32 $0xF4280, s5  }
0x1e3: {  	[tilespmem:s9], [sflag:$0x2] =	stream.linear.gather [hbm4b:s7+s3], $0x400, $0x38;
	[tilespmem:$0x14700] =	vst v63  }
0x1e4: {  	s7 =	sadd.s32 $0x1E8500, s5  }
0x1e5: {  	[tilespmem:s12], [sflag:$0x2] =	stream.linear.gather [hbm4b:s7+s3], $0x400, $0x38;
	[tilespmem:$0x14700] =	vst v63  }
0x1e6: {  	s7 =	spop (v2sf)  }
0x1e7: {  	s5 =	sadd.s32 $0x2DC780, s5;
	s6 =	sand.u32 $0xFFFFF80, s7  }
0x1e8: {  	[tilespmem:s13], [sflag:$0x2] =	stream.linear.gather [hbm4b:s5+s3], $0x400, $0x38;
	[tilespmem:$0x14700] =	vst v63  }
0x1e9: {  	s5 =	sadd.s32 s0, s6  }
0x1ea: {  	[tilespmem:s14], [sflag:$0x2] =	stream.linear.gather [hbm4b:s5+s3], $0x400, $0x38;
	[tilespmem:$0x14700] =	vst v63  }
0x1eb: {  	s7 =	sadd.s32 $0xF4280, s5  }
0x1ec: {  	[tilespmem:s16], [sflag:$0x2] =	stream.linear.gather [hbm4b:s7+s3], $0x400, $0x38;
	[tilespmem:$0x14700] =	vst v63  }
0x1ed: {  	s7 =	sadd.s32 $0x1E8500, s5  }
0x1ee: {  	[tilespmem:s18], [sflag:$0x2] =	stream.linear.gather [hbm4b:s7+s3], $0x400, $0x38;
	[tilespmem:$0x14700] =	vst v63  }
0x1ef: {  	s5 =	sadd.s32 $0x2DC780, s5;
	s6 =	spop (v2sf)  }
0x1f0: {  	[tilespmem:s19], [sflag:$0x2] =	stream.linear.gather [hbm4b:s5+s3], $0x400, $0x38;
	[tilespmem:$0x14700] =	vst v63  }
0x1f1: {  	s5 =	sand.u32 $0xFFFFF80, s6  }
0x1f2: {  	s5 =	sadd.s32 s1, s5  }
0x1f3: {  	[tilespmem:s20], [sflag:$0x2] =	stream.linear.gather [hbm4b:s5+s3], $0x400, $0x38;
	[tilespmem:$0x14700] =	vst v63  }
0x1f4: {  	s7 =	sadd.s32 $0xF4280, s5  }
0x1f5: {  	[tilespmem:s22], [sflag:$0x2] =	stream.linear.gather [hbm4b:s7+s3], $0x400, $0x38;
	[tilespmem:$0x14700] =	vst v63  }
0x1f6: {  	s7 =	sadd.s32 $0x1E8500, s5  }
0x1f7: {  	[tilespmem:s23], [sflag:$0x2] =	stream.linear.gather [hbm4b:s7+s3], $0x400, $0x38;
	[tilespmem:$0x14700] =	vst v63  }
0x1f8: {  	s7 =	sand.u32 $0x1, s10  }
0x1f9: {  	p0 =	seq.s32 s7, $0x0  }
.Ltmp2:
0x1fa: {  	_ = 	snop;
	(pc) =	sbr.rel @p0 .LBB2_4-.Ltmp2, $3  }
0x1fb: {  	_ =	sdelay $0x1  }
0x1fc: {  	s5 =	sadd.s32 $0x2DC780, s5  }
0x1fd: {  	[tilespmem:s24], [sflag:$0x2] =	stream.linear.gather [hbm4b:s5+s3], $0x400, $0x38;
	[tilespmem:$0x14700] =	vst v63  }
0x1fe: {  	v9 =	vmov s29  }
0x1ff: {  	v9 =	vshll.u32 v9, $0x5  }
0x200: {  	v9 =	vor.u32 v8, v9;
	_ =	sdelay $0x1  }
0x201: {  	v10 =	vor.u32 $0x1, v9;
	_ =	sdelay $0x1  }
0x202: {  	v11 =	vor.u32 $0x2, v9  }
0x203: {  	v12 =	vld.idx.msk [tilespmem:v9+s28+$0x0], $0xffff  }
0x204: {  	v13 =	vor.u32 $0x3, v9  }
0x205: {  	v10 =	vld.idx.msk [tilespmem:v10+s28+$0x0], $0xffff  }
0x206: {  	v14 =	vor.u32 $0x4, v9  }
0x207: {  	v11 =	vld.idx.msk [tilespmem:v11+s28+$0x0], $0xffff  }
0x208: {  	v15 =	vor.u32 $0x5, v9;
	v12 =	vadd.f32 $0.0e+00, v12  }
0x209: {  	v13 =	vld.idx.msk [tilespmem:v13+s28+$0x0], $0xffff  }
0x20a: {  	v43 =	vor.u32 $0x6, v9;
	v10 =	vadd.f32 v10, v12  }
0x20b: {  	v14 =	vld.idx.msk [tilespmem:v14+s28+$0x0], $0xffff  }
0x20c: {  	v10 =	vadd.f32 v11, v10;
	v11 =	vor.u32 $0x7, v9  }
0x20d: {  	v15 =	vld.idx.msk [tilespmem:v15+s28+$0x0], $0xffff  }
0x20e: {  	v44 =	vor.u32 $0x8, v9;
	v10 =	vadd.f32 v13, v10  }
0x20f: {  	v12 =	vld.idx.msk [tilespmem:v43+s28+$0x0], $0xffff  }
0x210: {  	v45 =	vor.u32 $0x9, v9;
	v10 =	vadd.f32 v14, v10  }
0x211: {  	v11 =	vld.idx.msk [tilespmem:v11+s28+$0x0], $0xffff  }
0x212: {  	v46 =	vor.u32 $0xA, v9;
	v10 =	vadd.f32 v15, v10  }
0x213: {  	v13 =	vld.idx.msk [tilespmem:v44+s28+$0x0], $0xffff  }
0x214: {  	v47 =	vor.u32 $0xB, v9;
	v10 =	vadd.f32 v12, v10  }
0x215: {  	v14 =	vld.idx.msk [tilespmem:v45+s28+$0x0], $0xffff  }
0x216: {  	v10 =	vadd.f32 v11, v10;
	v11 =	vor.u32 $0xC, v9  }
0x217: {  	v15 =	vld.idx.msk [tilespmem:v46+s28+$0x0], $0xffff  }
0x218: {  	v48 =	vor.u32 $0xD, v9;
	v10 =	vadd.f32 v13, v10  }
0x219: {  	v12 =	vld.idx.msk [tilespmem:v47+s28+$0x0], $0xffff  }
0x21a: {  	v49 =	vor.u32 $0xE, v9;
	v10 =	vadd.f32 v14, v10  }
0x21b: {  	v11 =	vld.idx.msk [tilespmem:v11+s28+$0x0], $0xffff  }
0x21c: {  	v50 =	vor.u32 $0xF, v9;
	v10 =	vadd.f32 v15, v10  }
0x21d: {  	v13 =	vld.idx.msk [tilespmem:v48+s28+$0x0], $0xffff  }
0x21e: {  	v51 =	vor.u32 $0x10, v9;
	v10 =	vadd.f32 v12, v10  }
0x21f: {  	v14 =	vld.idx.msk [tilespmem:v49+s28+$0x0], $0xffff  }
0x220: {  	v10 =	vadd.f32 v11, v10;
	v11 =	vor.u32 $0x11, v9  }
0x221: {  	v15 =	vld.idx.msk [tilespmem:v50+s28+$0x0], $0xffff  }
0x222: {  	v52 =	vor.u32 $0x12, v9;
	v10 =	vadd.f32 v13, v10  }
0x223: {  	v12 =	vld.idx.msk [tilespmem:v51+s28+$0x0], $0xffff  }
0x224: {  	v53 =	vor.u32 $0x13, v9;
	v10 =	vadd.f32 v14, v10  }
0x225: {  	v11 =	vld.idx.msk [tilespmem:v11+s28+$0x0], $0xffff  }
0x226: {  	v54 =	vor.u32 $0x14, v9;
	v10 =	vadd.f32 v15, v10  }
0x227: {  	v13 =	vld.idx.msk [tilespmem:v52+s28+$0x0], $0xffff  }
0x228: {  	v55 =	vor.u32 $0x15, v9;
	v10 =	vadd.f32 v12, v10  }
0x229: {  	v14 =	vld.idx.msk [tilespmem:v53+s28+$0x0], $0xffff  }
0x22a: {  	v10 =	vadd.f32 v11, v10;
	v11 =	vor.u32 $0x16, v9  }
0x22b: {  	v15 =	vld.idx.msk [tilespmem:v54+s28+$0x0], $0xffff  }
0x22c: {  	v56 =	vor.u32 $0x17, v9;
	v10 =	vadd.f32 v13, v10  }
0x22d: {  	v12 =	vld.idx.msk [tilespmem:v55+s28+$0x0], $0xffff  }
0x22e: {  	v57 =	vor.u32 $0x18, v9;
	v10 =	vadd.f32 v14, v10  }
0x22f: {  	v11 =	vld.idx.msk [tilespmem:v11+s28+$0x0], $0xffff  }
0x230: {  	v58 =	vor.u32 $0x19, v9;
	v10 =	vadd.f32 v15, v10  }
0x231: {  	v13 =	vld.idx.msk [tilespmem:v56+s28+$0x0], $0xffff  }
0x232: {  	v59 =	vor.u32 $0x1A, v9;
	v10 =	vadd.f32 v12, v10  }
0x233: {  	v14 =	vld.idx.msk [tilespmem:v57+s28+$0x0], $0xffff  }
0x234: {  	v10 =	vadd.f32 v11, v10;
	v11 =	vor.u32 $0x1B, v9  }
0x235: {  	v15 =	vld.idx.msk [tilespmem:v58+s28+$0x0], $0xffff  }
0x236: {  	v60 =	vor.u32 $0x1C, v9;
	v10 =	vadd.f32 v13, v10  }
0x237: {  	v12 =	vld.idx.msk [tilespmem:v59+s28+$0x0], $0xffff  }
0x238: {  	v61 =	vor.u32 $0x1D, v9;
	v10 =	vadd.f32 v14, v10  }
0x239: {  	v11 =	vld.idx.msk [tilespmem:v11+s28+$0x0], $0xffff  }
0x23a: {  	v62 =	vor.u32 $0x1E, v9;
	v10 =	vadd.f32 v15, v10  }
0x23b: {  	v13 =	vld.idx.msk [tilespmem:v60+s28+$0x0], $0xffff  }
0x23c: {  	v9 =	vor.u32 $0x1F, v9;
	v10 =	vadd.f32 v12, v10  }
0x23d: {  	v63 =	vld.idx.msk [tilespmem:v61+s28+$0x0], $0xffff  }
0x23e: {  	v10 =	vadd.f32 v11, v10  }
0x23f: {  	v11 =	vld.idx.msk [tilespmem:v62+s28+$0x0], $0xffff  }
0x240: {  	v10 =	vadd.f32 v13, v10  }
0x241: {  	v9 =	vld.idx.msk [tilespmem:v9+s28+$0x0], $0xffff  }
0x242: {  	v10 =	vadd.f32 v63, v10;
	_ =	sdelay $0x1  }
.Ltmp3:
0x243: {  	v10 =	vadd.f32 v11, v10;
	(pc) =	sbr.rel .LBB2_4-.Ltmp3, $3  }
0x244: {  	_ = 	snop  }
0x245: {  	v9 =	vadd.f32 v9, v10;
	_ =	sdelay $0x1  }
0x246: {  	[tilespmem:s2+$0x0] =	vst v9  }
.LBB2_5:
0x247: {  	_ =	swait.ge [sflag:s25], $0x4000  }
0x248: {  	[sflag:s25] =	ssyncset.done $0x0  }
0x249: {  	[sflag:s25] =	ssyncadd.s32 $0xFFFFC000  }
0x24a: {  	_ =	swait.ge [sflag:s25], $0x4000  }
0x24b: {  	[sflag:s25] =	ssyncset.done $0x0  }
0x24c: {  	[sflag:s25] =	ssyncadd.s32 $0xFFFFC000  }
0x24d: {  	v9 =	vld [tilespmem:$0x1F8]  }
0x24e: {  	v10 =	vld [tilespmem:$0x478];
	_ =	sdelay $0x3  }
0x24f: {  	(v2sf) =	vpush v9, $0x0  }
0x250: {  	(v2sf) =	vpush v10, $0x0;
	_ =	sdelay $0xd  }
0x251: {  	s2 =	spop (v2sf)  }
0x252: {  	s2 =	sand.u32 $0x7F, s2;
	s4 =	spop (v2sf)  }
0x253: {  	s4 =	sand.u32 $0x7F, s4;
	v11 =	vor.u32 s2, v0  }
0x254: {  	v12 =	vor.u32 s4, v0;
	_ =	sdelay $0x3  }
0x255: {  	v11 =	vld.idx.msk [tilespmem:v11+s11+$0x0], $0xffff  }
0x256: {  	v12 =	vld.idx.msk [tilespmem:v12+s15+$0x0], $0xffff;
	_ =	sdelay $0x2  }
0x257: {  	v13 =	vor.u32 s2, v1  }
0x258: {  	v14 =	vor.u32 s4, v1  }
0x259: {  	v11 =	vmul.f32 v12, v11;
	_ =	sdelay $0x1  }
0x25a: {  	[tilespmem:$0x14400] =	vst v11  }
0x25b: {  	v11 =	vld.idx.msk [tilespmem:v13+s11+$0x0], $0xffff  }
0x25c: {  	v9 =	vand.u32 $0x7F, v9;
	v31 =	vld.idx.msk [tilespmem:v14+s15+$0x0], $0xffff  }
0x25d: {  	v32 =	vbroadcast v9, $0x1;
	v10 =	vand.u32 $0x7F, v10  }
0x25e: {  	v33 =	vbroadcast v10, $0x1  }
0x25f: {  	v15 =	vor.u32 v2, v32  }
0x260: {  	v16 =	vor.u32 v2, v33  }
0x261: {  	v11 =	vmul.f32 v31, v11;
	_ =	sdelay $0x1  }
0x262: {  	[tilespmem:$0x14410] =	vst v11  }
0x263: {  	v11 =	vld.idx.msk [tilespmem:v15+s11+$0x0], $0xffff  }
0x264: {  	v34 =	vld.idx.msk [tilespmem:v16+s15+$0x0], $0xffff;
	_ =	sdelay $0x2  }
0x265: {  	v13 =	vor.u32 v3, v32  }
0x266: {  	v14 =	vor.u32 v3, v33  }
0x267: {  	v11 =	vmul.f32 v34, v11;
	_ =	sdelay $0x1  }
0x268: {  	[tilespmem:$0x14420] =	vst v11  }
0x269: {  	v11 =	vld.idx.msk [tilespmem:v13+s11+$0x0], $0xffff  }
0x26a: {  	v35 =	vld.idx.msk [tilespmem:v14+s15+$0x0], $0xffff  }
0x26b: {  	v36 =	vbroadcast v9, $0x2  }
0x26c: {  	v37 =	vbroadcast v10, $0x2  }
0x26d: {  	v38 =	vor.u32 v4, v36  }
0x26e: {  	v39 =	vor.u32 v4, v37  }
0x26f: {  	v11 =	vmul.f32 v35, v11;
	_ =	sdelay $0x1  }
0x270: {  	[tilespmem:$0x14430] =	vst v11  }
0x271: {  	v11 =	vld.idx.msk [tilespmem:v38+s11+$0x0], $0xffff  }
0x272: {  	v40 =	vld.idx.msk [tilespmem:v39+s15+$0x0], $0xffff;
	_ =	sdelay $0x2  }
0x273: {  	v13 =	vor.u32 v5, v36  }
0x274: {  	v14 =	vor.u32 v5, v37  }
0x275: {  	v11 =	vmul.f32 v40, v11;
	_ =	sdelay $0x1  }
0x276: {  	[tilespmem:$0x14440] =	vst v11  }
0x277: {  	v11 =	vld.idx.msk [tilespmem:v13+s11+$0x0], $0xffff  }
0x278: {  	v41 =	vld.idx.msk [tilespmem:v14+s15+$0x0], $0xffff  }
0x279: {  	v9 =	vbroadcast v9, $0x3  }
0x27a: {  	v10 =	vbroadcast v10, $0x3  }
0x27b: {  	v42 =	vor.u32 v6, v9  }
0x27c: {  	v43 =	vor.u32 v6, v10  }
0x27d: {  	v11 =	vmul.f32 v41, v11;
	_ =	sdelay $0x1  }
0x27e: {  	[tilespmem:$0x14450] =	vst v11  }
0x27f: {  	v11 =	vld.idx.msk [tilespmem:v42+s11+$0x0], $0xffff  }
0x280: {  	v44 =	vld.idx.msk [tilespmem:v43+s15+$0x0], $0xffff;
	_ =	sdelay $0x2  }
0x281: {  	v9 =	vor.u32 v7, v9  }
0x282: {  	v10 =	vor.u32 v7, v10  }
0x283: {  	v11 =	vmul.f32 v44, v11;
	_ =	sdelay $0x1  }
0x284: {  	[tilespmem:$0x14460] =	vst v11  }
0x285: {  	v9 =	vld.idx.msk [tilespmem:v9+s11+$0x0], $0xffff  }
0x286: {  	v10 =	vld.idx.msk [tilespmem:v10+s15+$0x0], $0xffff;
	_ =	sdelay $0x4  }
0x287: {  	v9 =	vmul.f32 v10, v9;
	_ =	sdelay $0x1  }
0x288: {  	[tilespmem:$0x14470] =	vst v9  }
0x289: {  	_ =	swait.ge [sflag:s26], $0x4000  }
0x28a: {  	[sflag:s26] =	ssyncset.done $0x0  }
0x28b: {  	[sflag:s26] =	ssyncadd.s32 $0xFFFFC000  }
0x28c: {  	_ =	swait.ge [sflag:s26], $0x4000  }
0x28d: {  	[sflag:s26] =	ssyncset.done $0x0  }
0x28e: {  	[sflag:s26] =	ssyncadd.s32 $0xFFFFC000  }
0x28f: {  	v9 =	vld [tilespmem:$0x1FC]  }
0x290: {  	v10 =	vld [tilespmem:$0x47C];
	_ =	sdelay $0x3  }
0x291: {  	(v2sf) =	vpush v9, $0x0  }
0x292: {  	(v2sf) =	vpush v10, $0x0;
	_ =	sdelay $0xd  }
0x293: {  	s30 =	spop (v2sf)  }
0x294: {  	s2 =	sand.u32 $0x7F, s30;
	s31 =	spop (v2sf)  }
0x295: {  	s4 =	sand.u32 $0x7F, s31;
	v11 =	vor.u32 s2, v0  }
0x296: {  	v45 =	vor.u32 s4, v0;
	_ =	sdelay $0x3  }
0x297: {  	v11 =	vld.idx.msk [tilespmem:v11+s17+$0x0], $0xffff  }
0x298: {  	v12 =	vld.idx.msk [tilespmem:v45+s21+$0x0], $0xffff;
	_ =	sdelay $0x2  }
0x299: {  	v46 =	vor.u32 s2, v1  }
0x29a: {  	v47 =	vor.u32 s4, v1  }
0x29b: {  	v11 =	vmul.f32 v12, v11;
	_ =	sdelay $0x1  }
0x29c: {  	[tilespmem:$0x14480] =	vst v11  }
0x29d: {  	v11 =	vld.idx.msk [tilespmem:v46+s17+$0x0], $0xffff  }
0x29e: {  	v9 =	vand.u32 $0x7F, v9;
	v48 =	vld.idx.msk [tilespmem:v47+s21+$0x0], $0xffff  }
0x29f: {  	v49 =	vbroadcast v9, $0x1;
	v10 =	vand.u32 $0x7F, v10  }
0x2a0: {  	v50 =	vbroadcast v10, $0x1  }
0x2a1: {  	v51 =	vor.u32 v2, v49  }
0x2a2: {  	v52 =	vor.u32 v2, v50  }
0x2a3: {  	v11 =	vmul.f32 v48, v11;
	_ =	sdelay $0x1  }
0x2a4: {  	[tilespmem:$0x14490] =	vst v11  }
0x2a5: {  	v11 =	vld.idx.msk [tilespmem:v51+s17+$0x0], $0xffff  }
0x2a6: {  	v53 =	vld.idx.msk [tilespmem:v52+s21+$0x0], $0xffff;
	_ =	sdelay $0x2  }
0x2a7: {  	v13 =	vor.u32 v3, v49  }
0x2a8: {  	v14 =	vor.u32 v3, v50  }
0x2a9: {  	v11 =	vmul.f32 v53, v11;
	_ =	sdelay $0x1  }
0x2aa: {  	[tilespmem:$0x144A0] =	vst v11  }
0x2ab: {  	v11 =	vld.idx.msk [tilespmem:v13+s17+$0x0], $0xffff  }
0x2ac: {  	v54 =	vld.idx.msk [tilespmem:v14+s21+$0x0], $0xffff  }
0x2ad: {  	v55 =	vbroadcast v9, $0x2  }
0x2ae: {  	v56 =	vbroadcast v10, $0x2  }
0x2af: {  	v57 =	vor.u32 v4, v55  }
0x2b0: {  	v58 =	vor.u32 v4, v56  }
0x2b1: {  	v11 =	vmul.f32 v54, v11;
	_ =	sdelay $0x1  }
0x2b2: {  	[tilespmem:$0x144B0] =	vst v11  }
0x2b3: {  	v11 =	vld.idx.msk [tilespmem:v57+s17+$0x0], $0xffff  }
0x2b4: {  	v59 =	vld.idx.msk [tilespmem:v58+s21+$0x0], $0xffff;
	_ =	sdelay $0x2  }
0x2b5: {  	v13 =	vor.u32 v5, v55  }
0x2b6: {  	v14 =	vor.u32 v5, v56  }
0x2b7: {  	v11 =	vmul.f32 v59, v11;
	_ =	sdelay $0x1  }
0x2b8: {  	[tilespmem:$0x144C0] =	vst v11  }
0x2b9: {  	v11 =	vld.idx.msk [tilespmem:v13+s17+$0x0], $0xffff  }
0x2ba: {  	v60 =	vld.idx.msk [tilespmem:v14+s21+$0x0], $0xffff  }
0x2bb: {  	v9 =	vbroadcast v9, $0x3  }
0x2bc: {  	v10 =	vbroadcast v10, $0x3  }
0x2bd: {  	v61 =	vor.u32 v6, v9  }
0x2be: {  	v62 =	vor.u32 v6, v10  }
0x2bf: {  	v11 =	vmul.f32 v60, v11;
	_ =	sdelay $0x1  }
0x2c0: {  	[tilespmem:$0x144D0] =	vst v11  }
0x2c1: {  	v11 =	vld.idx.msk [tilespmem:v61+s17+$0x0], $0xffff  }
0x2c2: {  	v63 =	vld.idx.msk [tilespmem:v62+s21+$0x0], $0xffff;
	_ =	sdelay $0x2  }
0x2c3: {  	v9 =	vor.u32 v7, v9  }
0x2c4: {  	v10 =	vor.u32 v7, v10  }
0x2c5: {  	v11 =	vmul.f32 v63, v11;
	_ =	sdelay $0x1  }
0x2c6: {  	[tilespmem:$0x144E0] =	vst v11  }
0x2c7: {  	v9 =	vld.idx.msk [tilespmem:v9+s17+$0x0], $0xffff  }
0x2c8: {  	v10 =	vld.idx.msk [tilespmem:v10+s21+$0x0], $0xffff;
	_ =	sdelay $0x4  }
0x2c9: {  	v9 =	vmul.f32 v10, v9;
	_ =	sdelay $0x1  }
0x2ca: {  	s5 =	rddreg [dreg:$0xa];
	s2 =	simm.s32 $0x1E0;
	s4 =	simm.s32 $0x146E0;
	[tilespmem:$0x144F0] =	vst v9  }
.LBB2_6:
0x2cb: {  	v9 =	vmov s2  }
0x2cc: {  	v9 =	vshll.u32 v9, $0x5  }
0x2cd: {  	v9 =	vor.u32 v8, v9;
	_ =	sdelay $0x1  }
0x2ce: {  	v10 =	vor.u32 $0x1, v9;
	_ =	sdelay $0x1  }
0x2cf: {  	v11 =	vor.u32 $0x2, v9  }
0x2d0: {  	v12 =	vld.idx.msk [tilespmem:v9+s28+$0x0], $0xffff  }
0x2d1: {  	v13 =	vor.u32 $0x3, v9  }
0x2d2: {  	v10 =	vld.idx.msk [tilespmem:v10+s28+$0x0], $0xffff  }
0x2d3: {  	v14 =	vor.u32 $0x4, v9  }
0x2d4: {  	v11 =	vld.idx.msk [tilespmem:v11+s28+$0x0], $0xffff  }
0x2d5: {  	v15 =	vor.u32 $0x5, v9;
	v12 =	vadd.f32 $0.0e+00, v12  }
0x2d6: {  	v13 =	vld.idx.msk [tilespmem:v13+s28+$0x0], $0xffff  }
0x2d7: {  	v43 =	vor.u32 $0x6, v9;
	v10 =	vadd.f32 v10, v12  }
0x2d8: {  	v14 =	vld.idx.msk [tilespmem:v14+s28+$0x0], $0xffff  }
0x2d9: {  	v10 =	vadd.f32 v11, v10;
	v11 =	vor.u32 $0x7, v9  }
0x2da: {  	v15 =	vld.idx.msk [tilespmem:v15+s28+$0x0], $0xffff  }
0x2db: {  	v44 =	vor.u32 $0x8, v9;
	v10 =	vadd.f32 v13, v10  }
0x2dc: {  	v12 =	vld.idx.msk [tilespmem:v43+s28+$0x0], $0xffff  }
0x2dd: {  	v45 =	vor.u32 $0x9, v9;
	v10 =	vadd.f32 v14, v10  }
0x2de: {  	v11 =	vld.idx.msk [tilespmem:v11+s28+$0x0], $0xffff  }
0x2df: {  	v46 =	vor.u32 $0xA, v9;
	v10 =	vadd.f32 v15, v10  }
0x2e0: {  	v13 =	vld.idx.msk [tilespmem:v44+s28+$0x0], $0xffff  }
0x2e1: {  	v47 =	vor.u32 $0xB, v9;
	v10 =	vadd.f32 v12, v10  }
0x2e2: {  	v14 =	vld.idx.msk [tilespmem:v45+s28+$0x0], $0xffff  }
0x2e3: {  	v10 =	vadd.f32 v11, v10;
	v11 =	vor.u32 $0xC, v9  }
0x2e4: {  	v15 =	vld.idx.msk [tilespmem:v46+s28+$0x0], $0xffff  }
0x2e5: {  	v48 =	vor.u32 $0xD, v9;
	v10 =	vadd.f32 v13, v10  }
0x2e6: {  	v12 =	vld.idx.msk [tilespmem:v47+s28+$0x0], $0xffff  }
0x2e7: {  	v49 =	vor.u32 $0xE, v9;
	v10 =	vadd.f32 v14, v10  }
0x2e8: {  	v11 =	vld.idx.msk [tilespmem:v11+s28+$0x0], $0xffff  }
0x2e9: {  	v50 =	vor.u32 $0xF, v9;
	v10 =	vadd.f32 v15, v10  }
0x2ea: {  	v13 =	vld.idx.msk [tilespmem:v48+s28+$0x0], $0xffff  }
0x2eb: {  	v51 =	vor.u32 $0x10, v9;
	v10 =	vadd.f32 v12, v10  }
0x2ec: {  	v14 =	vld.idx.msk [tilespmem:v49+s28+$0x0], $0xffff  }
0x2ed: {  	v10 =	vadd.f32 v11, v10;
	v11 =	vor.u32 $0x11, v9  }
0x2ee: {  	v15 =	vld.idx.msk [tilespmem:v50+s28+$0x0], $0xffff  }
0x2ef: {  	v52 =	vor.u32 $0x12, v9;
	v10 =	vadd.f32 v13, v10  }
0x2f0: {  	v12 =	vld.idx.msk [tilespmem:v51+s28+$0x0], $0xffff  }
0x2f1: {  	v53 =	vor.u32 $0x13, v9;
	v10 =	vadd.f32 v14, v10  }
0x2f2: {  	v11 =	vld.idx.msk [tilespmem:v11+s28+$0x0], $0xffff  }
0x2f3: {  	v54 =	vor.u32 $0x14, v9;
	v10 =	vadd.f32 v15, v10  }
0x2f4: {  	v13 =	vld.idx.msk [tilespmem:v52+s28+$0x0], $0xffff  }
0x2f5: {  	v55 =	vor.u32 $0x15, v9;
	v10 =	vadd.f32 v12, v10  }
0x2f6: {  	v14 =	vld.idx.msk [tilespmem:v53+s28+$0x0], $0xffff  }
0x2f7: {  	v10 =	vadd.f32 v11, v10;
	v11 =	vor.u32 $0x16, v9  }
0x2f8: {  	v15 =	vld.idx.msk [tilespmem:v54+s28+$0x0], $0xffff  }
0x2f9: {  	v56 =	vor.u32 $0x17, v9;
	v10 =	vadd.f32 v13, v10  }
0x2fa: {  	v12 =	vld.idx.msk [tilespmem:v55+s28+$0x0], $0xffff  }
0x2fb: {  	v57 =	vor.u32 $0x18, v9;
	v10 =	vadd.f32 v14, v10  }
0x2fc: {  	v11 =	vld.idx.msk [tilespmem:v11+s28+$0x0], $0xffff  }
0x2fd: {  	v58 =	vor.u32 $0x19, v9;
	v10 =	vadd.f32 v15, v10  }
0x2fe: {  	v13 =	vld.idx.msk [tilespmem:v56+s28+$0x0], $0xffff  }
0x2ff: {  	v59 =	vor.u32 $0x1A, v9;
	v10 =	vadd.f32 v12, v10  }
0x300: {  	v14 =	vld.idx.msk [tilespmem:v57+s28+$0x0], $0xffff  }
0x301: {  	v10 =	vadd.f32 v11, v10;
	v11 =	vor.u32 $0x1B, v9  }
0x302: {  	v15 =	vld.idx.msk [tilespmem:v58+s28+$0x0], $0xffff  }
0x303: {  	v60 =	vor.u32 $0x1C, v9;
	v10 =	vadd.f32 v13, v10  }
0x304: {  	v12 =	vld.idx.msk [tilespmem:v59+s28+$0x0], $0xffff  }
0x305: {  	v61 =	vor.u32 $0x1D, v9;
	v10 =	vadd.f32 v14, v10  }
0x306: {  	v11 =	vld.idx.msk [tilespmem:v11+s28+$0x0], $0xffff  }
0x307: {  	v62 =	vor.u32 $0x1E, v9;
	v10 =	vadd.f32 v15, v10  }
0x308: {  	v13 =	vld.idx.msk [tilespmem:v60+s28+$0x0], $0xffff  }
0x309: {  	v9 =	vor.u32 $0x1F, v9;
	v10 =	vadd.f32 v12, v10  }
0x30a: {  	v63 =	vld.idx.msk [tilespmem:v61+s28+$0x0], $0xffff  }
0x30b: {  	v10 =	vadd.f32 v11, v10  }
0x30c: {  	v11 =	vld.idx.msk [tilespmem:v62+s28+$0x0], $0xffff  }
0x30d: {  	v10 =	vadd.f32 v13, v10  }
0x30e: {  	v9 =	vld.idx.msk [tilespmem:v9+s28+$0x0], $0xffff  }
0x30f: {  	v10 =	vadd.f32 v63, v10  }
0x310: {  	p0 =	sne.s32 s2, $0x1F0  }
.Ltmp4:
0x311: {  	v10 =	vadd.f32 v11, v10;
	(pc) =	sbr.rel @p0 .LBB2_6-.Ltmp4, $3  }
0x312: {  	_ = 	snop  }
0x313: {  	v9 =	vadd.f32 v9, v10;
	_ =	sdelay $0x1  }
0x314: {  	s2 =	sadd.s32 $0x10, s2;
	[tilespmem:s4+$0x0] =	vst v9;
	s4 =	sadd.s32 $0x10, s4  }
0x315: {  	s2 =	rddreg [dreg:$0x8];
	s4 =	simm.s32 $0x14500  }
0x316: {  	[hbm4b:s2+s3] =	stream.linear.scatter [tilespmem:s4], [sflag:$0x3], $0x200, $0x38;
	[tilespmem:$0x14700] =	vst v63  }
0x317: {  	s4 =	simm.s32 $0x3  }
0x318: {  	_ =	swait.ge [sflag:s4], $0x200  }
0x319: {  	s5 =	sadd.s32 $0x1, s5;
	s31 =	rddreg [dreg:$0x9]  }
0x31a: {  	p0 =	sne.s32 s5, s31  }
.Ltmp5:
0x31b: {  	_ = 	snop;
	(pc) =	sbr.rel @p0 .LBB2_1-.Ltmp5, $3  }
0x31c: {  	_ =	sdelay $0x1  }
0x31d: {  	[sflag:s4] =	ssyncset.done $0x0  }
0x31e: {  	[sflag:s4] =	ssyncadd.s32 $0xFFFFFE00  }
0x31f: {  	_ =	sfence.sel $0x180000  }
0x320: {  	[bflag:$0x0] =	sbarrier.arrive $0xFFFF  }
0x321: {  	_ =	strace $0x90000047  }
0x322: {  	s0 =	stileid.u32;
	[bflag:$0x2] =	sbarrier.arrive $0xFFFF  }
0x323: {  	p0 =	sne.s32 s0, $0x0;
	s0 =	rddreg [dreg:$0x5]  }
0x324: {  	s0 =	sadd.s32 @!p0 $0x100000, s0  }
0x325: {  	[sflag:s0] =	ssyncadd.tile.s32 @!p0 $0x1;
	_ =	shalt  }
.Lfunc_end2:
_tile_overlayer_lowered:
.L_overlay_start_2:
0x326: {  	(tag) =	ssettag $0x2  }
0x327: {  	s0 =	rddreg [dreg:$0x0];
	s2 =	stileid.u32  }
0x328: {  	s1 =	rddreg [dreg:$0x1];
	p0 =	sne.s32 s2, $0x0  }
0x329: {  	s3 =	rddreg [dreg:$0x2];
	[bflag:$0x3] =	sbarrier.arrive $0xFFFF;
	s2 =	simm.s32 @!p0 $0x1C03  }
0x32a: {  	[timem:s3], [sflag:s2] =	dma.local @!p0 [hbm:s0], s1  }
0x32b: {  	s0 =	simm.s32 @!p0 $0x3  }
0x32c: {  	_ =	swait.ge @!p0 [sflag:s0], s1  }
0x32d: {  	s1 =	ssub.s32 @!p0 $0x0, s1;
	[sflag:s0] =	ssyncset.done @!p0 $0x0  }
0x32e: {  	[sflag:s0] =	ssyncadd.s32 @!p0 s1  }
0x32f: {  	[bflag:$0x3] =	sbarrier.arrive $0xFFFF  }
0x330: {  	_ =	shalt  }

</sc_bundles>
